<compile_context>
chip_gen: v7x
topology: tpu7x:2x2x1
jax: 0.10.2.dev20260603
libtpu: 0.0.44.dev20260713+nightly
codegen_flags: <defaults>
</compile_context>

<pallas_src>
import jax
import jax.numpy as jnp
from jax import lax
from jax.experimental import pallas as pl
from jax.experimental.pallas import tpu as pltpu
from jax.experimental.pallas import tpu_sc as plsc

N_DIM = 32
N_BIN = 32
N_NODE = N_BIN + 1
N_FP = 2 * N_BIN + 1
EPS_MIN = 1e-06
EPS_MAX = 1.0 - EPS_MIN
L = 16
NC = 2
NS = 16
NW = NC * NS
NPAR = N_DIM // L


def _spline_body(
    x_hbm, xnt_hbm, fpt_hbm, f_hbm, t_hbm, xin_v, xnt_v, fpt_v, f_v, t_v, sem
):
    rows = x_hbm.shape[0] // NW
    wid = lax.axis_index("c") * NS + lax.axis_index("s")
    base = wid * rows

    d1 = pltpu.async_copy(x_hbm.at[pl.ds(base, rows), pl.ds(0, N_DIM)], xin_v, sem)
    d2 = pltpu.async_copy(xnt_hbm, xnt_v, sem)
    d3 = pltpu.async_copy(fpt_hbm, fpt_v, sem)
    d1.wait()
    d2.wait()
    d3.wait()

    iota = lax.iota(jnp.int32, L)
    niotas = [iota + g * N_NODE * L for g in range(NPAR)]
    fiotas = [iota + g * N_FP * L for g in range(NPAR)]
    ntree = []
    for g in range(NPAR):
        gb = g * N_NODE * L
        ntree.append({j: xnt_v[pl.ds(gb + j * L, L)] for j in (16, 8, 24, 4, 12, 20, 28)})

    def do_group(row, g):
        niota = niotas[g]
        fiota = fiotas[g]
        tr = ntree[g]
        x = xin_v[row, pl.ds(g * L, L)]
        xc = jnp.minimum(jnp.maximum(x, EPS_MIN), EPS_MAX)
        c1 = tr[16] < xc
        spos = jnp.where(c1, 16 * L, 0)
        nv = jnp.where(c1, tr[24], tr[8])
        c2 = nv < xc
        spos = jnp.where(c2, spos + 8 * L, spos)
        nv = jnp.where(c1, jnp.where(c2, tr[28], tr[20]), jnp.where(c2, tr[12], tr[4]))
        c3 = nv < xc
        spos = jnp.where(c3, spos + 4 * L, spos)
        for dl in (2 * L, L):
            probe = spos + dl
            nv = plsc.load_gather(xnt_v, [probe + niota])
            spos = jnp.where(nv < xc, probe, spos)
        n0i = spos + niota
        xn0 = plsc.load_gather(xnt_v, [n0i])
        xn1 = plsc.load_gather(xnt_v, [n0i + L])
        w0i = spos + fiota
        w0 = plsc.load_gather(fpt_v, [w0i])
        w2 = plsc.load_gather(fpt_v, [w0i + L])
        w1 = plsc.load_gather(fpt_v, [w0i + N_NODE * L])
        d = xn1 - xn0
        r = 1.0 / d
        r = r * (2.0 - d * r)
        t = (xc - xn0) * r
        w14 = 4.0 * w1
        a = w14 - 3.0 * w0 - w2
        s2 = w0 + w2
        b = (s2 + s2) - w14
        f = w0 + t * (a + t * b)
        t_v[row, pl.ds(g * L, L)] = t
        f_v[row, pl.ds(g * L, L)] = f

    @plsc.parallel_loop(0, rows, step=4)
    def _row_loop(row):
        for rr in range(4):
            for g in range(NPAR):
                do_group(row + rr, g)

    o1 = pltpu.async_copy(f_v, f_hbm.at[pl.ds(base, rows), pl.ds(0, N_DIM)], sem)
    o2 = pltpu.async_copy(t_v, t_hbm.at[pl.ds(base, rows), pl.ds(0, N_DIM)], sem)
    o1.wait()
    o2.wait()


def kernel(x_in, x_node, f_params):
    batch, n_dim = x_in.shape
    rows = batch // NW
    xnt = x_node.reshape(NPAR, L, N_NODE).transpose(0, 2, 1).reshape(-1)
    fpt = f_params.reshape(NPAR, L, N_FP).transpose(0, 2, 1).reshape(-1)
    mesh = plsc.VectorSubcoreMesh(
        core_axis_name="c", subcore_axis_name="s", num_cores=NC, num_subcores=NS
    )
    x128 = jnp.pad(x_in, ((0, 0), (0, 128 - n_dim)))
    f128, t128 = pl.kernel(
        _spline_body,
        out_type=(
            jax.ShapeDtypeStruct((batch, 128), jnp.float32),
            jax.ShapeDtypeStruct((batch, 128), jnp.float32),
        ),
        mesh=mesh,
        compiler_params=pltpu.CompilerParams(
            needs_layout_passes=False, use_tc_tiling_on_sc=False
        ),
        scratch_types=[
            pltpu.VMEM((rows, n_dim), jnp.float32),
            pltpu.VMEM((xnt.size,), jnp.float32),
            pltpu.VMEM((fpt.size,), jnp.float32),
            pltpu.VMEM((rows, n_dim), jnp.float32),
            pltpu.VMEM((rows, n_dim), jnp.float32),
            pltpu.SemaphoreType.DMA,
        ],
    )(x128, xnt, fpt)
    return f128[:, :n_dim], t128[:, :n_dim]

# --- scband reference (transcript-rebuilt; emitter-appended) ---
"""Pipeline reference for scband-quadratic-spline-16544214024507 (READ-ONLY COPY).

The authoritative reference and input builder live on the scoring server;
editing this copy changes nothing except your own understanding.
"""

import jax, jax.numpy as jnp
import numpy as np

N_DIM = 32
N_BIN = 32
BATCH = 16384
EPS_MIN = 1e-06
EPS_MAX = 1.0 - EPS_MIN


def base_vector(x_in, degree):
    if x_in.ndim == 1:
        x_in = x_in.reshape(-1, 1)
    vec = jnp.repeat(x_in[..., None], degree + 1, axis=-1)
    vec = vec.at[..., 0].set(1.0)
    if degree == 1:
        return vec
    return jnp.cumprod(vec, axis=-1)


def compute_coeff():
    xl_base = jnp.linspace(0.0, 1.0, 3)
    mat = base_vector(xl_base, 2)[:, 0, :]
    return jnp.linalg.inv(mat)


def setup_inputs(seed: int = 0) -> dict:
    key = jax.random.key(seed)
    k1, k2, k3 = jax.random.split(key, 3)
    x_in = jax.random.uniform(k1, (BATCH, N_DIM), dtype=jnp.float32)
    # x_node must be sorted along the last dim and span [0, 1] so every
    # clamped x_in falls strictly inside a bin (inds_0 >= 0, inds_1 <= N_BIN).
    x_node = jnp.sort(jax.random.uniform(k2, (N_DIM, N_BIN + 1), dtype=jnp.float32), axis=-1)
    x_node = x_node.at[:, 0].set(0.0).at[:, -1].set(1.0)
    f_params = jax.random.normal(k3, (N_DIM, 2 * N_BIN + 1), dtype=jnp.float32)
    return {"x_in": x_in, "x_node": x_node, "f_params": f_params}


def reference(x_in, x_node, f_params):
    coeff = compute_coeff()
    batch = x_in.shape[0]
    x = jnp.clip(x_in, EPS_MIN, EPS_MAX)
    # repeat x_node over batch (torch: x_node.repeat(batch, 1, 1))
    xn = jnp.broadcast_to(x_node[None, :, :], (batch, N_DIM, N_BIN + 1))
    # torch.searchsorted side='left': count of elements strictly less than x
    inds_1 = jnp.sum(xn < x[..., None], axis=-1, keepdims=True)  # [B, n_dim, 1]
    inds_0 = inds_1 - 1
    xn_0 = jnp.take_along_axis(xn, inds_0, axis=2)[..., 0]
    xn_1 = jnp.take_along_axis(xn, inds_1, axis=2)[..., 0]
    x_local = (x - xn_0) / (xn_1 - xn_0)
    # _derive_f_params: f_params[..., None] repeated over batch
    fp = jnp.broadcast_to(f_params[None, :, :, None], (batch, N_DIM, 2 * N_BIN + 1, 1))
    f_node = fp[..., : N_BIN + 1, :]
    f_0 = fp[..., N_BIN + 1 :, :]
    fp3 = jnp.concatenate([f_node[..., :-1, :], f_0, f_node[..., 1:, :]], axis=-1)  # [B, n_dim, n_bin, 3]
    # gather(f_params, inds_0): weights[b, d] = fp3[b, d, inds_0[b, d], :]
    weights = jnp.take_along_axis(fp3, inds_0[..., None], axis=2)[:, :, 0, :]
    basis = jnp.matmul(base_vector(x_local, 2), coeff)
    f_out = jnp.sum(basis * weights, axis=-1)
    return (f_out, x_local)

if __name__ == "__main__":
    import jax
    _d = setup_inputs()
    print(jax.jit(kernel)(*tuple(_d.values())))

</pallas_src>

<mosaic_0001>
#map = affine_map<(d0, d1) -> (0, 0)>
#map1 = affine_map<(d0, d1) -> (0)>
module attributes {stable_mosaic.version = 14 : i64} {
  func.func @_spline_body(%arg0: i32, %arg1: i32, %arg2: memref<16384x128xf32, #tpu.memory_space<hbm>>, %arg3: memref<1056xf32, #tpu.memory_space<hbm>>, %arg4: memref<2080xf32, #tpu.memory_space<hbm>>, %arg5: memref<16384x128xf32, #tpu.memory_space<hbm>>, %arg6: memref<16384x128xf32, #tpu.memory_space<hbm>>, %arg7: memref<512x32xf32, #tpu.memory_space<vmem>>, %arg8: memref<1056xf32, #tpu.memory_space<vmem>>, %arg9: memref<2080xf32, #tpu.memory_space<vmem>>, %arg10: memref<512x32xf32, #tpu.memory_space<vmem>>, %arg11: memref<512x32xf32, #tpu.memory_space<vmem>>, %arg12: memref<!tpu.dma_semaphore, #tpu.memory_space<semaphore_mem>>) attributes {dimension_semantics = [#tpu.dimension_semantics<core_parallel>, #tpu.dimension_semantics<subcore_parallel>], iteration_bounds = array<i64: 2, 16>, scalar_prefetch = 0 : i64, scratch_operands = 6 : i64, tpu.core_type = #tpu.core_type<sc_vector_subcore>, window_params = [{transform_indices = #map}, {transform_indices = #map1}, {transform_indices = #map1}, {transform_indices = #map}, {transform_indices = #map}]} {
    %mul3A = arith.constant 16 : i32
    %mul3A_0 = arith.muli %arg0, %mul3A : i32
    %add3A = arith.addi %mul3A_0, %arg1 : i32
    %mul3A_1 = arith.constant 512 : i32
    %mul3A_2 = arith.muli %add3A, %mul3A_1 : i32
    %dma_start3A = arith.constant 0 : i32
    %dma_start3A_3 = tpu.memref_slice %arg2[%mul3A_2, %dma_start3A] : memref<16384x128xf32, #tpu.memory_space<hbm>> -> memref<512x32xf32, #tpu.memory_space<hbm>>
    %dma_start3A_4 = arith.constant 0 : i32
    %dma_start3A_5 = tpu.memref_slice %arg2[%mul3A_2, %dma_start3A_4] : memref<16384x128xf32, #tpu.memory_space<hbm>> -> memref<512x32xf32, #tpu.memory_space<hbm>>
    tpu.enqueue_dma source(%dma_start3A_5 : memref<512x32xf32, #tpu.memory_space<hbm>>) target(%arg7 : memref<512x32xf32, #tpu.memory_space<vmem>>) target_semaphore(%arg12 : memref<!tpu.dma_semaphore, #tpu.memory_space<semaphore_mem>>)
    tpu.enqueue_dma source(%arg3 : memref<1056xf32, #tpu.memory_space<hbm>>) target(%arg8 : memref<1056xf32, #tpu.memory_space<vmem>>) target_semaphore(%arg12 : memref<!tpu.dma_semaphore, #tpu.memory_space<semaphore_mem>>)
    tpu.enqueue_dma source(%arg4 : memref<2080xf32, #tpu.memory_space<hbm>>) target(%arg9 : memref<2080xf32, #tpu.memory_space<vmem>>) target_semaphore(%arg12 : memref<!tpu.dma_semaphore, #tpu.memory_space<semaphore_mem>>)
    %dma_wait3A = arith.constant 0 : i32
    %dma_wait3A_6 = tpu.memref_slice %arg2[%mul3A_2, %dma_wait3A] : memref<16384x128xf32, #tpu.memory_space<hbm>> -> memref<512x32xf32, #tpu.memory_space<hbm>>
    %dma_wait3A_7 = arith.constant 0 : i32
    %dma_wait3A_8 = tpu.memref_slice %arg2[%mul3A_2, %dma_wait3A_7] : memref<16384x128xf32, #tpu.memory_space<hbm>> -> memref<512x32xf32, #tpu.memory_space<hbm>>
    tpu.wait_dma2 semaphore(%arg12 : memref<!tpu.dma_semaphore, #tpu.memory_space<semaphore_mem>>) src(%dma_wait3A_8 : memref<512x32xf32, #tpu.memory_space<hbm>>) dst(%arg7 : memref<512x32xf32, #tpu.memory_space<vmem>>)
    tpu.wait_dma2 semaphore(%arg12 : memref<!tpu.dma_semaphore, #tpu.memory_space<semaphore_mem>>) src(%arg3 : memref<1056xf32, #tpu.memory_space<hbm>>) dst(%arg8 : memref<1056xf32, #tpu.memory_space<vmem>>)
    tpu.wait_dma2 semaphore(%arg12 : memref<!tpu.dma_semaphore, #tpu.memory_space<semaphore_mem>>) src(%arg4 : memref<2080xf32, #tpu.memory_space<hbm>>) dst(%arg9 : memref<2080xf32, #tpu.memory_space<vmem>>)
    %iota3A = tpu.iota {dimensions = array<i32: 0>} : vector<16xi32>
    %add3A_9 = arith.constant 0 : i32
    %add3A_10 = vector.broadcast %add3A_9 : i32 to vector<16xi32>
    %add3A_11 = arith.addi %iota3A, %add3A_10 : vector<16xi32>
    %add3A_12 = arith.constant 528 : i32
    %add3A_13 = vector.broadcast %add3A_12 : i32 to vector<16xi32>
    %add3A_14 = arith.addi %iota3A, %add3A_13 : vector<16xi32>
    %add3A_15 = arith.constant 0 : i32
    %add3A_16 = vector.broadcast %add3A_15 : i32 to vector<16xi32>
    %add3A_17 = arith.addi %iota3A, %add3A_16 : vector<16xi32>
    %add3A_18 = arith.constant 1040 : i32
    %add3A_19 = vector.broadcast %add3A_18 : i32 to vector<16xi32>
    %add3A_20 = arith.addi %iota3A, %add3A_19 : vector<16xi32>
    %get3A = arith.constant 256 : index
    %get3A_21 = tpu.vector_load %arg8[%get3A] {strides = array<i32>} : memref<1056xf32, #tpu.memory_space<vmem>>, vector<16xf32>,
    %get3A_22 = arith.constant 128 : index
    %get3A_23 = tpu.vector_load %arg8[%get3A_22] {strides = array<i32>} : memref<1056xf32, #tpu.memory_space<vmem>>, vector<16xf32>,
    %get3A_24 = arith.constant 384 : index
    %get3A_25 = tpu.vector_load %arg8[%get3A_24] {strides = array<i32>} : memref<1056xf32, #tpu.memory_space<vmem>>, vector<16xf32>,
    %get3A_26 = arith.constant 64 : index
    %get3A_27 = tpu.vector_load %arg8[%get3A_26] {strides = array<i32>} : memref<1056xf32, #tpu.memory_space<vmem>>, vector<16xf32>,
    %get3A_28 = arith.constant 192 : index
    %get3A_29 = tpu.vector_load %arg8[%get3A_28] {strides = array<i32>} : memref<1056xf32, #tpu.memory_space<vmem>>, vector<16xf32>,
    %get3A_30 = arith.constant 320 : index
    %get3A_31 = tpu.vector_load %arg8[%get3A_30] {strides = array<i32>} : memref<1056xf32, #tpu.memory_space<vmem>>, vector<16xf32>,
    %get3A_32 = arith.constant 448 : index
    %get3A_33 = tpu.vector_load %arg8[%get3A_32] {strides = array<i32>} : memref<1056xf32, #tpu.memory_space<vmem>>, vector<16xf32>,
    %get3A_34 = arith.constant 784 : index
    %get3A_35 = tpu.vector_load %arg8[%get3A_34] {strides = array<i32>} : memref<1056xf32, #tpu.memory_space<vmem>>, vector<16xf32>,
    %get3A_36 = arith.constant 656 : index
    %get3A_37 = tpu.vector_load %arg8[%get3A_36] {strides = array<i32>} : memref<1056xf32, #tpu.memory_space<vmem>>, vector<16xf32>,
    %get3A_38 = arith.constant 912 : index
    %get3A_39 = tpu.vector_load %arg8[%get3A_38] {strides = array<i32>} : memref<1056xf32, #tpu.memory_space<vmem>>, vector<16xf32>,
    %get3A_40 = arith.constant 592 : index
    %get3A_41 = tpu.vector_load %arg8[%get3A_40] {strides = array<i32>} : memref<1056xf32, #tpu.memory_space<vmem>>, vector<16xf32>,
    %get3A_42 = arith.constant 720 : index
    %get3A_43 = tpu.vector_load %arg8[%get3A_42] {strides = array<i32>} : memref<1056xf32, #tpu.memory_space<vmem>>, vector<16xf32>,
    %get3A_44 = arith.constant 848 : index
    %get3A_45 = tpu.vector_load %arg8[%get3A_44] {strides = array<i32>} : memref<1056xf32, #tpu.memory_space<vmem>>, vector<16xf32>,
    %get3A_46 = arith.constant 976 : index
    %get3A_47 = tpu.vector_load %arg8[%get3A_46] {strides = array<i32>} : memref<1056xf32, #tpu.memory_space<vmem>>, vector<16xf32>,
    %parallel_loop3A = arith.constant 0 : i32
    %parallel_loop3A_48 = arith.constant 512 : i32
    %parallel_loop3A_49 = arith.constant 4 : i32
    scf.for %parallel_loop3A_66 = %parallel_loop3A to %parallel_loop3A_48 step %parallel_loop3A_49  : i32 {
      %parallel_loop3A_67 = arith.constant 0 : i32
      %parallel_loop3A_68 = arith.addi %parallel_loop3A_66, %parallel_loop3A_67 : i32
      %parallel_loop3A_69 = arith.index_cast %parallel_loop3A_68 : i32 to index
      %parallel_loop3A_70 = arith.constant 0 : index
      %parallel_loop3A_71 = tpu.vector_load %arg7[%parallel_loop3A_69, %parallel_loop3A_70] {strides = array<i32>} : memref<512x32xf32, #tpu.memory_space<vmem>>, vector<16xf32>,
      %parallel_loop3A_72 = arith.constant 9.99999997E-7 : f32
      %parallel_loop3A_73 = vector.broadcast %parallel_loop3A_72 : f32 to vector<16xf32>
      %parallel_loop3A_74 = arith.maximumf %parallel_loop3A_71, %parallel_loop3A_73 : vector<16xf32>
      %parallel_loop3A_75 = arith.constant 0.999998986 : f32
      %parallel_loop3A_76 = vector.broadcast %parallel_loop3A_75 : f32 to vector<16xf32>
      %parallel_loop3A_77 = arith.minimumf %parallel_loop3A_74, %parallel_loop3A_76 : vector<16xf32>
      %parallel_loop3A_78 = arith.cmpf olt, %get3A_21, %parallel_loop3A_77 : vector<16xf32>
      %parallel_loop3A_79 = arith.constant 256 : i32
      %parallel_loop3A_80 = arith.constant 0 : i32
      %parallel_loop3A_81 = vector.broadcast %parallel_loop3A_79 : i32 to vector<16xi32>
      %parallel_loop3A_82 = vector.broadcast %parallel_loop3A_80 : i32 to vector<16xi32>
      %parallel_loop3A_83 = arith.select %parallel_loop3A_78, %parallel_loop3A_81, %parallel_loop3A_82 : vector<16xi1>, vector<16xi32>
      %parallel_loop3A_84 = arith.select %parallel_loop3A_78, %get3A_25, %get3A_23 : vector<16xi1>, vector<16xf32>
      %parallel_loop3A_85 = arith.cmpf olt, %parallel_loop3A_84, %parallel_loop3A_77 : vector<16xf32>
      %parallel_loop3A_86 = arith.constant 128 : i32
      %parallel_loop3A_87 = vector.broadcast %parallel_loop3A_86 : i32 to vector<16xi32>
      %parallel_loop3A_88 = arith.addi %parallel_loop3A_83, %parallel_loop3A_87 : vector<16xi32>
      %parallel_loop3A_89 = arith.select %parallel_loop3A_85, %parallel_loop3A_88, %parallel_loop3A_83 : vector<16xi1>, vector<16xi32>
      %parallel_loop3A_90 = arith.select %parallel_loop3A_85, %get3A_33, %get3A_31 : vector<16xi1>, vector<16xf32>
      %parallel_loop3A_91 = arith.select %parallel_loop3A_85, %get3A_29, %get3A_27 : vector<16xi1>, vector<16xf32>
      %parallel_loop3A_92 = arith.select %parallel_loop3A_78, %parallel_loop3A_90, %parallel_loop3A_91 : vector<16xi1>, vector<16xf32>
      %parallel_loop3A_93 = arith.cmpf olt, %parallel_loop3A_92, %parallel_loop3A_77 : vector<16xf32>
      %parallel_loop3A_94 = arith.constant 64 : i32
      %parallel_loop3A_95 = vector.broadcast %parallel_loop3A_94 : i32 to vector<16xi32>
      %parallel_loop3A_96 = arith.addi %parallel_loop3A_89, %parallel_loop3A_95 : vector<16xi32>
      %parallel_loop3A_97 = arith.select %parallel_loop3A_93, %parallel_loop3A_96, %parallel_loop3A_89 : vector<16xi1>, vector<16xi32>
      %parallel_loop3A_98 = arith.constant 32 : i32
      %parallel_loop3A_99 = vector.broadcast %parallel_loop3A_98 : i32 to vector<16xi32>
      %parallel_loop3A_100 = arith.addi %parallel_loop3A_97, %parallel_loop3A_99 : vector<16xi32>
      %parallel_loop3A_101 = arith.addi %parallel_loop3A_100, %add3A_11 : vector<16xi32>
      %parallel_loop3A_102 = tpu.vector_load_idx %arg8[%parallel_loop3A_101] : memref<1056xf32, #tpu.memory_space<vmem>>[vector<16xi32>], vector<16xf32>,
      %parallel_loop3A_103 = arith.cmpf olt, %parallel_loop3A_102, %parallel_loop3A_77 : vector<16xf32>
      %parallel_loop3A_104 = arith.select %parallel_loop3A_103, %parallel_loop3A_100, %parallel_loop3A_97 : vector<16xi1>, vector<16xi32>
      %parallel_loop3A_105 = arith.constant 16 : i32
      %parallel_loop3A_106 = vector.broadcast %parallel_loop3A_105 : i32 to vector<16xi32>
      %parallel_loop3A_107 = arith.addi %parallel_loop3A_104, %parallel_loop3A_106 : vector<16xi32>
      %parallel_loop3A_108 = arith.addi %parallel_loop3A_107, %add3A_11 : vector<16xi32>
      %parallel_loop3A_109 = tpu.vector_load_idx %arg8[%parallel_loop3A_108] : memref<1056xf32, #tpu.memory_space<vmem>>[vector<16xi32>], vector<16xf32>,
      %parallel_loop3A_110 = arith.cmpf olt, %parallel_loop3A_109, %parallel_loop3A_77 : vector<16xf32>
      %parallel_loop3A_111 = arith.select %parallel_loop3A_110, %parallel_loop3A_107, %parallel_loop3A_104 : vector<16xi1>, vector<16xi32>
      %parallel_loop3A_112 = arith.addi %parallel_loop3A_111, %add3A_11 : vector<16xi32>
      %parallel_loop3A_113 = tpu.vector_load_idx %arg8[%parallel_loop3A_112] : memref<1056xf32, #tpu.memory_space<vmem>>[vector<16xi32>], vector<16xf32>,
      %parallel_loop3A_114 = arith.constant 16 : i32
      %parallel_loop3A_115 = vector.broadcast %parallel_loop3A_114 : i32 to vector<16xi32>
      %parallel_loop3A_116 = arith.addi %parallel_loop3A_112, %parallel_loop3A_115 : vector<16xi32>
      %parallel_loop3A_117 = tpu.vector_load_idx %arg8[%parallel_loop3A_116] : memref<1056xf32, #tpu.memory_space<vmem>>[vector<16xi32>], vector<16xf32>,
      %parallel_loop3A_118 = arith.addi %parallel_loop3A_111, %add3A_17 : vector<16xi32>
      %parallel_loop3A_119 = tpu.vector_load_idx %arg9[%parallel_loop3A_118] : memref<2080xf32, #tpu.memory_space<vmem>>[vector<16xi32>], vector<16xf32>,
      %parallel_loop3A_120 = arith.constant 16 : i32
      %parallel_loop3A_121 = vector.broadcast %parallel_loop3A_120 : i32 to vector<16xi32>
      %parallel_loop3A_122 = arith.addi %parallel_loop3A_118, %parallel_loop3A_121 : vector<16xi32>
      %parallel_loop3A_123 = tpu.vector_load_idx %arg9[%parallel_loop3A_122] : memref<2080xf32, #tpu.memory_space<vmem>>[vector<16xi32>], vector<16xf32>,
      %parallel_loop3A_124 = arith.constant 528 : i32
      %parallel_loop3A_125 = vector.broadcast %parallel_loop3A_124 : i32 to vector<16xi32>
      %parallel_loop3A_126 = arith.addi %parallel_loop3A_118, %parallel_loop3A_125 : vector<16xi32>
      %parallel_loop3A_127 = tpu.vector_load_idx %arg9[%parallel_loop3A_126] : memref<2080xf32, #tpu.memory_space<vmem>>[vector<16xi32>], vector<16xf32>,
      %parallel_loop3A_128 = arith.subf %parallel_loop3A_117, %parallel_loop3A_113 : vector<16xf32>
      %parallel_loop3A_129 = arith.constant 1.000000e+00 : f32
      %parallel_loop3A_130 = vector.broadcast %parallel_loop3A_129 : f32 to vector<16xf32>
      %parallel_loop3A_131 = arith.divf %parallel_loop3A_130, %parallel_loop3A_128 : vector<16xf32>
      %parallel_loop3A_132 = arith.mulf %parallel_loop3A_128, %parallel_loop3A_131 : vector<16xf32>
      %parallel_loop3A_133 = arith.constant 2.000000e+00 : f32
      %parallel_loop3A_134 = vector.broadcast %parallel_loop3A_133 : f32 to vector<16xf32>
      %parallel_loop3A_135 = arith.subf %parallel_loop3A_134, %parallel_loop3A_132 : vector<16xf32>
      %parallel_loop3A_136 = arith.mulf %parallel_loop3A_131, %parallel_loop3A_135 : vector<16xf32>
      %parallel_loop3A_137 = arith.subf %parallel_loop3A_77, %parallel_loop3A_113 : vector<16xf32>
      %parallel_loop3A_138 = arith.mulf %parallel_loop3A_137, %parallel_loop3A_136 : vector<16xf32>
      %parallel_loop3A_139 = arith.constant 4.000000e+00 : f32
      %parallel_loop3A_140 = vector.broadcast %parallel_loop3A_139 : f32 to vector<16xf32>
      %parallel_loop3A_141 = arith.mulf %parallel_loop3A_140, %parallel_loop3A_127 : vector<16xf32>
      %parallel_loop3A_142 = arith.constant 3.000000e+00 : f32
      %parallel_loop3A_143 = vector.broadcast %parallel_loop3A_142 : f32 to vector<16xf32>
      %parallel_loop3A_144 = arith.mulf %parallel_loop3A_143, %parallel_loop3A_119 : vector<16xf32>
      %parallel_loop3A_145 = arith.subf %parallel_loop3A_141, %parallel_loop3A_144 : vector<16xf32>
      %parallel_loop3A_146 = arith.subf %parallel_loop3A_145, %parallel_loop3A_123 : vector<16xf32>
      %parallel_loop3A_147 = arith.addf %parallel_loop3A_119, %parallel_loop3A_123 : vector<16xf32>
      %parallel_loop3A_148 = arith.addf %parallel_loop3A_147, %parallel_loop3A_147 : vector<16xf32>
      %parallel_loop3A_149 = arith.subf %parallel_loop3A_148, %parallel_loop3A_141 : vector<16xf32>
      %parallel_loop3A_150 = arith.mulf %parallel_loop3A_138, %parallel_loop3A_149 : vector<16xf32>
      %parallel_loop3A_151 = arith.addf %parallel_loop3A_146, %parallel_loop3A_150 : vector<16xf32>
      %parallel_loop3A_152 = arith.mulf %parallel_loop3A_138, %parallel_loop3A_151 : vector<16xf32>
      %parallel_loop3A_153 = arith.addf %parallel_loop3A_119, %parallel_loop3A_152 : vector<16xf32>
      %parallel_loop3A_154 = arith.index_cast %parallel_loop3A_68 : i32 to index
      %parallel_loop3A_155 = arith.constant 0 : index
      %parallel_loop3A_156 = tpu.vector_load %arg11[%parallel_loop3A_154, %parallel_loop3A_155] {strides = array<i32>} : memref<512x32xf32, #tpu.memory_space<vmem>>, vector<16xf32>,
      tpu.vector_store %arg11[%parallel_loop3A_154, %parallel_loop3A_155], %parallel_loop3A_138 {strides = array<i32>} : memref<512x32xf32, #tpu.memory_space<vmem>>, vector<16xf32>,
      %parallel_loop3A_157 = arith.index_cast %parallel_loop3A_68 : i32 to index
      %parallel_loop3A_158 = arith.constant 0 : index
      %parallel_loop3A_159 = tpu.vector_load %arg10[%parallel_loop3A_157, %parallel_loop3A_158] {strides = array<i32>} : memref<512x32xf32, #tpu.memory_space<vmem>>, vector<16xf32>,
      tpu.vector_store %arg10[%parallel_loop3A_157, %parallel_loop3A_158], %parallel_loop3A_153 {strides = array<i32>} : memref<512x32xf32, #tpu.memory_space<vmem>>, vector<16xf32>,
      %parallel_loop3A_160 = arith.constant 0 : i32
      %parallel_loop3A_161 = arith.addi %parallel_loop3A_66, %parallel_loop3A_160 : i32
      %parallel_loop3A_162 = arith.index_cast %parallel_loop3A_161 : i32 to index
      %parallel_loop3A_163 = arith.constant 16 : index
      %parallel_loop3A_164 = tpu.vector_load %arg7[%parallel_loop3A_162, %parallel_loop3A_163] {strides = array<i32>} : memref<512x32xf32, #tpu.memory_space<vmem>>, vector<16xf32>,
      %parallel_loop3A_165 = arith.constant 9.99999997E-7 : f32
      %parallel_loop3A_166 = vector.broadcast %parallel_loop3A_165 : f32 to vector<16xf32>
      %parallel_loop3A_167 = arith.maximumf %parallel_loop3A_164, %parallel_loop3A_166 : vector<16xf32>
      %parallel_loop3A_168 = arith.constant 0.999998986 : f32
      %parallel_loop3A_169 = vector.broadcast %parallel_loop3A_168 : f32 to vector<16xf32>
      %parallel_loop3A_170 = arith.minimumf %parallel_loop3A_167, %parallel_loop3A_169 : vector<16xf32>
      %parallel_loop3A_171 = arith.cmpf olt, %get3A_35, %parallel_loop3A_170 : vector<16xf32>
      %parallel_loop3A_172 = arith.constant 256 : i32
      %parallel_loop3A_173 = arith.constant 0 : i32
      %parallel_loop3A_174 = vector.broadcast %parallel_loop3A_172 : i32 to vector<16xi32>
      %parallel_loop3A_175 = vector.broadcast %parallel_loop3A_173 : i32 to vector<16xi32>
      %parallel_loop3A_176 = arith.select %parallel_loop3A_171, %parallel_loop3A_174, %parallel_loop3A_175 : vector<16xi1>, vector<16xi32>
      %parallel_loop3A_177 = arith.select %parallel_loop3A_171, %get3A_39, %get3A_37 : vector<16xi1>, vector<16xf32>
      %parallel_loop3A_178 = arith.cmpf olt, %parallel_loop3A_177, %parallel_loop3A_170 : vector<16xf32>
      %parallel_loop3A_179 = arith.constant 128 : i32
      %parallel_loop3A_180 = vector.broadcast %parallel_loop3A_179 : i32 to vector<16xi32>
      %parallel_loop3A_181 = arith.addi %parallel_loop3A_176, %parallel_loop3A_180 : vector<16xi32>
      %parallel_loop3A_182 = arith.select %parallel_loop3A_178, %parallel_loop3A_181, %parallel_loop3A_176 : vector<16xi1>, vector<16xi32>
      %parallel_loop3A_183 = arith.select %parallel_loop3A_178, %get3A_47, %get3A_45 : vector<16xi1>, vector<16xf32>
      %parallel_loop3A_184 = arith.select %parallel_loop3A_178, %get3A_43, %get3A_41 : vector<16xi1>, vector<16xf32>
      %parallel_loop3A_185 = arith.select %parallel_loop3A_171, %parallel_loop3A_183, %parallel_loop3A_184 : vector<16xi1>, vector<16xf32>
      %parallel_loop3A_186 = arith.cmpf olt, %parallel_loop3A_185, %parallel_loop3A_170 : vector<16xf32>
      %parallel_loop3A_187 = arith.constant 64 : i32
      %parallel_loop3A_188 = vector.broadcast %parallel_loop3A_187 : i32 to vector<16xi32>
      %parallel_loop3A_189 = arith.addi %parallel_loop3A_182, %parallel_loop3A_188 : vector<16xi32>
      %parallel_loop3A_190 = arith.select %parallel_loop3A_186, %parallel_loop3A_189, %parallel_loop3A_182 : vector<16xi1>, vector<16xi32>
      %parallel_loop3A_191 = arith.constant 32 : i32
      %parallel_loop3A_192 = vector.broadcast %parallel_loop3A_191 : i32 to vector<16xi32>
      %parallel_loop3A_193 = arith.addi %parallel_loop3A_190, %parallel_loop3A_192 : vector<16xi32>
      %parallel_loop3A_194 = arith.addi %parallel_loop3A_193, %add3A_14 : vector<16xi32>
      %parallel_loop3A_195 = tpu.vector_load_idx %arg8[%parallel_loop3A_194] : memref<1056xf32, #tpu.memory_space<vmem>>[vector<16xi32>], vector<16xf32>,
      %parallel_loop3A_196 = arith.cmpf olt, %parallel_loop3A_195, %parallel_loop3A_170 : vector<16xf32>
      %parallel_loop3A_197 = arith.select %parallel_loop3A_196, %parallel_loop3A_193, %parallel_loop3A_190 : vector<16xi1>, vector<16xi32>
      %parallel_loop3A_198 = arith.constant 16 : i32
      %parallel_loop3A_199 = vector.broadcast %parallel_loop3A_198 : i32 to vector<16xi32>
      %parallel_loop3A_200 = arith.addi %parallel_loop3A_197, %parallel_loop3A_199 : vector<16xi32>
      %parallel_loop3A_201 = arith.addi %parallel_loop3A_200, %add3A_14 : vector<16xi32>
      %parallel_loop3A_202 = tpu.vector_load_idx %arg8[%parallel_loop3A_201] : memref<1056xf32, #tpu.memory_space<vmem>>[vector<16xi32>], vector<16xf32>,
      %parallel_loop3A_203 = arith.cmpf olt, %parallel_loop3A_202, %parallel_loop3A_170 : vector<16xf32>
      %parallel_loop3A_204 = arith.select %parallel_loop3A_203, %parallel_loop3A_200, %parallel_loop3A_197 : vector<16xi1>, vector<16xi32>
      %parallel_loop3A_205 = arith.addi %parallel_loop3A_204, %add3A_14 : vector<16xi32>
      %parallel_loop3A_206 = tpu.vector_load_idx %arg8[%parallel_loop3A_205] : memref<1056xf32, #tpu.memory_space<vmem>>[vector<16xi32>], vector<16xf32>,
      %parallel_loop3A_207 = arith.constant 16 : i32
      %parallel_loop3A_208 = vector.broadcast %parallel_loop3A_207 : i32 to vector<16xi32>
      %parallel_loop3A_209 = arith.addi %parallel_loop3A_205, %parallel_loop3A_208 : vector<16xi32>
      %parallel_loop3A_210 = tpu.vector_load_idx %arg8[%parallel_loop3A_209] : memref<1056xf32, #tpu.memory_space<vmem>>[vector<16xi32>], vector<16xf32>,
      %parallel_loop3A_211 = arith.addi %parallel_loop3A_204, %add3A_20 : vector<16xi32>
      %parallel_loop3A_212 = tpu.vector_load_idx %arg9[%parallel_loop3A_211] : memref<2080xf32, #tpu.memory_space<vmem>>[vector<16xi32>], vector<16xf32>,
      %parallel_loop3A_213 = arith.constant 16 : i32
      %parallel_loop3A_214 = vector.broadcast %parallel_loop3A_213 : i32 to vector<16xi32>
      %parallel_loop3A_215 = arith.addi %parallel_loop3A_211, %parallel_loop3A_214 : vector<16xi32>
      %parallel_loop3A_216 = tpu.vector_load_idx %arg9[%parallel_loop3A_215] : memref<2080xf32, #tpu.memory_space<vmem>>[vector<16xi32>], vector<16xf32>,
      %parallel_loop3A_217 = arith.constant 528 : i32
      %parallel_loop3A_218 = vector.broadcast %parallel_loop3A_217 : i32 to vector<16xi32>
      %parallel_loop3A_219 = arith.addi %parallel_loop3A_211, %parallel_loop3A_218 : vector<16xi32>
      %parallel_loop3A_220 = tpu.vector_load_idx %arg9[%parallel_loop3A_219] : memref<2080xf32, #tpu.memory_space<vmem>>[vector<16xi32>], vector<16xf32>,
      %parallel_loop3A_221 = arith.subf %parallel_loop3A_210, %parallel_loop3A_206 : vector<16xf32>
      %parallel_loop3A_222 = arith.constant 1.000000e+00 : f32
      %parallel_loop3A_223 = vector.broadcast %parallel_loop3A_222 : f32 to vector<16xf32>
      %parallel_loop3A_224 = arith.divf %parallel_loop3A_223, %parallel_loop3A_221 : vector<16xf32>
      %parallel_loop3A_225 = arith.mulf %parallel_loop3A_221, %parallel_loop3A_224 : vector<16xf32>
      %parallel_loop3A_226 = arith.constant 2.000000e+00 : f32
      %parallel_loop3A_227 = vector.broadcast %parallel_loop3A_226 : f32 to vector<16xf32>
      %parallel_loop3A_228 = arith.subf %parallel_loop3A_227, %parallel_loop3A_225 : vector<16xf32>
      %parallel_loop3A_229 = arith.mulf %parallel_loop3A_224, %parallel_loop3A_228 : vector<16xf32>
      %parallel_loop3A_230 = arith.subf %parallel_loop3A_170, %parallel_loop3A_206 : vector<16xf32>
      %parallel_loop3A_231 = arith.mulf %parallel_loop3A_230, %parallel_loop3A_229 : vector<16xf32>
      %parallel_loop3A_232 = arith.constant 4.000000e+00 : f32
      %parallel_loop3A_233 = vector.broadcast %parallel_loop3A_232 : f32 to vector<16xf32>
      %parallel_loop3A_234 = arith.mulf %parallel_loop3A_233, %parallel_loop3A_220 : vector<16xf32>
      %parallel_loop3A_235 = arith.constant 3.000000e+00 : f32
      %parallel_loop3A_236 = vector.broadcast %parallel_loop3A_235 : f32 to vector<16xf32>
      %parallel_loop3A_237 = arith.mulf %parallel_loop3A_236, %parallel_loop3A_212 : vector<16xf32>
      %parallel_loop3A_238 = arith.subf %parallel_loop3A_234, %parallel_loop3A_237 : vector<16xf32>
      %parallel_loop3A_239 = arith.subf %parallel_loop3A_238, %parallel_loop3A_216 : vector<16xf32>
      %parallel_loop3A_240 = arith.addf %parallel_loop3A_212, %parallel_loop3A_216 : vector<16xf32>
      %parallel_loop3A_241 = arith.addf %parallel_loop3A_240, %parallel_loop3A_240 : vector<16xf32>
      %parallel_loop3A_242 = arith.subf %parallel_loop3A_241, %parallel_loop3A_234 : vector<16xf32>
      %parallel_loop3A_243 = arith.mulf %parallel_loop3A_231, %parallel_loop3A_242 : vector<16xf32>
      %parallel_loop3A_244 = arith.addf %parallel_loop3A_239, %parallel_loop3A_243 : vector<16xf32>
      %parallel_loop3A_245 = arith.mulf %parallel_loop3A_231, %parallel_loop3A_244 : vector<16xf32>
      %parallel_loop3A_246 = arith.addf %parallel_loop3A_212, %parallel_loop3A_245 : vector<16xf32>
      %parallel_loop3A_247 = arith.index_cast %parallel_loop3A_161 : i32 to index
      %parallel_loop3A_248 = arith.constant 16 : index
      %parallel_loop3A_249 = tpu.vector_load %arg11[%parallel_loop3A_247, %parallel_loop3A_248] {strides = array<i32>} : memref<512x32xf32, #tpu.memory_space<vmem>>, vector<16xf32>,
      tpu.vector_store %arg11[%parallel_loop3A_247, %parallel_loop3A_248], %parallel_loop3A_231 {strides = array<i32>} : memref<512x32xf32, #tpu.memory_space<vmem>>, vector<16xf32>,
      %parallel_loop3A_250 = arith.index_cast %parallel_loop3A_161 : i32 to index
      %parallel_loop3A_251 = arith.constant 16 : index
      %parallel_loop3A_252 = tpu.vector_load %arg10[%parallel_loop3A_250, %parallel_loop3A_251] {strides = array<i32>} : memref<512x32xf32, #tpu.memory_space<vmem>>, vector<16xf32>,
      tpu.vector_store %arg10[%parallel_loop3A_250, %parallel_loop3A_251], %parallel_loop3A_246 {strides = array<i32>} : memref<512x32xf32, #tpu.memory_space<vmem>>, vector<16xf32>,
      %parallel_loop3A_253 = arith.constant 1 : i32
      %parallel_loop3A_254 = arith.addi %parallel_loop3A_66, %parallel_loop3A_253 : i32
      %parallel_loop3A_255 = arith.index_cast %parallel_loop3A_254 : i32 to index
      %parallel_loop3A_256 = arith.constant 0 : index
      %parallel_loop3A_257 = tpu.vector_load %arg7[%parallel_loop3A_255, %parallel_loop3A_256] {strides = array<i32>} : memref<512x32xf32, #tpu.memory_space<vmem>>, vector<16xf32>,
      %parallel_loop3A_258 = arith.constant 9.99999997E-7 : f32
      %parallel_loop3A_259 = vector.broadcast %parallel_loop3A_258 : f32 to vector<16xf32>
      %parallel_loop3A_260 = arith.maximumf %parallel_loop3A_257, %parallel_loop3A_259 : vector<16xf32>
      %parallel_loop3A_261 = arith.constant 0.999998986 : f32
      %parallel_loop3A_262 = vector.broadcast %parallel_loop3A_261 : f32 to vector<16xf32>
      %parallel_loop3A_263 = arith.minimumf %parallel_loop3A_260, %parallel_loop3A_262 : vector<16xf32>
      %parallel_loop3A_264 = arith.cmpf olt, %get3A_21, %parallel_loop3A_263 : vector<16xf32>
      %parallel_loop3A_265 = arith.constant 256 : i32
      %parallel_loop3A_266 = arith.constant 0 : i32
      %parallel_loop3A_267 = vector.broadcast %parallel_loop3A_265 : i32 to vector<16xi32>
      %parallel_loop3A_268 = vector.broadcast %parallel_loop3A_266 : i32 to vector<16xi32>
      %parallel_loop3A_269 = arith.select %parallel_loop3A_264, %parallel_loop3A_267, %parallel_loop3A_268 : vector<16xi1>, vector<16xi32>
      %parallel_loop3A_270 = arith.select %parallel_loop3A_264, %get3A_25, %get3A_23 : vector<16xi1>, vector<16xf32>
      %parallel_loop3A_271 = arith.cmpf olt, %parallel_loop3A_270, %parallel_loop3A_263 : vector<16xf32>
      %parallel_loop3A_272 = arith.constant 128 : i32
      %parallel_loop3A_273 = vector.broadcast %parallel_loop3A_272 : i32 to vector<16xi32>
      %parallel_loop3A_274 = arith.addi %parallel_loop3A_269, %parallel_loop3A_273 : vector<16xi32>
      %parallel_loop3A_275 = arith.select %parallel_loop3A_271, %parallel_loop3A_274, %parallel_loop3A_269 : vector<16xi1>, vector<16xi32>
      %parallel_loop3A_276 = arith.select %parallel_loop3A_271, %get3A_33, %get3A_31 : vector<16xi1>, vector<16xf32>
      %parallel_loop3A_277 = arith.select %parallel_loop3A_271, %get3A_29, %get3A_27 : vector<16xi1>, vector<16xf32>
      %parallel_loop3A_278 = arith.select %parallel_loop3A_264, %parallel_loop3A_276, %parallel_loop3A_277 : vector<16xi1>, vector<16xf32>
      %parallel_loop3A_279 = arith.cmpf olt, %parallel_loop3A_278, %parallel_loop3A_263 : vector<16xf32>
      %parallel_loop3A_280 = arith.constant 64 : i32
      %parallel_loop3A_281 = vector.broadcast %parallel_loop3A_280 : i32 to vector<16xi32>
      %parallel_loop3A_282 = arith.addi %parallel_loop3A_275, %parallel_loop3A_281 : vector<16xi32>
      %parallel_loop3A_283 = arith.select %parallel_loop3A_279, %parallel_loop3A_282, %parallel_loop3A_275 : vector<16xi1>, vector<16xi32>
      %parallel_loop3A_284 = arith.constant 32 : i32
      %parallel_loop3A_285 = vector.broadcast %parallel_loop3A_284 : i32 to vector<16xi32>
      %parallel_loop3A_286 = arith.addi %parallel_loop3A_283, %parallel_loop3A_285 : vector<16xi32>
      %parallel_loop3A_287 = arith.addi %parallel_loop3A_286, %add3A_11 : vector<16xi32>
      %parallel_loop3A_288 = tpu.vector_load_idx %arg8[%parallel_loop3A_287] : memref<1056xf32, #tpu.memory_space<vmem>>[vector<16xi32>], vector<16xf32>,
      %parallel_loop3A_289 = arith.cmpf olt, %parallel_loop3A_288, %parallel_loop3A_263 : vector<16xf32>
      %parallel_loop3A_290 = arith.select %parallel_loop3A_289, %parallel_loop3A_286, %parallel_loop3A_283 : vector<16xi1>, vector<16xi32>
      %parallel_loop3A_291 = arith.constant 16 : i32
      %parallel_loop3A_292 = vector.broadcast %parallel_loop3A_291 : i32 to vector<16xi32>
      %parallel_loop3A_293 = arith.addi %parallel_loop3A_290, %parallel_loop3A_292 : vector<16xi32>
      %parallel_loop3A_294 = arith.addi %parallel_loop3A_293, %add3A_11 : vector<16xi32>
      %parallel_loop3A_295 = tpu.vector_load_idx %arg8[%parallel_loop3A_294] : memref<1056xf32, #tpu.memory_space<vmem>>[vector<16xi32>], vector<16xf32>,
      %parallel_loop3A_296 = arith.cmpf olt, %parallel_loop3A_295, %parallel_loop3A_263 : vector<16xf32>
      %parallel_loop3A_297 = arith.select %parallel_loop3A_296, %parallel_loop3A_293, %parallel_loop3A_290 : vector<16xi1>, vector<16xi32>
      %parallel_loop3A_298 = arith.addi %parallel_loop3A_297, %add3A_11 : vector<16xi32>
      %parallel_loop3A_299 = tpu.vector_load_idx %arg8[%parallel_loop3A_298] : memref<1056xf32, #tpu.memory_space<vmem>>[vector<16xi32>], vector<16xf32>,
      %parallel_loop3A_300 = arith.constant 16 : i32
      %parallel_loop3A_301 = vector.broadcast %parallel_loop3A_300 : i32 to vector<16xi32>
      %parallel_loop3A_302 = arith.addi %parallel_loop3A_298, %parallel_loop3A_301 : vector<16xi32>
      %parallel_loop3A_303 = tpu.vector_load_idx %arg8[%parallel_loop3A_302] : memref<1056xf32, #tpu.memory_space<vmem>>[vector<16xi32>], vector<16xf32>,
      %parallel_loop3A_304 = arith.addi %parallel_loop3A_297, %add3A_17 : vector<16xi32>
      %parallel_loop3A_305 = tpu.vector_load_idx %arg9[%parallel_loop3A_304] : memref<2080xf32, #tpu.memory_space<vmem>>[vector<16xi32>], vector<16xf32>,
      %parallel_loop3A_306 = arith.constant 16 : i32
      %parallel_loop3A_307 = vector.broadcast %parallel_loop3A_306 : i32 to vector<16xi32>
      %parallel_loop3A_308 = arith.addi %parallel_loop3A_304, %parallel_loop3A_307 : vector<16xi32>
      %parallel_loop3A_309 = tpu.vector_load_idx %arg9[%parallel_loop3A_308] : memref<2080xf32, #tpu.memory_space<vmem>>[vector<16xi32>], vector<16xf32>,
      %parallel_loop3A_310 = arith.constant 528 : i32
      %parallel_loop3A_311 = vector.broadcast %parallel_loop3A_310 : i32 to vector<16xi32>
      %parallel_loop3A_312 = arith.addi %parallel_loop3A_304, %parallel_loop3A_311 : vector<16xi32>
      %parallel_loop3A_313 = tpu.vector_load_idx %arg9[%parallel_loop3A_312] : memref<2080xf32, #tpu.memory_space<vmem>>[vector<16xi32>], vector<16xf32>,
      %parallel_loop3A_314 = arith.subf %parallel_loop3A_303, %parallel_loop3A_299 : vector<16xf32>
      %parallel_loop3A_315 = arith.constant 1.000000e+00 : f32
      %parallel_loop3A_316 = vector.broadcast %parallel_loop3A_315 : f32 to vector<16xf32>
      %parallel_loop3A_317 = arith.divf %parallel_loop3A_316, %parallel_loop3A_314 : vector<16xf32>
      %parallel_loop3A_318 = arith.mulf %parallel_loop3A_314, %parallel_loop3A_317 : vector<16xf32>
      %parallel_loop3A_319 = arith.constant 2.000000e+00 : f32
      %parallel_loop3A_320 = vector.broadcast %parallel_loop3A_319 : f32 to vector<16xf32>
      %parallel_loop3A_321 = arith.subf %parallel_loop3A_320, %parallel_loop3A_318 : vector<16xf32>
      %parallel_loop3A_322 = arith.mulf %parallel_loop3A_317, %parallel_loop3A_321 : vector<16xf32>
      %parallel_loop3A_323 = arith.subf %parallel_loop3A_263, %parallel_loop3A_299 : vector<16xf32>
      %parallel_loop3A_324 = arith.mulf %parallel_loop3A_323, %parallel_loop3A_322 : vector<16xf32>
      %parallel_loop3A_325 = arith.constant 4.000000e+00 : f32
      %parallel_loop3A_326 = vector.broadcast %parallel_loop3A_325 : f32 to vector<16xf32>
      %parallel_loop3A_327 = arith.mulf %parallel_loop3A_326, %parallel_loop3A_313 : vector<16xf32>
      %parallel_loop3A_328 = arith.constant 3.000000e+00 : f32
      %parallel_loop3A_329 = vector.broadcast %parallel_loop3A_328 : f32 to vector<16xf32>
      %parallel_loop3A_330 = arith.mulf %parallel_loop3A_329, %parallel_loop3A_305 : vector<16xf32>
      %parallel_loop3A_331 = arith.subf %parallel_loop3A_327, %parallel_loop3A_330 : vector<16xf32>
      %parallel_loop3A_332 = arith.subf %parallel_loop3A_331, %parallel_loop3A_309 : vector<16xf32>
      %parallel_loop3A_333 = arith.addf %parallel_loop3A_305, %parallel_loop3A_309 : vector<16xf32>
      %parallel_loop3A_334 = arith.addf %parallel_loop3A_333, %parallel_loop3A_333 : vector<16xf32>
      %parallel_loop3A_335 = arith.subf %parallel_loop3A_334, %parallel_loop3A_327 : vector<16xf32>
      %parallel_loop3A_336 = arith.mulf %parallel_loop3A_324, %parallel_loop3A_335 : vector<16xf32>
      %parallel_loop3A_337 = arith.addf %parallel_loop3A_332, %parallel_loop3A_336 : vector<16xf32>
      %parallel_loop3A_338 = arith.mulf %parallel_loop3A_324, %parallel_loop3A_337 : vector<16xf32>
      %parallel_loop3A_339 = arith.addf %parallel_loop3A_305, %parallel_loop3A_338 : vector<16xf32>
      %parallel_loop3A_340 = arith.index_cast %parallel_loop3A_254 : i32 to index
      %parallel_loop3A_341 = arith.constant 0 : index
      %parallel_loop3A_342 = tpu.vector_load %arg11[%parallel_loop3A_340, %parallel_loop3A_341] {strides = array<i32>} : memref<512x32xf32, #tpu.memory_space<vmem>>, vector<16xf32>,
      tpu.vector_store %arg11[%parallel_loop3A_340, %parallel_loop3A_341], %parallel_loop3A_324 {strides = array<i32>} : memref<512x32xf32, #tpu.memory_space<vmem>>, vector<16xf32>,
      %parallel_loop3A_343 = arith.index_cast %parallel_loop3A_254 : i32 to index
      %parallel_loop3A_344 = arith.constant 0 : index
      %parallel_loop3A_345 = tpu.vector_load %arg10[%parallel_loop3A_343, %parallel_loop3A_344] {strides = array<i32>} : memref<512x32xf32, #tpu.memory_space<vmem>>, vector<16xf32>,
      tpu.vector_store %arg10[%parallel_loop3A_343, %parallel_loop3A_344], %parallel_loop3A_339 {strides = array<i32>} : memref<512x32xf32, #tpu.memory_space<vmem>>, vector<16xf32>,
      %parallel_loop3A_346 = arith.constant 1 : i32
      %parallel_loop3A_347 = arith.addi %parallel_loop3A_66, %parallel_loop3A_346 : i32
      %parallel_loop3A_348 = arith.index_cast %parallel_loop3A_347 : i32 to index
      %parallel_loop3A_349 = arith.constant 16 : index
      %parallel_loop3A_350 = tpu.vector_load %arg7[%parallel_loop3A_348, %parallel_loop3A_349] {strides = array<i32>} : memref<512x32xf32, #tpu.memory_space<vmem>>, vector<16xf32>,
      %parallel_loop3A_351 = arith.constant 9.99999997E-7 : f32
      %parallel_loop3A_352 = vector.broadcast %parallel_loop3A_351 : f32 to vector<16xf32>
      %parallel_loop3A_353 = arith.maximumf %parallel_loop3A_350, %parallel_loop3A_352 : vector<16xf32>
      %parallel_loop3A_354 = arith.constant 0.999998986 : f32
      %parallel_loop3A_355 = vector.broadcast %parallel_loop3A_354 : f32 to vector<16xf32>
      %parallel_loop3A_356 = arith.minimumf %parallel_loop3A_353, %parallel_loop3A_355 : vector<16xf32>
      %parallel_loop3A_357 = arith.cmpf olt, %get3A_35, %parallel_loop3A_356 : vector<16xf32>
      %parallel_loop3A_358 = arith.constant 256 : i32
      %parallel_loop3A_359 = arith.constant 0 : i32
      %parallel_loop3A_360 = vector.broadcast %parallel_loop3A_358 : i32 to vector<16xi32>
      %parallel_loop3A_361 = vector.broadcast %parallel_loop3A_359 : i32 to vector<16xi32>
      %parallel_loop3A_362 = arith.select %parallel_loop3A_357, %parallel_loop3A_360, %parallel_loop3A_361 : vector<16xi1>, vector<16xi32>
      %parallel_loop3A_363 = arith.select %parallel_loop3A_357, %get3A_39, %get3A_37 : vector<16xi1>, vector<16xf32>
      %parallel_loop3A_364 = arith.cmpf olt, %parallel_loop3A_363, %parallel_loop3A_356 : vector<16xf32>
      %parallel_loop3A_365 = arith.constant 128 : i32
      %parallel_loop3A_366 = vector.broadcast %parallel_loop3A_365 : i32 to vector<16xi32>
      %parallel_loop3A_367 = arith.addi %parallel_loop3A_362, %parallel_loop3A_366 : vector<16xi32>
      %parallel_loop3A_368 = arith.select %parallel_loop3A_364, %parallel_loop3A_367, %parallel_loop3A_362 : vector<16xi1>, vector<16xi32>
      %parallel_loop3A_369 = arith.select %parallel_loop3A_364, %get3A_47, %get3A_45 : vector<16xi1>, vector<16xf32>
      %parallel_loop3A_370 = arith.select %parallel_loop3A_364, %get3A_43, %get3A_41 : vector<16xi1>, vector<16xf32>
      %parallel_loop3A_371 = arith.select %parallel_loop3A_357, %parallel_loop3A_369, %parallel_loop3A_370 : vector<16xi1>, vector<16xf32>
      %parallel_loop3A_372 = arith.cmpf olt, %parallel_loop3A_371, %parallel_loop3A_356 : vector<16xf32>
      %parallel_loop3A_373 = arith.constant 64 : i32
      %parallel_loop3A_374 = vector.broadcast %parallel_loop3A_373 : i32 to vector<16xi32>
      %parallel_loop3A_375 = arith.addi %parallel_loop3A_368, %parallel_loop3A_374 : vector<16xi32>
      %parallel_loop3A_376 = arith.select %parallel_loop3A_372, %parallel_loop3A_375, %parallel_loop3A_368 : vector<16xi1>, vector<16xi32>
      %parallel_loop3A_377 = arith.constant 32 : i32
      %parallel_loop3A_378 = vector.broadcast %parallel_loop3A_377 : i32 to vector<16xi32>
      %parallel_loop3A_379 = arith.addi %parallel_loop3A_376, %parallel_loop3A_378 : vector<16xi32>
      %parallel_loop3A_380 = arith.addi %parallel_loop3A_379, %add3A_14 : vector<16xi32>
      %parallel_loop3A_381 = tpu.vector_load_idx %arg8[%parallel_loop3A_380] : memref<1056xf32, #tpu.memory_space<vmem>>[vector<16xi32>], vector<16xf32>,
      %parallel_loop3A_382 = arith.cmpf olt, %parallel_loop3A_381, %parallel_loop3A_356 : vector<16xf32>
      %parallel_loop3A_383 = arith.select %parallel_loop3A_382, %parallel_loop3A_379, %parallel_loop3A_376 : vector<16xi1>, vector<16xi32>
      %parallel_loop3A_384 = arith.constant 16 : i32
      %parallel_loop3A_385 = vector.broadcast %parallel_loop3A_384 : i32 to vector<16xi32>
      %parallel_loop3A_386 = arith.addi %parallel_loop3A_383, %parallel_loop3A_385 : vector<16xi32>
      %parallel_loop3A_387 = arith.addi %parallel_loop3A_386, %add3A_14 : vector<16xi32>
      %parallel_loop3A_388 = tpu.vector_load_idx %arg8[%parallel_loop3A_387] : memref<1056xf32, #tpu.memory_space<vmem>>[vector<16xi32>], vector<16xf32>,
      %parallel_loop3A_389 = arith.cmpf olt, %parallel_loop3A_388, %parallel_loop3A_356 : vector<16xf32>
      %parallel_loop3A_390 = arith.select %parallel_loop3A_389, %parallel_loop3A_386, %parallel_loop3A_383 : vector<16xi1>, vector<16xi32>
      %parallel_loop3A_391 = arith.addi %parallel_loop3A_390, %add3A_14 : vector<16xi32>
      %parallel_loop3A_392 = tpu.vector_load_idx %arg8[%parallel_loop3A_391] : memref<1056xf32, #tpu.memory_space<vmem>>[vector<16xi32>], vector<16xf32>,
      %parallel_loop3A_393 = arith.constant 16 : i32
      %parallel_loop3A_394 = vector.broadcast %parallel_loop3A_393 : i32 to vector<16xi32>
      %parallel_loop3A_395 = arith.addi %parallel_loop3A_391, %parallel_loop3A_394 : vector<16xi32>
      %parallel_loop3A_396 = tpu.vector_load_idx %arg8[%parallel_loop3A_395] : memref<1056xf32, #tpu.memory_space<vmem>>[vector<16xi32>], vector<16xf32>,
      %parallel_loop3A_397 = arith.addi %parallel_loop3A_390, %add3A_20 : vector<16xi32>
      %parallel_loop3A_398 = tpu.vector_load_idx %arg9[%parallel_loop3A_397] : memref<2080xf32, #tpu.memory_space<vmem>>[vector<16xi32>], vector<16xf32>,
      %parallel_loop3A_399 = arith.constant 16 : i32
      %parallel_loop3A_400 = vector.broadcast %parallel_loop3A_399 : i32 to vector<16xi32>
      %parallel_loop3A_401 = arith.addi %parallel_loop3A_397, %parallel_loop3A_400 : vector<16xi32>
      %parallel_loop3A_402 = tpu.vector_load_idx %arg9[%parallel_loop3A_401] : memref<2080xf32, #tpu.memory_space<vmem>>[vector<16xi32>], vector<16xf32>,
      %parallel_loop3A_403 = arith.constant 528 : i32
      %parallel_loop3A_404 = vector.broadcast %parallel_loop3A_403 : i32 to vector<16xi32>
      %parallel_loop3A_405 = arith.addi %parallel_loop3A_397, %parallel_loop3A_404 : vector<16xi32>
      %parallel_loop3A_406 = tpu.vector_load_idx %arg9[%parallel_loop3A_405] : memref<2080xf32, #tpu.memory_space<vmem>>[vector<16xi32>], vector<16xf32>,
      %parallel_loop3A_407 = arith.subf %parallel_loop3A_396, %parallel_loop3A_392 : vector<16xf32>
      %parallel_loop3A_408 = arith.constant 1.000000e+00 : f32
      %parallel_loop3A_409 = vector.broadcast %parallel_loop3A_408 : f32 to vector<16xf32>
      %parallel_loop3A_410 = arith.divf %parallel_loop3A_409, %parallel_loop3A_407 : vector<16xf32>
      %parallel_loop3A_411 = arith.mulf %parallel_loop3A_407, %parallel_loop3A_410 : vector<16xf32>
      %parallel_loop3A_412 = arith.constant 2.000000e+00 : f32
      %parallel_loop3A_413 = vector.broadcast %parallel_loop3A_412 : f32 to vector<16xf32>
      %parallel_loop3A_414 = arith.subf %parallel_loop3A_413, %parallel_loop3A_411 : vector<16xf32>
      %parallel_loop3A_415 = arith.mulf %parallel_loop3A_410, %parallel_loop3A_414 : vector<16xf32>
      %parallel_loop3A_416 = arith.subf %parallel_loop3A_356, %parallel_loop3A_392 : vector<16xf32>
      %parallel_loop3A_417 = arith.mulf %parallel_loop3A_416, %parallel_loop3A_415 : vector<16xf32>
      %parallel_loop3A_418 = arith.constant 4.000000e+00 : f32
      %parallel_loop3A_419 = vector.broadcast %parallel_loop3A_418 : f32 to vector<16xf32>
      %parallel_loop3A_420 = arith.mulf %parallel_loop3A_419, %parallel_loop3A_406 : vector<16xf32>
      %parallel_loop3A_421 = arith.constant 3.000000e+00 : f32
      %parallel_loop3A_422 = vector.broadcast %parallel_loop3A_421 : f32 to vector<16xf32>
      %parallel_loop3A_423 = arith.mulf %parallel_loop3A_422, %parallel_loop3A_398 : vector<16xf32>
      %parallel_loop3A_424 = arith.subf %parallel_loop3A_420, %parallel_loop3A_423 : vector<16xf32>
      %parallel_loop3A_425 = arith.subf %parallel_loop3A_424, %parallel_loop3A_402 : vector<16xf32>
      %parallel_loop3A_426 = arith.addf %parallel_loop3A_398, %parallel_loop3A_402 : vector<16xf32>
      %parallel_loop3A_427 = arith.addf %parallel_loop3A_426, %parallel_loop3A_426 : vector<16xf32>
      %parallel_loop3A_428 = arith.subf %parallel_loop3A_427, %parallel_loop3A_420 : vector<16xf32>
      %parallel_loop3A_429 = arith.mulf %parallel_loop3A_417, %parallel_loop3A_428 : vector<16xf32>
      %parallel_loop3A_430 = arith.addf %parallel_loop3A_425, %parallel_loop3A_429 : vector<16xf32>
      %parallel_loop3A_431 = arith.mulf %parallel_loop3A_417, %parallel_loop3A_430 : vector<16xf32>
      %parallel_loop3A_432 = arith.addf %parallel_loop3A_398, %parallel_loop3A_431 : vector<16xf32>
      %parallel_loop3A_433 = arith.index_cast %parallel_loop3A_347 : i32 to index
      %parallel_loop3A_434 = arith.constant 16 : index
      %parallel_loop3A_435 = tpu.vector_load %arg11[%parallel_loop3A_433, %parallel_loop3A_434] {strides = array<i32>} : memref<512x32xf32, #tpu.memory_space<vmem>>, vector<16xf32>,
      tpu.vector_store %arg11[%parallel_loop3A_433, %parallel_loop3A_434], %parallel_loop3A_417 {strides = array<i32>} : memref<512x32xf32, #tpu.memory_space<vmem>>, vector<16xf32>,
      %parallel_loop3A_436 = arith.index_cast %parallel_loop3A_347 : i32 to index
      %parallel_loop3A_437 = arith.constant 16 : index
      %parallel_loop3A_438 = tpu.vector_load %arg10[%parallel_loop3A_436, %parallel_loop3A_437] {strides = array<i32>} : memref<512x32xf32, #tpu.memory_space<vmem>>, vector<16xf32>,
      tpu.vector_store %arg10[%parallel_loop3A_436, %parallel_loop3A_437], %parallel_loop3A_432 {strides = array<i32>} : memref<512x32xf32, #tpu.memory_space<vmem>>, vector<16xf32>,
      %parallel_loop3A_439 = arith.constant 2 : i32
      %parallel_loop3A_440 = arith.addi %parallel_loop3A_66, %parallel_loop3A_439 : i32
      %parallel_loop3A_441 = arith.index_cast %parallel_loop3A_440 : i32 to index
      %parallel_loop3A_442 = arith.constant 0 : index
      %parallel_loop3A_443 = tpu.vector_load %arg7[%parallel_loop3A_441, %parallel_loop3A_442] {strides = array<i32>} : memref<512x32xf32, #tpu.memory_space<vmem>>, vector<16xf32>,
      %parallel_loop3A_444 = arith.constant 9.99999997E-7 : f32
      %parallel_loop3A_445 = vector.broadcast %parallel_loop3A_444 : f32 to vector<16xf32>
      %parallel_loop3A_446 = arith.maximumf %parallel_loop3A_443, %parallel_loop3A_445 : vector<16xf32>
      %parallel_loop3A_447 = arith.constant 0.999998986 : f32
      %parallel_loop3A_448 = vector.broadcast %parallel_loop3A_447 : f32 to vector<16xf32>
      %parallel_loop3A_449 = arith.minimumf %parallel_loop3A_446, %parallel_loop3A_448 : vector<16xf32>
      %parallel_loop3A_450 = arith.cmpf olt, %get3A_21, %parallel_loop3A_449 : vector<16xf32>
      %parallel_loop3A_451 = arith.constant 256 : i32
      %parallel_loop3A_452 = arith.constant 0 : i32
      %parallel_loop3A_453 = vector.broadcast %parallel_loop3A_451 : i32 to vector<16xi32>
      %parallel_loop3A_454 = vector.broadcast %parallel_loop3A_452 : i32 to vector<16xi32>
      %parallel_loop3A_455 = arith.select %parallel_loop3A_450, %parallel_loop3A_453, %parallel_loop3A_454 : vector<16xi1>, vector<16xi32>
      %parallel_loop3A_456 = arith.select %parallel_loop3A_450, %get3A_25, %get3A_23 : vector<16xi1>, vector<16xf32>
      %parallel_loop3A_457 = arith.cmpf olt, %parallel_loop3A_456, %parallel_loop3A_449 : vector<16xf32>
      %parallel_loop3A_458 = arith.constant 128 : i32
      %parallel_loop3A_459 = vector.broadcast %parallel_loop3A_458 : i32 to vector<16xi32>
      %parallel_loop3A_460 = arith.addi %parallel_loop3A_455, %parallel_loop3A_459 : vector<16xi32>
      %parallel_loop3A_461 = arith.select %parallel_loop3A_457, %parallel_loop3A_460, %parallel_loop3A_455 : vector<16xi1>, vector<16xi32>
      %parallel_loop3A_462 = arith.select %parallel_loop3A_457, %get3A_33, %get3A_31 : vector<16xi1>, vector<16xf32>
      %parallel_loop3A_463 = arith.select %parallel_loop3A_457, %get3A_29, %get3A_27 : vector<16xi1>, vector<16xf32>
      %parallel_loop3A_464 = arith.select %parallel_loop3A_450, %parallel_loop3A_462, %parallel_loop3A_463 : vector<16xi1>, vector<16xf32>
      %parallel_loop3A_465 = arith.cmpf olt, %parallel_loop3A_464, %parallel_loop3A_449 : vector<16xf32>
      %parallel_loop3A_466 = arith.constant 64 : i32
      %parallel_loop3A_467 = vector.broadcast %parallel_loop3A_466 : i32 to vector<16xi32>
      %parallel_loop3A_468 = arith.addi %parallel_loop3A_461, %parallel_loop3A_467 : vector<16xi32>
      %parallel_loop3A_469 = arith.select %parallel_loop3A_465, %parallel_loop3A_468, %parallel_loop3A_461 : vector<16xi1>, vector<16xi32>
      %parallel_loop3A_470 = arith.constant 32 : i32
      %parallel_loop3A_471 = vector.broadcast %parallel_loop3A_470 : i32 to vector<16xi32>
      %parallel_loop3A_472 = arith.addi %parallel_loop3A_469, %parallel_loop3A_471 : vector<16xi32>
      %parallel_loop3A_473 = arith.addi %parallel_loop3A_472, %add3A_11 : vector<16xi32>
      %parallel_loop3A_474 = tpu.vector_load_idx %arg8[%parallel_loop3A_473] : memref<1056xf32, #tpu.memory_space<vmem>>[vector<16xi32>], vector<16xf32>,
      %parallel_loop3A_475 = arith.cmpf olt, %parallel_loop3A_474, %parallel_loop3A_449 : vector<16xf32>
      %parallel_loop3A_476 = arith.select %parallel_loop3A_475, %parallel_loop3A_472, %parallel_loop3A_469 : vector<16xi1>, vector<16xi32>
      %parallel_loop3A_477 = arith.constant 16 : i32
      %parallel_loop3A_478 = vector.broadcast %parallel_loop3A_477 : i32 to vector<16xi32>
      %parallel_loop3A_479 = arith.addi %parallel_loop3A_476, %parallel_loop3A_478 : vector<16xi32>
      %parallel_loop3A_480 = arith.addi %parallel_loop3A_479, %add3A_11 : vector<16xi32>
      %parallel_loop3A_481 = tpu.vector_load_idx %arg8[%parallel_loop3A_480] : memref<1056xf32, #tpu.memory_space<vmem>>[vector<16xi32>], vector<16xf32>,
      %parallel_loop3A_482 = arith.cmpf olt, %parallel_loop3A_481, %parallel_loop3A_449 : vector<16xf32>
      %parallel_loop3A_483 = arith.select %parallel_loop3A_482, %parallel_loop3A_479, %parallel_loop3A_476 : vector<16xi1>, vector<16xi32>
      %parallel_loop3A_484 = arith.addi %parallel_loop3A_483, %add3A_11 : vector<16xi32>
      %parallel_loop3A_485 = tpu.vector_load_idx %arg8[%parallel_loop3A_484] : memref<1056xf32, #tpu.memory_space<vmem>>[vector<16xi32>], vector<16xf32>,
      %parallel_loop3A_486 = arith.constant 16 : i32
      %parallel_loop3A_487 = vector.broadcast %parallel_loop3A_486 : i32 to vector<16xi32>
      %parallel_loop3A_488 = arith.addi %parallel_loop3A_484, %parallel_loop3A_487 : vector<16xi32>
      %parallel_loop3A_489 = tpu.vector_load_idx %arg8[%parallel_loop3A_488] : memref<1056xf32, #tpu.memory_space<vmem>>[vector<16xi32>], vector<16xf32>,
      %parallel_loop3A_490 = arith.addi %parallel_loop3A_483, %add3A_17 : vector<16xi32>
      %parallel_loop3A_491 = tpu.vector_load_idx %arg9[%parallel_loop3A_490] : memref<2080xf32, #tpu.memory_space<vmem>>[vector<16xi32>], vector<16xf32>,
      %parallel_loop3A_492 = arith.constant 16 : i32
      %parallel_loop3A_493 = vector.broadcast %parallel_loop3A_492 : i32 to vector<16xi32>
      %parallel_loop3A_494 = arith.addi %parallel_loop3A_490, %parallel_loop3A_493 : vector<16xi32>
      %parallel_loop3A_495 = tpu.vector_load_idx %arg9[%parallel_loop3A_494] : memref<2080xf32, #tpu.memory_space<vmem>>[vector<16xi32>], vector<16xf32>,
      %parallel_loop3A_496 = arith.constant 528 : i32
      %parallel_loop3A_497 = vector.broadcast %parallel_loop3A_496 : i32 to vector<16xi32>
      %parallel_loop3A_498 = arith.addi %parallel_loop3A_490, %parallel_loop3A_497 : vector<16xi32>
      %parallel_loop3A_499 = tpu.vector_load_idx %arg9[%parallel_loop3A_498] : memref<2080xf32, #tpu.memory_space<vmem>>[vector<16xi32>], vector<16xf32>,
      %parallel_loop3A_500 = arith.subf %parallel_loop3A_489, %parallel_loop3A_485 : vector<16xf32>
      %parallel_loop3A_501 = arith.constant 1.000000e+00 : f32
      %parallel_loop3A_502 = vector.broadcast %parallel_loop3A_501 : f32 to vector<16xf32>
      %parallel_loop3A_503 = arith.divf %parallel_loop3A_502, %parallel_loop3A_500 : vector<16xf32>
      %parallel_loop3A_504 = arith.mulf %parallel_loop3A_500, %parallel_loop3A_503 : vector<16xf32>
      %parallel_loop3A_505 = arith.constant 2.000000e+00 : f32
      %parallel_loop3A_506 = vector.broadcast %parallel_loop3A_505 : f32 to vector<16xf32>
      %parallel_loop3A_507 = arith.subf %parallel_loop3A_506, %parallel_loop3A_504 : vector<16xf32>
      %parallel_loop3A_508 = arith.mulf %parallel_loop3A_503, %parallel_loop3A_507 : vector<16xf32>
      %parallel_loop3A_509 = arith.subf %parallel_loop3A_449, %parallel_loop3A_485 : vector<16xf32>
      %parallel_loop3A_510 = arith.mulf %parallel_loop3A_509, %parallel_loop3A_508 : vector<16xf32>
      %parallel_loop3A_511 = arith.constant 4.000000e+00 : f32
      %parallel_loop3A_512 = vector.broadcast %parallel_loop3A_511 : f32 to vector<16xf32>
      %parallel_loop3A_513 = arith.mulf %parallel_loop3A_512, %parallel_loop3A_499 : vector<16xf32>
      %parallel_loop3A_514 = arith.constant 3.000000e+00 : f32
      %parallel_loop3A_515 = vector.broadcast %parallel_loop3A_514 : f32 to vector<16xf32>
      %parallel_loop3A_516 = arith.mulf %parallel_loop3A_515, %parallel_loop3A_491 : vector<16xf32>
      %parallel_loop3A_517 = arith.subf %parallel_loop3A_513, %parallel_loop3A_516 : vector<16xf32>
      %parallel_loop3A_518 = arith.subf %parallel_loop3A_517, %parallel_loop3A_495 : vector<16xf32>
      %parallel_loop3A_519 = arith.addf %parallel_loop3A_491, %parallel_loop3A_495 : vector<16xf32>
      %parallel_loop3A_520 = arith.addf %parallel_loop3A_519, %parallel_loop3A_519 : vector<16xf32>
      %parallel_loop3A_521 = arith.subf %parallel_loop3A_520, %parallel_loop3A_513 : vector<16xf32>
      %parallel_loop3A_522 = arith.mulf %parallel_loop3A_510, %parallel_loop3A_521 : vector<16xf32>
      %parallel_loop3A_523 = arith.addf %parallel_loop3A_518, %parallel_loop3A_522 : vector<16xf32>
      %parallel_loop3A_524 = arith.mulf %parallel_loop3A_510, %parallel_loop3A_523 : vector<16xf32>
      %parallel_loop3A_525 = arith.addf %parallel_loop3A_491, %parallel_loop3A_524 : vector<16xf32>
      %parallel_loop3A_526 = arith.index_cast %parallel_loop3A_440 : i32 to index
      %parallel_loop3A_527 = arith.constant 0 : index
      %parallel_loop3A_528 = tpu.vector_load %arg11[%parallel_loop3A_526, %parallel_loop3A_527] {strides = array<i32>} : memref<512x32xf32, #tpu.memory_space<vmem>>, vector<16xf32>,
      tpu.vector_store %arg11[%parallel_loop3A_526, %parallel_loop3A_527], %parallel_loop3A_510 {strides = array<i32>} : memref<512x32xf32, #tpu.memory_space<vmem>>, vector<16xf32>,
      %parallel_loop3A_529 = arith.index_cast %parallel_loop3A_440 : i32 to index
      %parallel_loop3A_530 = arith.constant 0 : index
      %parallel_loop3A_531 = tpu.vector_load %arg10[%parallel_loop3A_529, %parallel_loop3A_530] {strides = array<i32>} : memref<512x32xf32, #tpu.memory_space<vmem>>, vector<16xf32>,
      tpu.vector_store %arg10[%parallel_loop3A_529, %parallel_loop3A_530], %parallel_loop3A_525 {strides = array<i32>} : memref<512x32xf32, #tpu.memory_space<vmem>>, vector<16xf32>,
      %parallel_loop3A_532 = arith.constant 2 : i32
      %parallel_loop3A_533 = arith.addi %parallel_loop3A_66, %parallel_loop3A_532 : i32
      %parallel_loop3A_534 = arith.index_cast %parallel_loop3A_533 : i32 to index
      %parallel_loop3A_535 = arith.constant 16 : index
      %parallel_loop3A_536 = tpu.vector_load %arg7[%parallel_loop3A_534, %parallel_loop3A_535] {strides = array<i32>} : memref<512x32xf32, #tpu.memory_space<vmem>>, vector<16xf32>,
      %parallel_loop3A_537 = arith.constant 9.99999997E-7 : f32
      %parallel_loop3A_538 = vector.broadcast %parallel_loop3A_537 : f32 to vector<16xf32>
      %parallel_loop3A_539 = arith.maximumf %parallel_loop3A_536, %parallel_loop3A_538 : vector<16xf32>
      %parallel_loop3A_540 = arith.constant 0.999998986 : f32
      %parallel_loop3A_541 = vector.broadcast %parallel_loop3A_540 : f32 to vector<16xf32>
      %parallel_loop3A_542 = arith.minimumf %parallel_loop3A_539, %parallel_loop3A_541 : vector<16xf32>
      %parallel_loop3A_543 = arith.cmpf olt, %get3A_35, %parallel_loop3A_542 : vector<16xf32>
      %parallel_loop3A_544 = arith.constant 256 : i32
      %parallel_loop3A_545 = arith.constant 0 : i32
      %parallel_loop3A_546 = vector.broadcast %parallel_loop3A_544 : i32 to vector<16xi32>
      %parallel_loop3A_547 = vector.broadcast %parallel_loop3A_545 : i32 to vector<16xi32>
      %parallel_loop3A_548 = arith.select %parallel_loop3A_543, %parallel_loop3A_546, %parallel_loop3A_547 : vector<16xi1>, vector<16xi32>
      %parallel_loop3A_549 = arith.select %parallel_loop3A_543, %get3A_39, %get3A_37 : vector<16xi1>, vector<16xf32>
      %parallel_loop3A_550 = arith.cmpf olt, %parallel_loop3A_549, %parallel_loop3A_542 : vector<16xf32>
      %parallel_loop3A_551 = arith.constant 128 : i32
      %parallel_loop3A_552 = vector.broadcast %parallel_loop3A_551 : i32 to vector<16xi32>
      %parallel_loop3A_553 = arith.addi %parallel_loop3A_548, %parallel_loop3A_552 : vector<16xi32>
      %parallel_loop3A_554 = arith.select %parallel_loop3A_550, %parallel_loop3A_553, %parallel_loop3A_548 : vector<16xi1>, vector<16xi32>
      %parallel_loop3A_555 = arith.select %parallel_loop3A_550, %get3A_47, %get3A_45 : vector<16xi1>, vector<16xf32>
      %parallel_loop3A_556 = arith.select %parallel_loop3A_550, %get3A_43, %get3A_41 : vector<16xi1>, vector<16xf32>
      %parallel_loop3A_557 = arith.select %parallel_loop3A_543, %parallel_loop3A_555, %parallel_loop3A_556 : vector<16xi1>, vector<16xf32>
      %parallel_loop3A_558 = arith.cmpf olt, %parallel_loop3A_557, %parallel_loop3A_542 : vector<16xf32>
      %parallel_loop3A_559 = arith.constant 64 : i32
      %parallel_loop3A_560 = vector.broadcast %parallel_loop3A_559 : i32 to vector<16xi32>
      %parallel_loop3A_561 = arith.addi %parallel_loop3A_554, %parallel_loop3A_560 : vector<16xi32>
      %parallel_loop3A_562 = arith.select %parallel_loop3A_558, %parallel_loop3A_561, %parallel_loop3A_554 : vector<16xi1>, vector<16xi32>
      %parallel_loop3A_563 = arith.constant 32 : i32
      %parallel_loop3A_564 = vector.broadcast %parallel_loop3A_563 : i32 to vector<16xi32>
      %parallel_loop3A_565 = arith.addi %parallel_loop3A_562, %parallel_loop3A_564 : vector<16xi32>
      %parallel_loop3A_566 = arith.addi %parallel_loop3A_565, %add3A_14 : vector<16xi32>
      %parallel_loop3A_567 = tpu.vector_load_idx %arg8[%parallel_loop3A_566] : memref<1056xf32, #tpu.memory_space<vmem>>[vector<16xi32>], vector<16xf32>,
      %parallel_loop3A_568 = arith.cmpf olt, %parallel_loop3A_567, %parallel_loop3A_542 : vector<16xf32>
      %parallel_loop3A_569 = arith.select %parallel_loop3A_568, %parallel_loop3A_565, %parallel_loop3A_562 : vector<16xi1>, vector<16xi32>
      %parallel_loop3A_570 = arith.constant 16 : i32
      %parallel_loop3A_571 = vector.broadcast %parallel_loop3A_570 : i32 to vector<16xi32>
      %parallel_loop3A_572 = arith.addi %parallel_loop3A_569, %parallel_loop3A_571 : vector<16xi32>
      %parallel_loop3A_573 = arith.addi %parallel_loop3A_572, %add3A_14 : vector<16xi32>
      %parallel_loop3A_574 = tpu.vector_load_idx %arg8[%parallel_loop3A_573] : memref<1056xf32, #tpu.memory_space<vmem>>[vector<16xi32>], vector<16xf32>,
      %parallel_loop3A_575 = arith.cmpf olt, %parallel_loop3A_574, %parallel_loop3A_542 : vector<16xf32>
      %parallel_loop3A_576 = arith.select %parallel_loop3A_575, %parallel_loop3A_572, %parallel_loop3A_569 : vector<16xi1>, vector<16xi32>
      %parallel_loop3A_577 = arith.addi %parallel_loop3A_576, %add3A_14 : vector<16xi32>
      %parallel_loop3A_578 = tpu.vector_load_idx %arg8[%parallel_loop3A_577] : memref<1056xf32, #tpu.memory_space<vmem>>[vector<16xi32>], vector<16xf32>,
      %parallel_loop3A_579 = arith.constant 16 : i32
      %parallel_loop3A_580 = vector.broadcast %parallel_loop3A_579 : i32 to vector<16xi32>
      %parallel_loop3A_581 = arith.addi %parallel_loop3A_577, %parallel_loop3A_580 : vector<16xi32>
      %parallel_loop3A_582 = tpu.vector_load_idx %arg8[%parallel_loop3A_581] : memref<1056xf32, #tpu.memory_space<vmem>>[vector<16xi32>], vector<16xf32>,
      %parallel_loop3A_583 = arith.addi %parallel_loop3A_576, %add3A_20 : vector<16xi32>
      %parallel_loop3A_584 = tpu.vector_load_idx %arg9[%parallel_loop3A_583] : memref<2080xf32, #tpu.memory_space<vmem>>[vector<16xi32>], vector<16xf32>,
      %parallel_loop3A_585 = arith.constant 16 : i32
      %parallel_loop3A_586 = vector.broadcast %parallel_loop3A_585 : i32 to vector<16xi32>
      %parallel_loop3A_587 = arith.addi %parallel_loop3A_583, %parallel_loop3A_586 : vector<16xi32>
      %parallel_loop3A_588 = tpu.vector_load_idx %arg9[%parallel_loop3A_587] : memref<2080xf32, #tpu.memory_space<vmem>>[vector<16xi32>], vector<16xf32>,
      %parallel_loop3A_589 = arith.constant 528 : i32
      %parallel_loop3A_590 = vector.broadcast %parallel_loop3A_589 : i32 to vector<16xi32>
      %parallel_loop3A_591 = arith.addi %parallel_loop3A_583, %parallel_loop3A_590 : vector<16xi32>
      %parallel_loop3A_592 = tpu.vector_load_idx %arg9[%parallel_loop3A_591] : memref<2080xf32, #tpu.memory_space<vmem>>[vector<16xi32>], vector<16xf32>,
      %parallel_loop3A_593 = arith.subf %parallel_loop3A_582, %parallel_loop3A_578 : vector<16xf32>
      %parallel_loop3A_594 = arith.constant 1.000000e+00 : f32
      %parallel_loop3A_595 = vector.broadcast %parallel_loop3A_594 : f32 to vector<16xf32>
      %parallel_loop3A_596 = arith.divf %parallel_loop3A_595, %parallel_loop3A_593 : vector<16xf32>
      %parallel_loop3A_597 = arith.mulf %parallel_loop3A_593, %parallel_loop3A_596 : vector<16xf32>
      %parallel_loop3A_598 = arith.constant 2.000000e+00 : f32
      %parallel_loop3A_599 = vector.broadcast %parallel_loop3A_598 : f32 to vector<16xf32>
      %parallel_loop3A_600 = arith.subf %parallel_loop3A_599, %parallel_loop3A_597 : vector<16xf32>
      %parallel_loop3A_601 = arith.mulf %parallel_loop3A_596, %parallel_loop3A_600 : vector<16xf32>
      %parallel_loop3A_602 = arith.subf %parallel_loop3A_542, %parallel_loop3A_578 : vector<16xf32>
      %parallel_loop3A_603 = arith.mulf %parallel_loop3A_602, %parallel_loop3A_601 : vector<16xf32>
      %parallel_loop3A_604 = arith.constant 4.000000e+00 : f32
      %parallel_loop3A_605 = vector.broadcast %parallel_loop3A_604 : f32 to vector<16xf32>
      %parallel_loop3A_606 = arith.mulf %parallel_loop3A_605, %parallel_loop3A_592 : vector<16xf32>
      %parallel_loop3A_607 = arith.constant 3.000000e+00 : f32
      %parallel_loop3A_608 = vector.broadcast %parallel_loop3A_607 : f32 to vector<16xf32>
      %parallel_loop3A_609 = arith.mulf %parallel_loop3A_608, %parallel_loop3A_584 : vector<16xf32>
      %parallel_loop3A_610 = arith.subf %parallel_loop3A_606, %parallel_loop3A_609 : vector<16xf32>
      %parallel_loop3A_611 = arith.subf %parallel_loop3A_610, %parallel_loop3A_588 : vector<16xf32>
      %parallel_loop3A_612 = arith.addf %parallel_loop3A_584, %parallel_loop3A_588 : vector<16xf32>
      %parallel_loop3A_613 = arith.addf %parallel_loop3A_612, %parallel_loop3A_612 : vector<16xf32>
      %parallel_loop3A_614 = arith.subf %parallel_loop3A_613, %parallel_loop3A_606 : vector<16xf32>
      %parallel_loop3A_615 = arith.mulf %parallel_loop3A_603, %parallel_loop3A_614 : vector<16xf32>
      %parallel_loop3A_616 = arith.addf %parallel_loop3A_611, %parallel_loop3A_615 : vector<16xf32>
      %parallel_loop3A_617 = arith.mulf %parallel_loop3A_603, %parallel_loop3A_616 : vector<16xf32>
      %parallel_loop3A_618 = arith.addf %parallel_loop3A_584, %parallel_loop3A_617 : vector<16xf32>
      %parallel_loop3A_619 = arith.index_cast %parallel_loop3A_533 : i32 to index
      %parallel_loop3A_620 = arith.constant 16 : index
      %parallel_loop3A_621 = tpu.vector_load %arg11[%parallel_loop3A_619, %parallel_loop3A_620] {strides = array<i32>} : memref<512x32xf32, #tpu.memory_space<vmem>>, vector<16xf32>,
      tpu.vector_store %arg11[%parallel_loop3A_619, %parallel_loop3A_620], %parallel_loop3A_603 {strides = array<i32>} : memref<512x32xf32, #tpu.memory_space<vmem>>, vector<16xf32>,
      %parallel_loop3A_622 = arith.index_cast %parallel_loop3A_533 : i32 to index
      %parallel_loop3A_623 = arith.constant 16 : index
      %parallel_loop3A_624 = tpu.vector_load %arg10[%parallel_loop3A_622, %parallel_loop3A_623] {strides = array<i32>} : memref<512x32xf32, #tpu.memory_space<vmem>>, vector<16xf32>,
      tpu.vector_store %arg10[%parallel_loop3A_622, %parallel_loop3A_623], %parallel_loop3A_618 {strides = array<i32>} : memref<512x32xf32, #tpu.memory_space<vmem>>, vector<16xf32>,
      %parallel_loop3A_625 = arith.constant 3 : i32
      %parallel_loop3A_626 = arith.addi %parallel_loop3A_66, %parallel_loop3A_625 : i32
      %parallel_loop3A_627 = arith.index_cast %parallel_loop3A_626 : i32 to index
      %parallel_loop3A_628 = arith.constant 0 : index
      %parallel_loop3A_629 = tpu.vector_load %arg7[%parallel_loop3A_627, %parallel_loop3A_628] {strides = array<i32>} : memref<512x32xf32, #tpu.memory_space<vmem>>, vector<16xf32>,
      %parallel_loop3A_630 = arith.constant 9.99999997E-7 : f32
      %parallel_loop3A_631 = vector.broadcast %parallel_loop3A_630 : f32 to vector<16xf32>
      %parallel_loop3A_632 = arith.maximumf %parallel_loop3A_629, %parallel_loop3A_631 : vector<16xf32>
      %parallel_loop3A_633 = arith.constant 0.999998986 : f32
      %parallel_loop3A_634 = vector.broadcast %parallel_loop3A_633 : f32 to vector<16xf32>
      %parallel_loop3A_635 = arith.minimumf %parallel_loop3A_632, %parallel_loop3A_634 : vector<16xf32>
      %parallel_loop3A_636 = arith.cmpf olt, %get3A_21, %parallel_loop3A_635 : vector<16xf32>
      %parallel_loop3A_637 = arith.constant 256 : i32
      %parallel_loop3A_638 = arith.constant 0 : i32
      %parallel_loop3A_639 = vector.broadcast %parallel_loop3A_637 : i32 to vector<16xi32>
      %parallel_loop3A_640 = vector.broadcast %parallel_loop3A_638 : i32 to vector<16xi32>
      %parallel_loop3A_641 = arith.select %parallel_loop3A_636, %parallel_loop3A_639, %parallel_loop3A_640 : vector<16xi1>, vector<16xi32>
      %parallel_loop3A_642 = arith.select %parallel_loop3A_636, %get3A_25, %get3A_23 : vector<16xi1>, vector<16xf32>
      %parallel_loop3A_643 = arith.cmpf olt, %parallel_loop3A_642, %parallel_loop3A_635 : vector<16xf32>
      %parallel_loop3A_644 = arith.constant 128 : i32
      %parallel_loop3A_645 = vector.broadcast %parallel_loop3A_644 : i32 to vector<16xi32>
      %parallel_loop3A_646 = arith.addi %parallel_loop3A_641, %parallel_loop3A_645 : vector<16xi32>
      %parallel_loop3A_647 = arith.select %parallel_loop3A_643, %parallel_loop3A_646, %parallel_loop3A_641 : vector<16xi1>, vector<16xi32>
      %parallel_loop3A_648 = arith.select %parallel_loop3A_643, %get3A_33, %get3A_31 : vector<16xi1>, vector<16xf32>
      %parallel_loop3A_649 = arith.select %parallel_loop3A_643, %get3A_29, %get3A_27 : vector<16xi1>, vector<16xf32>
      %parallel_loop3A_650 = arith.select %parallel_loop3A_636, %parallel_loop3A_648, %parallel_loop3A_649 : vector<16xi1>, vector<16xf32>
      %parallel_loop3A_651 = arith.cmpf olt, %parallel_loop3A_650, %parallel_loop3A_635 : vector<16xf32>
      %parallel_loop3A_652 = arith.constant 64 : i32
      %parallel_loop3A_653 = vector.broadcast %parallel_loop3A_652 : i32 to vector<16xi32>
      %parallel_loop3A_654 = arith.addi %parallel_loop3A_647, %parallel_loop3A_653 : vector<16xi32>
      %parallel_loop3A_655 = arith.select %parallel_loop3A_651, %parallel_loop3A_654, %parallel_loop3A_647 : vector<16xi1>, vector<16xi32>
      %parallel_loop3A_656 = arith.constant 32 : i32
      %parallel_loop3A_657 = vector.broadcast %parallel_loop3A_656 : i32 to vector<16xi32>
      %parallel_loop3A_658 = arith.addi %parallel_loop3A_655, %parallel_loop3A_657 : vector<16xi32>
      %parallel_loop3A_659 = arith.addi %parallel_loop3A_658, %add3A_11 : vector<16xi32>
      %parallel_loop3A_660 = tpu.vector_load_idx %arg8[%parallel_loop3A_659] : memref<1056xf32, #tpu.memory_space<vmem>>[vector<16xi32>], vector<16xf32>,
      %parallel_loop3A_661 = arith.cmpf olt, %parallel_loop3A_660, %parallel_loop3A_635 : vector<16xf32>
      %parallel_loop3A_662 = arith.select %parallel_loop3A_661, %parallel_loop3A_658, %parallel_loop3A_655 : vector<16xi1>, vector<16xi32>
      %parallel_loop3A_663 = arith.constant 16 : i32
      %parallel_loop3A_664 = vector.broadcast %parallel_loop3A_663 : i32 to vector<16xi32>
      %parallel_loop3A_665 = arith.addi %parallel_loop3A_662, %parallel_loop3A_664 : vector<16xi32>
      %parallel_loop3A_666 = arith.addi %parallel_loop3A_665, %add3A_11 : vector<16xi32>
      %parallel_loop3A_667 = tpu.vector_load_idx %arg8[%parallel_loop3A_666] : memref<1056xf32, #tpu.memory_space<vmem>>[vector<16xi32>], vector<16xf32>,
      %parallel_loop3A_668 = arith.cmpf olt, %parallel_loop3A_667, %parallel_loop3A_635 : vector<16xf32>
      %parallel_loop3A_669 = arith.select %parallel_loop3A_668, %parallel_loop3A_665, %parallel_loop3A_662 : vector<16xi1>, vector<16xi32>
      %parallel_loop3A_670 = arith.addi %parallel_loop3A_669, %add3A_11 : vector<16xi32>
      %parallel_loop3A_671 = tpu.vector_load_idx %arg8[%parallel_loop3A_670] : memref<1056xf32, #tpu.memory_space<vmem>>[vector<16xi32>], vector<16xf32>,
      %parallel_loop3A_672 = arith.constant 16 : i32
      %parallel_loop3A_673 = vector.broadcast %parallel_loop3A_672 : i32 to vector<16xi32>
      %parallel_loop3A_674 = arith.addi %parallel_loop3A_670, %parallel_loop3A_673 : vector<16xi32>
      %parallel_loop3A_675 = tpu.vector_load_idx %arg8[%parallel_loop3A_674] : memref<1056xf32, #tpu.memory_space<vmem>>[vector<16xi32>], vector<16xf32>,
      %parallel_loop3A_676 = arith.addi %parallel_loop3A_669, %add3A_17 : vector<16xi32>
      %parallel_loop3A_677 = tpu.vector_load_idx %arg9[%parallel_loop3A_676] : memref<2080xf32, #tpu.memory_space<vmem>>[vector<16xi32>], vector<16xf32>,
      %parallel_loop3A_678 = arith.constant 16 : i32
      %parallel_loop3A_679 = vector.broadcast %parallel_loop3A_678 : i32 to vector<16xi32>
      %parallel_loop3A_680 = arith.addi %parallel_loop3A_676, %parallel_loop3A_679 : vector<16xi32>
      %parallel_loop3A_681 = tpu.vector_load_idx %arg9[%parallel_loop3A_680] : memref<2080xf32, #tpu.memory_space<vmem>>[vector<16xi32>], vector<16xf32>,
      %parallel_loop3A_682 = arith.constant 528 : i32
      %parallel_loop3A_683 = vector.broadcast %parallel_loop3A_682 : i32 to vector<16xi32>
      %parallel_loop3A_684 = arith.addi %parallel_loop3A_676, %parallel_loop3A_683 : vector<16xi32>
      %parallel_loop3A_685 = tpu.vector_load_idx %arg9[%parallel_loop3A_684] : memref<2080xf32, #tpu.memory_space<vmem>>[vector<16xi32>], vector<16xf32>,
      %parallel_loop3A_686 = arith.subf %parallel_loop3A_675, %parallel_loop3A_671 : vector<16xf32>
      %parallel_loop3A_687 = arith.constant 1.000000e+00 : f32
      %parallel_loop3A_688 = vector.broadcast %parallel_loop3A_687 : f32 to vector<16xf32>
      %parallel_loop3A_689 = arith.divf %parallel_loop3A_688, %parallel_loop3A_686 : vector<16xf32>
      %parallel_loop3A_690 = arith.mulf %parallel_loop3A_686, %parallel_loop3A_689 : vector<16xf32>
      %parallel_loop3A_691 = arith.constant 2.000000e+00 : f32
      %parallel_loop3A_692 = vector.broadcast %parallel_loop3A_691 : f32 to vector<16xf32>
      %parallel_loop3A_693 = arith.subf %parallel_loop3A_692, %parallel_loop3A_690 : vector<16xf32>
      %parallel_loop3A_694 = arith.mulf %parallel_loop3A_689, %parallel_loop3A_693 : vector<16xf32>
      %parallel_loop3A_695 = arith.subf %parallel_loop3A_635, %parallel_loop3A_671 : vector<16xf32>
      %parallel_loop3A_696 = arith.mulf %parallel_loop3A_695, %parallel_loop3A_694 : vector<16xf32>
      %parallel_loop3A_697 = arith.constant 4.000000e+00 : f32
      %parallel_loop3A_698 = vector.broadcast %parallel_loop3A_697 : f32 to vector<16xf32>
      %parallel_loop3A_699 = arith.mulf %parallel_loop3A_698, %parallel_loop3A_685 : vector<16xf32>
      %parallel_loop3A_700 = arith.constant 3.000000e+00 : f32
      %parallel_loop3A_701 = vector.broadcast %parallel_loop3A_700 : f32 to vector<16xf32>
      %parallel_loop3A_702 = arith.mulf %parallel_loop3A_701, %parallel_loop3A_677 : vector<16xf32>
      %parallel_loop3A_703 = arith.subf %parallel_loop3A_699, %parallel_loop3A_702 : vector<16xf32>
      %parallel_loop3A_704 = arith.subf %parallel_loop3A_703, %parallel_loop3A_681 : vector<16xf32>
      %parallel_loop3A_705 = arith.addf %parallel_loop3A_677, %parallel_loop3A_681 : vector<16xf32>
      %parallel_loop3A_706 = arith.addf %parallel_loop3A_705, %parallel_loop3A_705 : vector<16xf32>
      %parallel_loop3A_707 = arith.subf %parallel_loop3A_706, %parallel_loop3A_699 : vector<16xf32>
      %parallel_loop3A_708 = arith.mulf %parallel_loop3A_696, %parallel_loop3A_707 : vector<16xf32>
      %parallel_loop3A_709 = arith.addf %parallel_loop3A_704, %parallel_loop3A_708 : vector<16xf32>
      %parallel_loop3A_710 = arith.mulf %parallel_loop3A_696, %parallel_loop3A_709 : vector<16xf32>
      %parallel_loop3A_711 = arith.addf %parallel_loop3A_677, %parallel_loop3A_710 : vector<16xf32>
      %parallel_loop3A_712 = arith.index_cast %parallel_loop3A_626 : i32 to index
      %parallel_loop3A_713 = arith.constant 0 : index
      %parallel_loop3A_714 = tpu.vector_load %arg11[%parallel_loop3A_712, %parallel_loop3A_713] {strides = array<i32>} : memref<512x32xf32, #tpu.memory_space<vmem>>, vector<16xf32>,
      tpu.vector_store %arg11[%parallel_loop3A_712, %parallel_loop3A_713], %parallel_loop3A_696 {strides = array<i32>} : memref<512x32xf32, #tpu.memory_space<vmem>>, vector<16xf32>,
      %parallel_loop3A_715 = arith.index_cast %parallel_loop3A_626 : i32 to index
      %parallel_loop3A_716 = arith.constant 0 : index
      %parallel_loop3A_717 = tpu.vector_load %arg10[%parallel_loop3A_715, %parallel_loop3A_716] {strides = array<i32>} : memref<512x32xf32, #tpu.memory_space<vmem>>, vector<16xf32>,
      tpu.vector_store %arg10[%parallel_loop3A_715, %parallel_loop3A_716], %parallel_loop3A_711 {strides = array<i32>} : memref<512x32xf32, #tpu.memory_space<vmem>>, vector<16xf32>,
      %parallel_loop3A_718 = arith.constant 3 : i32
      %parallel_loop3A_719 = arith.addi %parallel_loop3A_66, %parallel_loop3A_718 : i32
      %parallel_loop3A_720 = arith.index_cast %parallel_loop3A_719 : i32 to index
      %parallel_loop3A_721 = arith.constant 16 : index
      %parallel_loop3A_722 = tpu.vector_load %arg7[%parallel_loop3A_720, %parallel_loop3A_721] {strides = array<i32>} : memref<512x32xf32, #tpu.memory_space<vmem>>, vector<16xf32>,
      %parallel_loop3A_723 = arith.constant 9.99999997E-7 : f32
      %parallel_loop3A_724 = vector.broadcast %parallel_loop3A_723 : f32 to vector<16xf32>
      %parallel_loop3A_725 = arith.maximumf %parallel_loop3A_722, %parallel_loop3A_724 : vector<16xf32>
      %parallel_loop3A_726 = arith.constant 0.999998986 : f32
      %parallel_loop3A_727 = vector.broadcast %parallel_loop3A_726 : f32 to vector<16xf32>
      %parallel_loop3A_728 = arith.minimumf %parallel_loop3A_725, %parallel_loop3A_727 : vector<16xf32>
      %parallel_loop3A_729 = arith.cmpf olt, %get3A_35, %parallel_loop3A_728 : vector<16xf32>
      %parallel_loop3A_730 = arith.constant 256 : i32
      %parallel_loop3A_731 = arith.constant 0 : i32
      %parallel_loop3A_732 = vector.broadcast %parallel_loop3A_730 : i32 to vector<16xi32>
      %parallel_loop3A_733 = vector.broadcast %parallel_loop3A_731 : i32 to vector<16xi32>
      %parallel_loop3A_734 = arith.select %parallel_loop3A_729, %parallel_loop3A_732, %parallel_loop3A_733 : vector<16xi1>, vector<16xi32>
      %parallel_loop3A_735 = arith.select %parallel_loop3A_729, %get3A_39, %get3A_37 : vector<16xi1>, vector<16xf32>
      %parallel_loop3A_736 = arith.cmpf olt, %parallel_loop3A_735, %parallel_loop3A_728 : vector<16xf32>
      %parallel_loop3A_737 = arith.constant 128 : i32
      %parallel_loop3A_738 = vector.broadcast %parallel_loop3A_737 : i32 to vector<16xi32>
      %parallel_loop3A_739 = arith.addi %parallel_loop3A_734, %parallel_loop3A_738 : vector<16xi32>
      %parallel_loop3A_740 = arith.select %parallel_loop3A_736, %parallel_loop3A_739, %parallel_loop3A_734 : vector<16xi1>, vector<16xi32>
      %parallel_loop3A_741 = arith.select %parallel_loop3A_736, %get3A_47, %get3A_45 : vector<16xi1>, vector<16xf32>
      %parallel_loop3A_742 = arith.select %parallel_loop3A_736, %get3A_43, %get3A_41 : vector<16xi1>, vector<16xf32>
      %parallel_loop3A_743 = arith.select %parallel_loop3A_729, %parallel_loop3A_741, %parallel_loop3A_742 : vector<16xi1>, vector<16xf32>
      %parallel_loop3A_744 = arith.cmpf olt, %parallel_loop3A_743, %parallel_loop3A_728 : vector<16xf32>
      %parallel_loop3A_745 = arith.constant 64 : i32
      %parallel_loop3A_746 = vector.broadcast %parallel_loop3A_745 : i32 to vector<16xi32>
      %parallel_loop3A_747 = arith.addi %parallel_loop3A_740, %parallel_loop3A_746 : vector<16xi32>
      %parallel_loop3A_748 = arith.select %parallel_loop3A_744, %parallel_loop3A_747, %parallel_loop3A_740 : vector<16xi1>, vector<16xi32>
      %parallel_loop3A_749 = arith.constant 32 : i32
      %parallel_loop3A_750 = vector.broadcast %parallel_loop3A_749 : i32 to vector<16xi32>
      %parallel_loop3A_751 = arith.addi %parallel_loop3A_748, %parallel_loop3A_750 : vector<16xi32>
      %parallel_loop3A_752 = arith.addi %parallel_loop3A_751, %add3A_14 : vector<16xi32>
      %parallel_loop3A_753 = tpu.vector_load_idx %arg8[%parallel_loop3A_752] : memref<1056xf32, #tpu.memory_space<vmem>>[vector<16xi32>], vector<16xf32>,
      %parallel_loop3A_754 = arith.cmpf olt, %parallel_loop3A_753, %parallel_loop3A_728 : vector<16xf32>
      %parallel_loop3A_755 = arith.select %parallel_loop3A_754, %parallel_loop3A_751, %parallel_loop3A_748 : vector<16xi1>, vector<16xi32>
      %parallel_loop3A_756 = arith.constant 16 : i32
      %parallel_loop3A_757 = vector.broadcast %parallel_loop3A_756 : i32 to vector<16xi32>
      %parallel_loop3A_758 = arith.addi %parallel_loop3A_755, %parallel_loop3A_757 : vector<16xi32>
      %parallel_loop3A_759 = arith.addi %parallel_loop3A_758, %add3A_14 : vector<16xi32>
      %parallel_loop3A_760 = tpu.vector_load_idx %arg8[%parallel_loop3A_759] : memref<1056xf32, #tpu.memory_space<vmem>>[vector<16xi32>], vector<16xf32>,
      %parallel_loop3A_761 = arith.cmpf olt, %parallel_loop3A_760, %parallel_loop3A_728 : vector<16xf32>
      %parallel_loop3A_762 = arith.select %parallel_loop3A_761, %parallel_loop3A_758, %parallel_loop3A_755 : vector<16xi1>, vector<16xi32>
      %parallel_loop3A_763 = arith.addi %parallel_loop3A_762, %add3A_14 : vector<16xi32>
      %parallel_loop3A_764 = tpu.vector_load_idx %arg8[%parallel_loop3A_763] : memref<1056xf32, #tpu.memory_space<vmem>>[vector<16xi32>], vector<16xf32>,
      %parallel_loop3A_765 = arith.constant 16 : i32
      %parallel_loop3A_766 = vector.broadcast %parallel_loop3A_765 : i32 to vector<16xi32>
      %parallel_loop3A_767 = arith.addi %parallel_loop3A_763, %parallel_loop3A_766 : vector<16xi32>
      %parallel_loop3A_768 = tpu.vector_load_idx %arg8[%parallel_loop3A_767] : memref<1056xf32, #tpu.memory_space<vmem>>[vector<16xi32>], vector<16xf32>,
      %parallel_loop3A_769 = arith.addi %parallel_loop3A_762, %add3A_20 : vector<16xi32>
      %parallel_loop3A_770 = tpu.vector_load_idx %arg9[%parallel_loop3A_769] : memref<2080xf32, #tpu.memory_space<vmem>>[vector<16xi32>], vector<16xf32>,
      %parallel_loop3A_771 = arith.constant 16 : i32
      %parallel_loop3A_772 = vector.broadcast %parallel_loop3A_771 : i32 to vector<16xi32>
      %parallel_loop3A_773 = arith.addi %parallel_loop3A_769, %parallel_loop3A_772 : vector<16xi32>
      %parallel_loop3A_774 = tpu.vector_load_idx %arg9[%parallel_loop3A_773] : memref<2080xf32, #tpu.memory_space<vmem>>[vector<16xi32>], vector<16xf32>,
      %parallel_loop3A_775 = arith.constant 528 : i32
      %parallel_loop3A_776 = vector.broadcast %parallel_loop3A_775 : i32 to vector<16xi32>
      %parallel_loop3A_777 = arith.addi %parallel_loop3A_769, %parallel_loop3A_776 : vector<16xi32>
      %parallel_loop3A_778 = tpu.vector_load_idx %arg9[%parallel_loop3A_777] : memref<2080xf32, #tpu.memory_space<vmem>>[vector<16xi32>], vector<16xf32>,
      %parallel_loop3A_779 = arith.subf %parallel_loop3A_768, %parallel_loop3A_764 : vector<16xf32>
      %parallel_loop3A_780 = arith.constant 1.000000e+00 : f32
      %parallel_loop3A_781 = vector.broadcast %parallel_loop3A_780 : f32 to vector<16xf32>
      %parallel_loop3A_782 = arith.divf %parallel_loop3A_781, %parallel_loop3A_779 : vector<16xf32>
      %parallel_loop3A_783 = arith.mulf %parallel_loop3A_779, %parallel_loop3A_782 : vector<16xf32>
      %parallel_loop3A_784 = arith.constant 2.000000e+00 : f32
      %parallel_loop3A_785 = vector.broadcast %parallel_loop3A_784 : f32 to vector<16xf32>
      %parallel_loop3A_786 = arith.subf %parallel_loop3A_785, %parallel_loop3A_783 : vector<16xf32>
      %parallel_loop3A_787 = arith.mulf %parallel_loop3A_782, %parallel_loop3A_786 : vector<16xf32>
      %parallel_loop3A_788 = arith.subf %parallel_loop3A_728, %parallel_loop3A_764 : vector<16xf32>
      %parallel_loop3A_789 = arith.mulf %parallel_loop3A_788, %parallel_loop3A_787 : vector<16xf32>
      %parallel_loop3A_790 = arith.constant 4.000000e+00 : f32
      %parallel_loop3A_791 = vector.broadcast %parallel_loop3A_790 : f32 to vector<16xf32>
      %parallel_loop3A_792 = arith.mulf %parallel_loop3A_791, %parallel_loop3A_778 : vector<16xf32>
      %parallel_loop3A_793 = arith.constant 3.000000e+00 : f32
      %parallel_loop3A_794 = vector.broadcast %parallel_loop3A_793 : f32 to vector<16xf32>
      %parallel_loop3A_795 = arith.mulf %parallel_loop3A_794, %parallel_loop3A_770 : vector<16xf32>
      %parallel_loop3A_796 = arith.subf %parallel_loop3A_792, %parallel_loop3A_795 : vector<16xf32>
      %parallel_loop3A_797 = arith.subf %parallel_loop3A_796, %parallel_loop3A_774 : vector<16xf32>
      %parallel_loop3A_798 = arith.addf %parallel_loop3A_770, %parallel_loop3A_774 : vector<16xf32>
      %parallel_loop3A_799 = arith.addf %parallel_loop3A_798, %parallel_loop3A_798 : vector<16xf32>
      %parallel_loop3A_800 = arith.subf %parallel_loop3A_799, %parallel_loop3A_792 : vector<16xf32>
      %parallel_loop3A_801 = arith.mulf %parallel_loop3A_789, %parallel_loop3A_800 : vector<16xf32>
      %parallel_loop3A_802 = arith.addf %parallel_loop3A_797, %parallel_loop3A_801 : vector<16xf32>
      %parallel_loop3A_803 = arith.mulf %parallel_loop3A_789, %parallel_loop3A_802 : vector<16xf32>
      %parallel_loop3A_804 = arith.addf %parallel_loop3A_770, %parallel_loop3A_803 : vector<16xf32>
      %parallel_loop3A_805 = arith.index_cast %parallel_loop3A_719 : i32 to index
      %parallel_loop3A_806 = arith.constant 16 : index
      %parallel_loop3A_807 = tpu.vector_load %arg11[%parallel_loop3A_805, %parallel_loop3A_806] {strides = array<i32>} : memref<512x32xf32, #tpu.memory_space<vmem>>, vector<16xf32>,
      tpu.vector_store %arg11[%parallel_loop3A_805, %parallel_loop3A_806], %parallel_loop3A_789 {strides = array<i32>} : memref<512x32xf32, #tpu.memory_space<vmem>>, vector<16xf32>,
      %parallel_loop3A_808 = arith.index_cast %parallel_loop3A_719 : i32 to index
      %parallel_loop3A_809 = arith.constant 16 : index
      %parallel_loop3A_810 = tpu.vector_load %arg10[%parallel_loop3A_808, %parallel_loop3A_809] {strides = array<i32>} : memref<512x32xf32, #tpu.memory_space<vmem>>, vector<16xf32>,
      tpu.vector_store %arg10[%parallel_loop3A_808, %parallel_loop3A_809], %parallel_loop3A_804 {strides = array<i32>} : memref<512x32xf32, #tpu.memory_space<vmem>>, vector<16xf32>,
    } {sc.loop_unroll_factor = 1 : i64, sc.parallel_access}
    %dma_start3A_50 = arith.constant 0 : i32
    %dma_start3A_51 = tpu.memref_slice %arg5[%mul3A_2, %dma_start3A_50] : memref<16384x128xf32, #tpu.memory_space<hbm>> -> memref<512x32xf32, #tpu.memory_space<hbm>>
    %dma_start3A_52 = arith.constant 0 : i32
    %dma_start3A_53 = tpu.memref_slice %arg5[%mul3A_2, %dma_start3A_52] : memref<16384x128xf32, #tpu.memory_space<hbm>> -> memref<512x32xf32, #tpu.memory_space<hbm>>
    tpu.enqueue_dma source(%arg10 : memref<512x32xf32, #tpu.memory_space<vmem>>) target(%dma_start3A_53 : memref<512x32xf32, #tpu.memory_space<hbm>>) target_semaphore(%arg12 : memref<!tpu.dma_semaphore, #tpu.memory_space<semaphore_mem>>)
    %dma_start3A_54 = arith.constant 0 : i32
    %dma_start3A_55 = tpu.memref_slice %arg6[%mul3A_2, %dma_start3A_54] : memref<16384x128xf32, #tpu.memory_space<hbm>> -> memref<512x32xf32, #tpu.memory_space<hbm>>
    %dma_start3A_56 = arith.constant 0 : i32
    %dma_start3A_57 = tpu.memref_slice %arg6[%mul3A_2, %dma_start3A_56] : memref<16384x128xf32, #tpu.memory_space<hbm>> -> memref<512x32xf32, #tpu.memory_space<hbm>>
    tpu.enqueue_dma source(%arg11 : memref<512x32xf32, #tpu.memory_space<vmem>>) target(%dma_start3A_57 : memref<512x32xf32, #tpu.memory_space<hbm>>) target_semaphore(%arg12 : memref<!tpu.dma_semaphore, #tpu.memory_space<semaphore_mem>>)
    %dma_wait3A_58 = arith.constant 0 : i32
    %dma_wait3A_59 = tpu.memref_slice %arg5[%mul3A_2, %dma_wait3A_58] : memref<16384x128xf32, #tpu.memory_space<hbm>> -> memref<512x32xf32, #tpu.memory_space<hbm>>
    %dma_wait3A_60 = arith.constant 0 : i32
    %dma_wait3A_61 = tpu.memref_slice %arg5[%mul3A_2, %dma_wait3A_60] : memref<16384x128xf32, #tpu.memory_space<hbm>> -> memref<512x32xf32, #tpu.memory_space<hbm>>
    tpu.wait_dma2 semaphore(%arg12 : memref<!tpu.dma_semaphore, #tpu.memory_space<semaphore_mem>>) src(%arg10 : memref<512x32xf32, #tpu.memory_space<vmem>>) dst(%dma_wait3A_61 : memref<512x32xf32, #tpu.memory_space<hbm>>)
    %dma_wait3A_62 = arith.constant 0 : i32
    %dma_wait3A_63 = tpu.memref_slice %arg6[%mul3A_2, %dma_wait3A_62] : memref<16384x128xf32, #tpu.memory_space<hbm>> -> memref<512x32xf32, #tpu.memory_space<hbm>>
    %dma_wait3A_64 = arith.constant 0 : i32
    %dma_wait3A_65 = tpu.memref_slice %arg6[%mul3A_2, %dma_wait3A_64] : memref<16384x128xf32, #tpu.memory_space<hbm>> -> memref<512x32xf32, #tpu.memory_space<hbm>>
    tpu.wait_dma2 semaphore(%arg12 : memref<!tpu.dma_semaphore, #tpu.memory_space<semaphore_mem>>) src(%arg11 : memref<512x32xf32, #tpu.memory_space<vmem>>) dst(%dma_wait3A_65 : memref<512x32xf32, #tpu.memory_space<hbm>>)
    return
  }
}

</mosaic_0001>

<sc_bundles>
// kernel: kernel.3.cloned.1.call-start
scs
__scs_entry_jumppad:
0x0: {  	(pc) =	sbr.rel $0x88, $3  }
0x1: {  	(tag) =	ssettag $0x0;
	lr =	simm.s32 $0x1  }
0x2: {  	[smem:$0x3F9E] =	sst lr;
	_ =	strace $0xD0000000  }
0x3: {  	_ = 	snop  }
0x4: {  	_ = 	snop  }
0x5: {  	_ = 	snop  }
0x6: {  	_ = 	snop  }
0x7: {  	_ = 	snop  }
__scs_overlays_trampoline_lowered:
0x8: {  	[smem:$0x3FAD] =	sst s0  }
0x9: {  	[smem:$0x3FAE] =	sst s1  }
0xa: {  	[smem:$0x3FAF] =	sst s2  }
0xb: {  	[smem:$0x3FB0] =	sst s3  }
0xc: {  	[smem:$0x3FB1] =	sst s4  }
0xd: {  	[smem:$0x3FB2] =	sst s5  }
0xe: {  	[smem:$0x3FB3] =	sst s6  }
0xf: {  	[smem:$0x3FB4] =	sst s7  }
0x10: {  	[smem:$0x3FB5] =	sst s8  }
0x11: {  	[smem:$0x3FB6] =	sst s9;
	s0 =	simm.s32 @!p0 $0x0  }
0x12: {  	s1 =	sld [smem:$0x3F9C];
	s0 =	simm.s32 @p0 $0x1  }
0x13: {  	[smem:$0x3FB7] =	sst s0;
	s0 =	simm.s32 @!p1 $0x0  }
0x14: {  	s2 =	sld [smem:$0x3F9B];
	s0 =	simm.s32 @p1 $0x1  }
0x15: {  	[smem:$0x3FB8] =	sst s0;
	s0 =	simm.s32 @!p2 $0x0  }
0x16: {  	s3 =	sld [smem:$0x3FDB];
	s0 =	simm.s32 @p2 $0x1  }
0x17: {  	s4 =	simm.s32 $0x1BF5;
	[smem:$0x3FBA] =	sst s0  }
0x18: {  	s0 =	sld [smem:$0x3F9D];
	_ =	swait.ge [sflag:s4], $0x0  }
0x19: {  	s7 =	sld [smem:$0x3F9E]  }
0x1a: {  	s8 =	sadd.s32 $0xFFFFE003, lr  }
0x1b: {  	s9 =	sadd.s32 $0xFFFFFEF7, lr;
	s5 =	simm.s32 $0xFFFFFFFF;
	p2 =	slt.u32 s8, $0xFFFFF086  }
0x1c: {  	p1 =	slt.u32 s9, $0xF7A;
	s5 =	simm.s32 @!p2 $0x0  }
0x1d: {  	s5 =	simm.s32 @p1 $0x1;
	p0 =	seq.s32 s7, s2  }
0x1e: {  	s7 =	smul.u32 @!p0 $0xF7A, s2;
	p2 =	seq.s32 @!p0 s5, $0x0  }
0x1f: {  	s9 =	smul.u32 $0xF7A, s1;
	s8 =	simm.s32 @!p0 $0x1BF5;
	p2 =	por !p2, p0  }
0x20: {  	[sflag:s8] =	ssyncset.s32 @!p0 $0xFFFFF086;
	s6 =	sadd.s32 @!p0 s3, s7;
	s7 =	simm.s32 @!p0 $0x108  }
0x21: {  	s3 =	sadd.s32 s3, s9;
	s6 =	sadd.s32 @!p0 $0x88, s6;
	s7 =	simm.s32 @p2 $0x1082  }
0x22: {  	[simem:s7], [sflag:s8] =	dma.local @!p0 [hbm:s6], $0xF7A  }
0x23: {  	s9 =	sor.u32 $0xD0000000, s2;
	s6 =	simm.s32 $0x108;
	_ =	swait.ge @!p0 [sflag:s8], $0x0  }
0x24: {  	s3 =	sadd.s32 $0x88, s3;
	s6 =	simm.s32 @!p1 $0x1082;
	[sflag:s4] =	ssyncset.s32 $0xFFFFF086  }
0x25: {  	[simem:s6], [sflag:s4] =	dma.local [hbm:s3], $0xF7A  }
0x26: {  	[smem:$0x3F9E] =	sst s1;
	(tag) =	ssettag s2;
	_ =	strace s9  }
0x27: {  	s1 =	sld [smem:$0x3FAE]  }
0x28: {  	s2 =	sld [smem:$0x3FAF]  }
0x29: {  	s4 =	sld [smem:$0x3FB1]  }
0x2a: {  	p0 =	seq.s32 s5, $0x0;
	s5 =	sld [smem:$0x3FB2]  }
0x2b: {  	s6 =	sld [smem:$0x3FB3]  }
0x2c: {  	s7 =	sld [smem:$0x3FB4]  }
0x2d: {  	s3 =	simm.s32 $0x108;
	s8 =	sld [smem:$0x3FB5]  }
0x2e: {  	s3 =	simm.s32 @!p0 $0x1082;
	s9 =	sld [smem:$0x3FB6]  }
0x2f: {  	lr =	sadd.s32 s0, s3;
	s0 =	sld [smem:$0x3FAD]  }
0x30: {  	s3 =	sld [smem:$0x3FB0]  }
0x31: {  	[smem:$0x3FB9] =	sst s10  }
0x32: {  	s10 =	sld [smem:$0x3FB7];
	_ =	sdelay $0x3  }
0x33: {  	p0 =	seq.s32 s10, $0x1;
	s10 =	sld [smem:$0x3FB9];
	_ =	sdelay $0x3  }
0x34: {  	[smem:$0x3FB9] =	sst s10  }
0x35: {  	s10 =	sld [smem:$0x3FB8];
	_ =	sdelay $0x3  }
0x36: {  	p1 =	seq.s32 s10, $0x1;
	s10 =	sld [smem:$0x3FB9];
	_ =	sdelay $0x3  }
0x37: {  	[smem:$0x3FB9] =	sst s10  }
0x38: {  	s10 =	sld [smem:$0x3FBA]  }
0x39: {  	_ = 	snop;
	(pc) =	sbr.ind lr, $3  }
0x3a: {  	_ = 	snop  }
0x3b: {  	_ = 	snop  }
0x3c: {  	p2 =	seq.s32 s10, $0x1;
	s10 =	sld [smem:$0x3FB9]  }
0x3d: {  	_ =	shalt  }
0x3e: {  	_ =	shalt  }
0x3f: {  	_ =	shalt  }
0x40: {  	_ =	shalt  }
0x41: {  	_ =	shalt  }
0x42: {  	_ =	shalt  }
0x43: {  	_ =	shalt  }
0x44: {  	_ =	shalt  }
0x45: {  	_ =	shalt  }
0x46: {  	_ =	shalt  }
0x47: {  	_ =	shalt  }
0x48: {  	_ =	shalt  }
0x49: {  	_ =	shalt  }
0x4a: {  	_ =	shalt  }
0x4b: {  	_ =	shalt  }
0x4c: {  	_ =	shalt  }
0x4d: {  	_ =	shalt  }
0x4e: {  	_ =	shalt  }
0x4f: {  	_ =	shalt  }
0x50: {  	_ =	shalt  }
0x51: {  	_ =	shalt  }
0x52: {  	_ =	shalt  }
0x53: {  	_ =	shalt  }
0x54: {  	_ =	shalt  }
0x55: {  	_ =	shalt  }
0x56: {  	_ =	shalt  }
0x57: {  	_ =	shalt  }
0x58: {  	_ =	shalt  }
0x59: {  	_ =	shalt  }
0x5a: {  	_ =	shalt  }
0x5b: {  	_ =	shalt  }
0x5c: {  	_ =	shalt  }
0x5d: {  	_ =	shalt  }
0x5e: {  	_ =	shalt  }
0x5f: {  	_ =	shalt  }
0x60: {  	_ =	shalt  }
0x61: {  	_ =	shalt  }
0x62: {  	_ =	shalt  }
0x63: {  	_ =	shalt  }
0x64: {  	_ =	shalt  }
0x65: {  	_ =	shalt  }
0x66: {  	_ =	shalt  }
0x67: {  	_ =	shalt  }
0x68: {  	_ =	shalt  }
0x69: {  	_ =	shalt  }
0x6a: {  	_ =	shalt  }
0x6b: {  	_ =	shalt  }
0x6c: {  	_ =	shalt  }
0x6d: {  	_ =	shalt  }
0x6e: {  	_ =	shalt  }
0x6f: {  	_ =	shalt  }
0x70: {  	_ =	shalt  }
0x71: {  	_ =	shalt  }
0x72: {  	_ =	shalt  }
0x73: {  	_ =	shalt  }
0x74: {  	_ =	shalt  }
0x75: {  	_ =	shalt  }
0x76: {  	_ =	shalt  }
0x77: {  	_ =	shalt  }
0x78: {  	_ =	shalt  }
0x79: {  	_ =	shalt  }
0x7a: {  	_ =	shalt  }
0x7b: {  	_ =	shalt  }
0x7c: {  	_ =	shalt  }
0x7d: {  	_ =	shalt  }
0x7e: {  	_ =	shalt  }
0x7f: {  	_ =	shalt  }
0x80: {  	_ =	shalt  }
0x81: {  	_ =	shalt  }
0x82: {  	_ =	shalt  }
0x83: {  	_ =	shalt  }
0x84: {  	_ =	shalt  }
0x85: {  	_ =	shalt  }
0x86: {  	_ =	shalt  }
0x87: {  	_ =	shalt  }
.Lfunc_end0:
.L_simem_size_0:
called_computation_lowered:
.L_overlay_start_0:
0x88: {  	s2 =	sld [smem:$0x3FD9]  }
0x89: {  	s3 =	sld [smem:$0x3FFE];
	_ =	sdelay $0x1  }
0x8a: {  	s1 =	srdreg.scid  }
0x8b: {  	s0 =	sand.u32 $0x1, s1  }
0x8c: {  	s14 =	sshll.u32 s0, $0xA;
	s2 =	sadd.s32 s3, s2  }
0x8d: {  	s2 =	sadd.s32 s2, s14  }
0x8e: {  	[smem:$0x3FC5] =	sst s2  }
0x8f: {  	_ = 	snop  }
0x90: {  	s2 =	sld [smem:$0x3FD0];
	_ =	sdelay $0x2  }
0x91: {  	s15 =	simm.s32 $0xA;
	s4 =	simm.s32 $0x10  }
0x92: {  	[smem:s4], [sflag:s15] =	dma.local [hbm:s2], $0x1  }
0x93: {  	_ =	swait.eq [sflag:s15], $0x1  }
0x94: {  	[sflag:s15] =	ssyncset.done $0x0  }
0x95: {  	s16 =	sld [smem:$0x10];
	[sflag:s15] =	ssyncadd.s32 $0xFFFFFFFF  }
0x96: {  	s17 =	sld [smem:$0x11];
	(tm) =	ssettm $0x1  }
0x97: {  	s18 =	sld [smem:$0x3FFB];
	_ =	sdelay $0x3  }
0x98: {  	_ =	strace s18  }
0x99: {  	s4 =	sld [smem:$0x3FFC];
	_ =	sdelay $0x3  }
0x9a: {  	_ =	strace s4  }
0x9b: {  	s4 =	sld [smem:$0x3FFD];
	_ =	sdelay $0x3  }
0x9c: {  	_ =	strace s4  }
0x9d: {  	_ =	strace $0x8FFFFFFF  }
0x9e: {  	s19 =	sld [smem:$0x3FDB];
	_ =	sdelay $0x1  }
0x9f: {  	s5 =	simm.s32 $_scs_section_size  }
0xa0: {  	s6 =	simm.s32 $_size__tile_overlayer_lowered;
	s7 =	simm.s32 $_tile_overlayer_lowered  }
0xa1: {  	s22 =	simm.s32 $0x1BFF;
	s21 =	sshll.u32 s7, $0x1;
	s4 =	sadd.s32 s5, s19  }
0xa2: {  	s8 =	simm.s32 $0x0;
	s20 =	sshll.u32 s6, $0x1;
	s6 =	sadd.s32 s21, s4  }
0xa3: {  	[timem:s8], [sflag:s22] =	dma.local [hbm:s6], s20  }
0xa4: {  	_ =	swait.ge [sflag:s22], s20  }
0xa5: {  	s5 =	ssub.s32 $0x0, s20;
	[sflag:s22] =	ssyncset.done $0x0  }
0xa6: {  	[sflag:s22] =	ssyncadd.s32 s5;
	_ =	sdelay $0x1  }
0xa7: {  	s23 =	simm.s32 $0x1B8B  }
0xa8: {  	_ =	swait.ge [sflag:s23], $0x1  }
0xa9: {  	[sflag:s23] =	ssyncset.done $0x0  }
0xaa: {  	s25 =	simm.s32 $0x1B8E;
	s24 =	sld [smem:$0x3FFE];
	[sflag:s23] =	ssyncadd.s32 $0xFFFFFFFF  }
0xab: {  	s26 =	simm.s32 $execute0_lowered;
	[smem:$0x3FD2] =	sst s25  }
0xac: {  	s6 =	sshll.u32 s26, $0x1;
	_ =	strace $0x80000046;
	[dreg:$0x1] =	wrdreg $0xFFFFFFFF  }
0xad: {  	s28 =	simm.s32 $_size_execute0_lowered;
	s4 =	sadd.s32 s4, s6;
	[dreg:$0x0] =	wrdreg $0x0  }
0xae: {  	s6 =	sshll.u32 s28, $0x1;
	[dreg:$0x2] =	wrdreg s4  }
0xaf: {  	[dreg:$0x3] =	wrdreg s6  }
0xb0: {  	[dreg:$0x4] =	wrdreg $0xC0  }
0xb1: {  	_ =	task [dreg:s8], $0x5FFFF  }
0xb2: {  	[dreg:$0x1] =	wrdreg $0xFFFFFFFF  }
0xb3: {  	[dreg:$0x0] =	wrdreg $0x60  }
0xb4: {  	[dreg:$0x2] =	wrdreg s24  }
0xb5: {  	[dreg:$0x3] =	wrdreg s16  }
0xb6: {  	[dreg:$0x4] =	wrdreg s17  }
0xb7: {  	[dreg:$0x5] =	wrdreg $0x9  }
0xb8: {  	_ =	task.clear_ibuf [dreg:s8], $0x6FFFF;
	_ =	strace $0x90000046  }
0xb9: {  	s29 =	simm.s32 $0x9;
	_ =	strace $0x80000048  }
0xba: {  	_ =	swait.ge [sflag:s29], $0x1  }
0xbb: {  	[sflag:s29] =	ssyncadd.s32 $0xFFFFFFFF  }
0xbc: {  	_ =	strace $0x90000048  }
0xbd: {  	_ =	sfence  }
0xbe: {  	s30 =	sld [smem:$0x0];
	_ =	sdelay $0x2  }
0xbf: {  	s31 =	sshll.u32 s1, $0xD;
	s1 =	sshrl.u32 s1, $0x2  }
0xc0: {  	s3 =	sand.u32 $0x4000, s31;
	s1 =	sadd.s32 s1, s30  }
0xc1: {  	s0 =	sor.u32 s3, s0;
	s1 =	sshll.u32 s1, $0x11  }
0xc2: {  	s0 =	sor.u32 s1, s0  }
0xc3: {  	s0 =	sadd.s32 $0x8F2B, s0  }
0xc4: {  	[sflag:s0] =	ssyncadd.remote.s32 $0x1  }
0xc5: {  	_ =	sfence.sel $0xFFFF  }
0xc6: {  	[dreg:$0x0] =	wrdreg $0xFFFFFFFF;
	(pc) =	sbr.abs _section_cstart, $3  }
0xc7: {  	[dreg:$0x1] =	wrdreg $0xFFFFFFFF  }
0xc8: {  	_ =	task.clear_ibuf [dreg:s8], $0x2FFFF;
	_ =	strace $0x9FFFFFFF  }
0xc9: {  	(tm) =	ssettm $0x7FFFFFFF  }
tec
execute0_lowered:
.L_overlay_start_1:
0x0: {  	(tag) =	ssettag $0x1  }
0x1: {  	s0 =	rddreg [dreg:$0x0]  }
0x2: {  	s3 =	rddreg [dreg:$0x2];
	s1 =	srdreg.scid  }
0x3: {  	s4 =	simm.s32 $0x0;
	s5 =	stileid.u32;
	s9 =	simm.s32 $0x20  }
0x4: {  	s10 =	simm.s32 $0x80;
	s11 =	simm.s32 $0x4000;
	s12 =	simm.s32 $0x4420  }
0x5: {  	s13 =	simm.s32 $0x1;
	s14 =	simm.s32 $0x4C40;
	s1 =	sand.u32 $0x1, s1  }
0x6: {  	s15 =	simm.s32 $0x8C40;
	s5 =	sshll.u32 s5, $0xD;
	s2 =	sshll.u32 s1, $0x11  }
0x7: {  	v0 =	vlaneseq.u32;
	s16 =	simm.s32 $0x0;
	s1 =	ssub.s32 $0x2, s1;
	s2 =	sor.u32 s5, s2  }
0x8: {  	v1 =	vimm.s32 $0x0;
	[smem:$0x7FF] =	sst s4;
	v2 =	vor.u32 $0x20, v0;
	v3 =	vor.u32 $0x10, v0;
	s31 =	sshrl.u32 s1, $0x1;
	s0 =	sadd.s32 s2, s0  }
0x9: {  	v4 =	vor.u32 $0x210, v0;
	v5 =	vor.u32 $0x230, v0;
	v6 =	vor.u32 $0x220, v0;
	_ =	strace $0x80000047;
	s1 =	ssub.s32 s1, s31;
	s5 =	sadd.s32 $0xA00, s0  }
0xa: {  	v7 =	vor.u32 $0x410, v0;
	v8 =	vor.u32 $0x420, v0;
	v9 =	vor.u32 $0x620, v0;
	s6 =	sadd.s32 $0x40A00, s0;
	s7 =	sadd.s32 $0x80A00, s0;
	s8 =	smax.u32 s1, $0x1  }
.LBB2_1:
0xb: {  	[tilespmem:s4], [sflag:$0x1] =	stream.strided.gather [hbm4b:s5+s9], $0x4000, s10, s9, $0x38;
	[tilespmem:$0xCC40] =	vst v63  }
0xc: {  	s0 =	rddreg [dreg:$0x1]  }
0xd: {  	[tilespmem:s11], [sflag:$0x1] =	stream.linear.gather [hbm4b:s0+s4], $0x420, $0x38;
	[tilespmem:$0xCC40] =	vst v63  }
0xe: {  	_ = 	snop  }
0xf: {  	[tilespmem:s12], [sflag:$0x1] =	stream.linear.gather [hbm4b:s3+s4], $0x820, $0x38;
	[tilespmem:$0xCC40] =	vst v63  }
0x10: {  	_ =	swait.ge [sflag:s13], $0x4000  }
0x11: {  	[sflag:s13] =	ssyncset.done $0x0  }
0x12: {  	[sflag:s13] =	ssyncadd.s32 $0xFFFFC000  }
0x13: {  	_ =	swait.ge [sflag:s13], $0x420  }
0x14: {  	[sflag:s13] =	ssyncset.done $0x0  }
0x15: {  	[sflag:s13] =	ssyncadd.s32 $0xFFFFFBE0  }
0x16: {  	_ =	swait.ge [sflag:s13], $0x820  }
0x17: {  	[sflag:s13] =	ssyncset.done $0x0  }
0x18: {  	[sflag:s13] =	ssyncadd.s32 $0xFFFFF7E0  }
0x19: {  	v21 =	vld [tilespmem:$0x4100]  }
0x1a: {  	s30 =	simm.s32 $0x40;
	v19 =	vld [tilespmem:$0x4080]  }
0x1b: {  	v10 =	vld [tilespmem:s30+$0xFFFFFFC0]  }
0x1c: {  	v23 =	vld [tilespmem:$0x4180]  }
0x1d: {  	v17 =	vld [tilespmem:$0x4040]  }
0x1e: {  	v18 =	vld [tilespmem:$0x40C0]  }
0x1f: {  	v20 =	vld [tilespmem:$0x4140]  }
0x20: {  	v22 =	vld [tilespmem:$0x41C0];
	v10 =	vmax.f32 v10, $9.999999970e-07  }
0x21: {  	v10 =	vmin.f32 v10, $9.999989860e-01  }
0x22: {  	vm0 =	vlt.f32 v21, v10  }
0x23: {  	v11 =	vsel vm0, v23, v19  }
0x24: {  	v12 =	vsel vm0, $0x100, v1;
	vm1 =	vlt.f32 v11, v10  }
0x25: {  	v11 =	vor.u32 $0x80, v12;
	v13 =	vsel vm1, v22, v20;
	v14 =	vsel vm1, v18, v17  }
0x26: {  	v11 =	vsel vm1, v11, v12;
	v12 =	vsel vm0, v13, v14  }
0x27: {  	v13 =	vor.u32 $0x40, v11;
	vm0 =	vlt.f32 v12, v10  }
0x28: {  	v11 =	vsel vm0, v13, v11  }
0x29: {  	v12 =	vor.u32 v2, v11;
	_ =	sdelay $0x4  }
0x2a: {  	v12 =	vld.idx.msk [tilespmem:v12+s11+$0x0], $0xffff;
	_ =	sdelay $0x4  }
0x2b: {  	v13 =	vor.u32 $0x20, v11;
	vm12 =	vlt.f32 v12, v10  }
0x2c: {  	v11 =	vsel vm12, v13, v11  }
0x2d: {  	v12 =	vadd.s32 v3, v11;
	_ =	sdelay $0x4  }
0x2e: {  	v12 =	vld.idx.msk [tilespmem:v12+s11+$0x0], $0xffff;
	_ =	sdelay $0x4  }
0x2f: {  	v13 =	vadd.s32 $0x10, v11;
	vm13 =	vlt.f32 v12, v10  }
0x30: {  	v11 =	vsel vm13, v13, v11  }
0x31: {  	v12 =	vadd.s32 v0, v11  }
0x32: {  	v13 =	vadd.s32 v3, v11;
	_ =	sdelay $0x3  }
0x33: {  	v14 =	vld.idx.msk [tilespmem:v12+s11+$0x0], $0xffff  }
0x34: {  	v15 =	vld.idx.msk [tilespmem:v13+s11+$0x0], $0xffff;
	_ =	sdelay $0x4  }
0x35: {  	v15 =	vsub.f32 v15, v14;
	_ =	sdelay $0x1  }
0x36: {  	(erf) = vrcp.f32 v15;
	_ =	sdelay $0x2  }
0x37: {  	v11 =	vadd.s32 v4, v11;
	_ =	sdelay $0x2  }
0x38: {  	v24 =	vld.idx.msk [tilespmem:v12+s12+$0x0], $0xffff  }
0x39: {  	v13 =	vld.idx.msk [tilespmem:v13+s12+$0x0], $0xffff  }
0x3a: {  	v11 =	vld.idx.msk [tilespmem:v11+s12+$0x0], $0xffff  }
0x3b: {  	v12 =	vpop (erf)  }
0x3c: {  	v15 =	vmul.f32 v12, v15;
	_ =	sdelay $0x1  }
0x3d: {  	v16 =	vadd.f32 v13, v24;
	v15 =	vsub.f32 $2.000000000e+00, v15  }
0x3e: {  	v11 =	vmul.f32 $4.000000000e+00, v11;
	v10 =	vsub.f32 v10, v14  }
0x3f: {  	v14 =	vmul.f32 $3.000000000e+00, v24;
	v12 =	vmul.f32 v15, v12;
	v15 =	vadd.f32 v16, v16;
	_ =	sdelay $0x1  }
0x40: {  	v14 =	vsub.f32 v11, v14;
	v25 =	vmul.f32 v12, v10;
	v10 =	vsub.f32 v15, v11  }
0x41: {  	s25 =	simm.s32 $0xC0  }
0x42: {  	v27 =	vld [tilespmem:s25+$0xFFFFFFC0];
	v13 =	vsub.f32 v14, v13;
	v15 =	vmul.f32 v25, v10  }
0x43: {  	v14 =	vld [tilespmem:$0x4390]  }
0x44: {  	v11 =	vld [tilespmem:$0x4310];
	v16 =	vadd.f32 v15, v13  }
0x45: {  	v12 =	vld [tilespmem:$0x4290]  }
0x46: {  	v10 =	vld [tilespmem:$0x4250];
	v26 =	vmul.f32 v16, v25  }
0x47: {  	v13 =	vld [tilespmem:$0x42D0]  }
0x48: {  	s17 =	simm.s32 $0x8C80;
	v15 =	vld [tilespmem:$0x4350];
	v24 =	vadd.f32 v26, v24  }
0x49: {  	s18 =	simm.s32 $0x4C80;
	v16 =	vld [tilespmem:$0x43D0];
	[tilespmem:s17+$0xFFFFFFC0] =	vst v25  }
0x4a: {  	[tilespmem:s18+$0xFFFFFFC0] =	vst v24  }
0x4b: {  	v24 =	vld [tilespmem:s30+$0xFFFFFFD0]  }
0x4c: {  	v25 =	vmax.f32 v27, $9.999999970e-07  }
0x4d: {  	v25 =	vmin.f32 v25, $9.999989860e-01  }
0x4e: {  	vm14 =	vlt.f32 v21, v25  }
0x4f: {  	v26 =	vsel vm14, $0x100, v1;
	v27 =	vsel vm14, v23, v19  }
0x50: {  	vm15 =	vlt.f32 v27, v25;
	v27 =	vor.u32 $0x80, v26;
	v24 =	vmax.f32 v24, $9.999999970e-07  }
0x51: {  	v26 =	vsel vm15, v27, v26;
	v24 =	vmin.f32 v24, $9.999989860e-01  }
0x52: {  	v27 =	vsel vm15, v22, v20;
	v28 =	vsel vm15, v18, v17;
	vm4 =	vlt.f32 v11, v24  }
0x53: {  	v27 =	vsel vm14, v27, v28;
	v28 =	vor.u32 $0x40, v26;
	v29 =	vsel vm4, v14, v12  }
0x54: {  	vm0 =	vlt.f32 v27, v25;
	v27 =	vsel vm4, $0x100, v1;
	vm2 =	vlt.f32 v29, v24  }
0x55: {  	v29 =	vor.u32 $0x80, v27;
	v30 =	vsel vm2, v16, v15;
	v31 =	vsel vm2, v13, v10  }
0x56: {  	v26 =	vsel vm0, v28, v26;
	v27 =	vsel vm2, v29, v27;
	v28 =	vsel vm4, v30, v31  }
0x57: {  	v29 =	vor.u32 v2, v26;
	v30 =	vor.u32 $0x40, v27;
	vm5 =	vlt.f32 v28, v24  }
0x58: {  	v27 =	vsel vm5, v30, v27  }
0x59: {  	v28 =	vor.u32 v5, v27;
	_ =	sdelay $0x2  }
0x5a: {  	v29 =	vld.idx.msk [tilespmem:v29+s11+$0x0], $0xffff;
	_ =	sdelay $0x1  }
0x5b: {  	v28 =	vld.idx.msk [tilespmem:v28+s11+$0x0], $0xffff;
	_ =	sdelay $0x2  }
0x5c: {  	v30 =	vor.u32 $0x20, v26;
	vm6 =	vlt.f32 v29, v25  }
0x5d: {  	v26 =	vsel vm6, v30, v26  }
0x5e: {  	v30 =	vor.u32 $0x20, v27;
	v29 =	vadd.s32 v3, v26;
	vm7 =	vlt.f32 v28, v24  }
0x5f: {  	v27 =	vsel vm7, v30, v27  }
0x60: {  	v28 =	vadd.s32 v6, v27;
	_ =	sdelay $0x2  }
0x61: {  	v29 =	vld.idx.msk [tilespmem:v29+s11+$0x0], $0xffff;
	_ =	sdelay $0x1  }
0x62: {  	v28 =	vld.idx.msk [tilespmem:v28+s11+$0x0], $0xffff;
	_ =	sdelay $0x2  }
0x63: {  	v30 =	vadd.s32 $0x10, v26;
	vm8 =	vlt.f32 v29, v25  }
0x64: {  	v26 =	vsel vm8, v30, v26  }
0x65: {  	v29 =	vadd.s32 $0x10, v27;
	vm9 =	vlt.f32 v28, v24;
	v28 =	vadd.s32 v0, v26  }
0x66: {  	v27 =	vsel vm9, v29, v27;
	v29 =	vadd.s32 v3, v26  }
0x67: {  	v30 =	vadd.s32 v4, v27  }
0x68: {  	v31 =	vadd.s32 v6, v27;
	_ =	sdelay $0x1  }
0x69: {  	v32 =	vld.idx.msk [tilespmem:v28+s11+$0x0], $0xffff  }
0x6a: {  	v33 =	vld.idx.msk [tilespmem:v29+s11+$0x0], $0xffff  }
0x6b: {  	v30 =	vld.idx.msk [tilespmem:v30+s11+$0x0], $0xffff  }
0x6c: {  	v31 =	vld.idx.msk [tilespmem:v31+s11+$0x0], $0xffff;
	_ =	sdelay $0x3  }
0x6d: {  	v33 =	vsub.f32 v33, v32  }
0x6e: {  	v31 =	vsub.f32 v31, v30  }
0x6f: {  	(erf) = vrcp.f32 v33  }
0x70: {  	(erf) = vrcp.f32 v31  }
0x71: {  	v34 =	vadd.s32 v7, v27  }
0x72: {  	v35 =	vadd.s32 v8, v27  }
0x73: {  	v27 =	vadd.s32 v9, v27;
	_ =	sdelay $0x2  }
0x74: {  	v34 =	vld.idx.msk [tilespmem:v34+s12+$0x0], $0xffff  }
0x75: {  	v35 =	vld.idx.msk [tilespmem:v35+s12+$0x0], $0xffff  }
0x76: {  	v27 =	vld.idx.msk [tilespmem:v27+s12+$0x0], $0xffff;
	v36 =	vpop (erf)  }
0x77: {  	v37 =	vpop (erf)  }
0x78: {  	v31 =	vmul.f32 v37, v31;
	_ =	sdelay $0x1  }
0x79: {  	v38 =	vadd.f32 v35, v34;
	v31 =	vsub.f32 $2.000000000e+00, v31  }
0x7a: {  	v24 =	vsub.f32 v24, v30;
	v27 =	vmul.f32 $4.000000000e+00, v27  }
0x7b: {  	v30 =	vmul.f32 $3.000000000e+00, v34;
	v38 =	vadd.f32 v38, v38;
	v31 =	vmul.f32 v31, v37;
	_ =	sdelay $0x1  }
0x7c: {  	v30 =	vsub.f32 v27, v30;
	v27 =	vsub.f32 v38, v27;
	v24 =	vmul.f32 v31, v24;
	_ =	sdelay $0x1  }
0x7d: {  	v30 =	vsub.f32 v30, v35;
	v27 =	vmul.f32 v24, v27;
	_ =	sdelay $0x1  }
0x7e: {  	v27 =	vadd.f32 v27, v30;
	_ =	sdelay $0x1  }
0x7f: {  	v27 =	vmul.f32 v27, v24;
	_ =	sdelay $0x1  }
0x80: {  	v27 =	vadd.f32 v27, v34  }
0x81: {  	[tilespmem:s17+$0xFFFFFFD0] =	vst v24  }
0x82: {  	[tilespmem:s18+$0xFFFFFFD0] =	vst v27  }
0x83: {  	v24 =	vld [tilespmem:s30+$0xFFFFFFE0];
	_ =	sdelay $0x4  }
0x84: {  	v24 =	vmax.f32 v24, $9.999999970e-07  }
0x85: {  	v27 =	vmin.f32 v24, $9.999989860e-01  }
0x86: {  	vm10 =	vlt.f32 v21, v27  }
0x87: {  	v24 =	vsel vm10, v23, v19  }
0x88: {  	v26 =	vadd.s32 v4, v26;
	v30 =	vsel vm10, $0x100, v1;
	vm11 =	vlt.f32 v24, v27  }
0x89: {  	v24 =	vor.u32 $0x80, v30;
	v31 =	vsel vm11, v22, v20;
	v53 =	vsel vm11, v18, v17  }
0x8a: {  	v24 =	vsel vm11, v24, v30;
	v30 =	vsel vm10, v31, v53  }
0x8b: {  	v28 =	vld.idx.msk [tilespmem:v28+s12+$0x0], $0xffff;
	vm0 =	vlt.f32 v30, v27;
	v30 =	vor.u32 $0x40, v24  }
0x8c: {  	v29 =	vld.idx.msk [tilespmem:v29+s12+$0x0], $0xffff;
	v24 =	vsel vm0, v30, v24  }
0x8d: {  	v26 =	vld.idx.msk [tilespmem:v26+s12+$0x0], $0xffff;
	v30 =	vor.u32 v2, v24;
	_ =	sdelay $0x1  }
0x8e: {  	v31 =	vmul.f32 v36, v33;
	_ =	sdelay $0x1  }
0x8f: {  	v54 =	vadd.f32 v29, v28;
	v31 =	vsub.f32 $2.000000000e+00, v31  }
0x90: {  	v55 =	vmul.f32 $3.000000000e+00, v28;
	v26 =	vmul.f32 $4.000000000e+00, v26;
	v30 =	vld.idx.msk [tilespmem:v30+s11+$0x0], $0xffff  }
0x91: {  	v25 =	vsub.f32 v25, v32;
	v56 =	vadd.f32 v54, v54;
	v31 =	vmul.f32 v31, v36  }
0x92: {  	v57 =	vsub.f32 v26, v55  }
0x93: {  	v26 =	vsub.f32 v56, v26;
	v25 =	vmul.f32 v31, v25  }
0x94: {  	v29 =	vsub.f32 v57, v29  }
0x95: {  	v58 =	vor.u32 $0x20, v24;
	v26 =	vmul.f32 v25, v26;
	vm12 =	vlt.f32 v30, v27  }
0x96: {  	v24 =	vsel vm12, v58, v24  }
0x97: {  	v26 =	vadd.f32 v26, v29;
	v30 =	vadd.s32 v3, v24;
	_ =	sdelay $0x1  }
0x98: {  	v26 =	vmul.f32 v26, v25;
	_ =	sdelay $0x1  }
0x99: {  	s19 =	simm.s32 $0x8D00;
	v26 =	vadd.f32 v26, v28  }
0x9a: {  	s24 =	simm.s32 $0x140;
	s20 =	simm.s32 $0x4D00;
	[tilespmem:s19+$0xFFFFFFC0] =	vst v25;
	v29 =	vld.idx.msk [tilespmem:v30+s11+$0x0], $0xffff  }
0x9b: {  	[tilespmem:s20+$0xFFFFFFC0] =	vst v26;
	v30 =	vld [tilespmem:s24+$0xFFFFFFC0]  }
0x9c: {  	v25 =	vld [tilespmem:s25+$0xFFFFFFD0];
	_ =	sdelay $0x2  }
0x9d: {  	v26 =	vadd.s32 $0x10, v24;
	vm13 =	vlt.f32 v29, v27  }
0x9e: {  	v28 =	vmax.f32 v30, $9.999999970e-07;
	v26 =	vsel vm13, v26, v24  }
0x9f: {  	v25 =	vmax.f32 v25, $9.999999970e-07;
	v24 =	vmin.f32 v28, $9.999989860e-01;
	v28 =	vadd.s32 v0, v26  }
0xa0: {  	v25 =	vmin.f32 v25, $9.999989860e-01;
	v29 =	vadd.s32 v3, v26  }
0xa1: {  	vm4 =	vlt.f32 v11, v25;
	vm14 =	vlt.f32 v21, v24  }
0xa2: {  	v63 =	vsel vm4, $0x100, v1;
	v31 =	vsel vm14, v23, v19  }
0xa3: {  	v40 =	vsel vm4, v14, v12;
	v30 =	vsel vm14, $0x100, v1;
	vm15 =	vlt.f32 v31, v24  }
0xa4: {  	v31 =	vor.u32 $0x80, v30;
	v59 =	vsel vm15, v22, v20;
	v60 =	vsel vm15, v18, v17;
	v61 =	vld.idx.msk [tilespmem:v28+s11+$0x0], $0xffff  }
0xa5: {  	vm6 =	vlt.f32 v40, v25;
	v30 =	vsel vm15, v31, v30;
	v31 =	vsel vm14, v59, v60;
	v41 =	vld.idx.msk [tilespmem:v29+s11+$0x0], $0xffff  }
0xa6: {  	v42 =	vsel vm6, v16, v15;
	v62 =	vor.u32 $0x40, v30;
	vm5 =	vlt.f32 v31, v24  }
0xa7: {  	v35 =	vsel vm6, v13, v10;
	v31 =	vor.u32 $0x80, v63;
	v30 =	vsel vm5, v62, v30  }
0xa8: {  	v33 =	vsel vm4, v42, v35;
	v31 =	vsel vm6, v31, v63;
	v43 =	vor.u32 v2, v30  }
0xa9: {  	vm0 =	vlt.f32 v33, v25;
	v44 =	vor.u32 $0x40, v31  }
0xaa: {  	v31 =	vsel vm0, v44, v31;
	v45 =	vsub.f32 v41, v61  }
0xab: {  	v35 =	vor.u32 v5, v31  }
0xac: {  	(erf) = vrcp.f32 v45  }
0xad: {  	v34 =	vld.idx.msk [tilespmem:v43+s11+$0x0], $0xffff;
	_ =	sdelay $0x1  }
0xae: {  	v26 =	vadd.s32 v4, v26  }
0xaf: {  	v35 =	vld.idx.msk [tilespmem:v35+s11+$0x0], $0xffff;
	_ =	sdelay $0x1  }
0xb0: {  	v28 =	vld.idx.msk [tilespmem:v28+s12+$0x0], $0xffff;
	v46 =	vor.u32 $0x20, v30;
	vm7 =	vlt.f32 v34, v24  }
0xb1: {  	v29 =	vld.idx.msk [tilespmem:v29+s12+$0x0], $0xffff;
	v30 =	vsel vm7, v46, v30  }
0xb2: {  	v26 =	vld.idx.msk [tilespmem:v26+s12+$0x0], $0xffff;
	v47 =	vadd.s32 v3, v30  }
0xb3: {  	v48 =	vor.u32 $0x20, v31;
	vm8 =	vlt.f32 v35, v25;
	v49 =	vpop (erf)  }
0xb4: {  	v31 =	vsel vm8, v48, v31;
	v33 =	vmul.f32 v49, v45  }
0xb5: {  	v36 =	vadd.s32 v6, v31  }
0xb6: {  	v50 =	vadd.f32 v29, v28;
	v33 =	vsub.f32 $2.000000000e+00, v33  }
0xb7: {  	v26 =	vmul.f32 $4.000000000e+00, v26;
	v51 =	vmul.f32 $3.000000000e+00, v28;
	v34 =	vld.idx.msk [tilespmem:v47+s11+$0x0], $0xffff  }
0xb8: {  	v27 =	vsub.f32 v27, v61;
	v37 =	vadd.f32 v50, v50;
	v33 =	vmul.f32 v33, v49  }
0xb9: {  	v32 =	vsub.f32 v26, v51  }
0xba: {  	v26 =	vsub.f32 v37, v26;
	v52 =	vld.idx.msk [tilespmem:v36+s11+$0x0], $0xffff;
	v27 =	vmul.f32 v33, v27  }
0xbb: {  	v29 =	vsub.f32 v32, v29  }
0xbc: {  	v53 =	vadd.s32 $0x10, v30;
	vm9 =	vlt.f32 v34, v24;
	v26 =	vmul.f32 v27, v26  }
0xbd: {  	v30 =	vsel vm9, v53, v30  }
0xbe: {  	v32 =	vadd.s32 v0, v30;
	v26 =	vadd.f32 v26, v29  }
0xbf: {  	vm10 =	vlt.f32 v52, v25;
	v33 =	vadd.s32 v3, v30;
	v29 =	vadd.s32 $0x10, v31  }
0xc0: {  	v29 =	vsel vm10, v29, v31;
	v26 =	vmul.f32 v26, v27  }
0xc1: {  	v31 =	vadd.s32 v4, v29  }
0xc2: {  	v54 =	vadd.s32 v6, v29;
	v26 =	vadd.f32 v26, v28  }
0xc3: {  	[tilespmem:s17+$0xFFFFFFE0] =	vst v27;
	v28 =	vld.idx.msk [tilespmem:v32+s11+$0x0], $0xffff  }
0xc4: {  	v27 =	vld.idx.msk [tilespmem:v33+s11+$0x0], $0xffff;
	[tilespmem:s18+$0xFFFFFFE0] =	vst v26  }
0xc5: {  	v26 =	vld [tilespmem:s30+$0xFFFFFFF0]  }
0xc6: {  	v31 =	vld.idx.msk [tilespmem:v31+s11+$0x0], $0xffff  }
0xc7: {  	v34 =	vld.idx.msk [tilespmem:v54+s11+$0x0], $0xffff;
	_ =	sdelay $0x2  }
0xc8: {  	v26 =	vmax.f32 v26, $9.999999970e-07  }
0xc9: {  	v27 =	vsub.f32 v27, v28;
	v26 =	vmin.f32 v26, $9.999989860e-01  }
0xca: {  	v34 =	vsub.f32 v34, v31;
	vm11 =	vlt.f32 v11, v26  }
0xcb: {  	(erf) = vrcp.f32 v27;
	v56 =	vsel vm11, v14, v12  }
0xcc: {  	(erf) = vrcp.f32 v34;
	v57 =	vsel vm11, $0x100, v1;
	vm12 =	vlt.f32 v56, v26  }
0xcd: {  	v58 =	vor.u32 $0x80, v57;
	v59 =	vsel vm12, v16, v15;
	v39 =	vsel vm12, v13, v10  }
0xce: {  	v55 =	vadd.s32 v7, v29;
	v36 =	vsel vm12, v58, v57;
	v60 =	vsel vm11, v59, v39  }
0xcf: {  	v40 =	vadd.s32 v8, v29;
	v61 =	vor.u32 $0x40, v36;
	vm0 =	vlt.f32 v60, v26  }
0xd0: {  	v29 =	vadd.s32 v9, v29;
	v36 =	vsel vm0, v61, v36  }
0xd1: {  	v62 =	vor.u32 v5, v36;
	_ =	sdelay $0x1  }
0xd2: {  	v35 =	vld.idx.msk [tilespmem:v55+s12+$0x0], $0xffff  }
0xd3: {  	v63 =	vld.idx.msk [tilespmem:v40+s12+$0x0], $0xffff  }
0xd4: {  	v29 =	vld.idx.msk [tilespmem:v29+s12+$0x0], $0xffff;
	v44 =	vpop (erf)  }
0xd5: {  	v45 =	vpop (erf);
	v37 =	vld.idx.msk [tilespmem:v62+s11+$0x0], $0xffff  }
0xd6: {  	v34 =	vmul.f32 v45, v34;
	_ =	sdelay $0x1  }
0xd7: {  	v25 =	vsub.f32 v25, v31;
	v31 =	vsub.f32 $2.000000000e+00, v34  }
0xd8: {  	v41 =	vadd.f32 v63, v35;
	v29 =	vmul.f32 $4.000000000e+00, v29  }
0xd9: {  	v47 =	vor.u32 $0x20, v36;
	v31 =	vmul.f32 v31, v45;
	vm13 =	vlt.f32 v37, v26  }
0xda: {  	v46 =	vmul.f32 $3.000000000e+00, v35;
	v41 =	vadd.f32 v41, v41;
	v36 =	vsel vm13, v47, v36  }
0xdb: {  	v25 =	vmul.f32 v31, v25;
	v31 =	vadd.s32 v6, v36  }
0xdc: {  	v34 =	vsub.f32 v29, v46;
	v29 =	vsub.f32 v41, v29;
	_ =	sdelay $0x1  }
0xdd: {  	v34 =	vsub.f32 v34, v63;
	v29 =	vmul.f32 v25, v29;
	_ =	sdelay $0x1  }
0xde: {  	v29 =	vadd.f32 v29, v34;
	v31 =	vld.idx.msk [tilespmem:v31+s11+$0x0], $0xffff;
	_ =	sdelay $0x1  }
0xdf: {  	v29 =	vmul.f32 v29, v25  }
0xe0: {  	v30 =	vadd.s32 v4, v30  }
0xe1: {  	v29 =	vadd.f32 v29, v35  }
0xe2: {  	[tilespmem:s19+$0xFFFFFFD0] =	vst v25;
	v25 =	vadd.s32 $0x10, v36;
	vm14 =	vlt.f32 v31, v26  }
0xe3: {  	v32 =	vld.idx.msk [tilespmem:v32+s12+$0x0], $0xffff;
	[tilespmem:s20+$0xFFFFFFD0] =	vst v29;
	v31 =	vsel vm14, v25, v36  }
0xe4: {  	v29 =	vld [tilespmem:s25+$0xFFFFFFE0];
	v48 =	vadd.s32 v4, v31  }
0xe5: {  	v30 =	vld.idx.msk [tilespmem:v30+s12+$0x0], $0xffff;
	v49 =	vadd.s32 v6, v31  }
0xe6: {  	v33 =	vld.idx.msk [tilespmem:v33+s12+$0x0], $0xffff;
	_ =	sdelay $0x2  }
0xe7: {  	v25 =	vmax.f32 v29, $9.999999970e-07;
	v29 =	vld.idx.msk [tilespmem:v48+s11+$0x0], $0xffff  }
0xe8: {  	v30 =	vmul.f32 $4.000000000e+00, v30;
	v50 =	vld.idx.msk [tilespmem:v49+s11+$0x0], $0xffff  }
0xe9: {  	v24 =	vsub.f32 v24, v28;
	v60 =	vadd.f32 v33, v32;
	v25 =	vmin.f32 v25, $9.999989860e-01  }
0xea: {  	v28 =	vmul.f32 $3.000000000e+00, v32;
	v27 =	vmul.f32 v44, v27;
	vm15 =	vlt.f32 v21, v25  }
0xeb: {  	v61 =	vadd.f32 v60, v60;
	v51 =	vsel vm15, v23, v19;
	v52 =	vsel vm15, $0x100, v1  }
0xec: {  	v27 =	vsub.f32 $2.000000000e+00, v27;
	vm4 =	vlt.f32 v51, v25;
	v53 =	vor.u32 $0x80, v52  }
0xed: {  	v54 =	vsel vm4, v22, v20;
	v55 =	vsel vm4, v18, v17;
	v34 =	vsub.f32 v50, v29  }
0xee: {  	v58 =	vadd.s32 v7, v31;
	v35 =	vsel vm4, v53, v52;
	v56 =	vsel vm15, v54, v55  }
0xef: {  	v57 =	vor.u32 $0x40, v35;
	vm0 =	vlt.f32 v56, v25;
	(erf) = vrcp.f32 v34  }
0xf0: {  	v27 =	vmul.f32 v27, v44;
	v59 =	vadd.s32 v8, v31;
	v35 =	vsel vm0, v57, v35  }
0xf1: {  	v28 =	vsub.f32 v30, v28;
	v36 =	vor.u32 v2, v35  }
0xf2: {  	v24 =	vmul.f32 v27, v24;
	v27 =	vsub.f32 v61, v30;
	v31 =	vadd.s32 v9, v31;
	_ =	sdelay $0x1  }
0xf3: {  	v28 =	vsub.f32 v28, v33;
	v27 =	vmul.f32 v24, v27;
	v37 =	vld.idx.msk [tilespmem:v58+s12+$0x0], $0xffff  }
0xf4: {  	v30 =	vld.idx.msk [tilespmem:v59+s12+$0x0], $0xffff  }
0xf5: {  	v27 =	vadd.f32 v27, v28;
	v36 =	vld.idx.msk [tilespmem:v36+s11+$0x0], $0xffff  }
0xf6: {  	v31 =	vld.idx.msk [tilespmem:v31+s12+$0x0], $0xffff  }
0xf7: {  	v27 =	vmul.f32 v27, v24;
	v62 =	vpop (erf)  }
0xf8: {  	v34 =	vmul.f32 v62, v34  }
0xf9: {  	v27 =	vadd.f32 v27, v32;
	v28 =	vor.u32 $0x20, v35;
	v38 =	vadd.f32 v30, v37  }
0xfa: {  	s23 =	simm.s32 $0x1C0;
	v26 =	vsub.f32 v26, v29;
	vm5 =	vlt.f32 v36, v25;
	v34 =	vsub.f32 $2.000000000e+00, v34  }
0xfb: {  	v29 =	vmul.f32 $4.000000000e+00, v31;
	v31 =	vld [tilespmem:s23+$0xFFFFFFC0];
	v63 =	vmul.f32 $3.000000000e+00, v37;
	v28 =	vsel vm5, v28, v35  }
0xfc: {  	s21 =	simm.s32 $0x8D80;
	v38 =	vadd.f32 v38, v38;
	v40 =	vadd.s32 v3, v28;
	v33 =	vmul.f32 v34, v62  }
0xfd: {  	s22 =	simm.s32 $0x4D80;
	[tilespmem:s21+$0xFFFFFFC0] =	vst v24  }
0xfe: {  	[tilespmem:s22+$0xFFFFFFC0] =	vst v27;
	v39 =	vsub.f32 v29, v63;
	v29 =	vsub.f32 v38, v29;
	v26 =	vmul.f32 v33, v26  }
0xff: {  	v27 =	vld [tilespmem:s24+$0xFFFFFFD0]  }
0x100: {  	v30 =	vsub.f32 v39, v30;
	v24 =	vmax.f32 v31, $9.999999970e-07;
	v29 =	vmul.f32 v26, v29  }
0x101: {  	v24 =	vmin.f32 v24, $9.999989860e-01;
	v32 =	vld.idx.msk [tilespmem:v40+s11+$0x0], $0xffff  }
0x102: {  	vm6 =	vlt.f32 v21, v24;
	v29 =	vadd.f32 v29, v30  }
0x103: {  	v31 =	vsel vm6, v23, v19  }
0x104: {  	v27 =	vmax.f32 v27, $9.999999970e-07;
	vm7 =	vlt.f32 v31, v24;
	v29 =	vmul.f32 v29, v26  }
0x105: {  	v41 =	vsel vm7, v22, v20;
	v42 =	vsel vm7, v18, v17;
	v30 =	vsel vm6, $0x100, v1  }
0x106: {  	vm8 =	vlt.f32 v32, v25;
	v31 =	vor.u32 $0x80, v30;
	v29 =	vadd.f32 v29, v37  }
0x107: {  	[tilespmem:s17+$0xFFFFFFF0] =	vst v26;
	v30 =	vsel vm7, v31, v30;
	v31 =	vsel vm6, v41, v42;
	v26 =	vmin.f32 v27, $9.999989860e-01  }
0x108: {  	v27 =	vadd.s32 $0x10, v28;
	v43 =	vor.u32 $0x40, v30;
	vm0 =	vlt.f32 v31, v24;
	[tilespmem:s18+$0xFFFFFFF0] =	vst v29  }
0x109: {  	v28 =	vsel vm8, v27, v28;
	v29 =	vsel vm0, v43, v30;
	v30 =	vld [tilespmem:s30+$0x0]  }
0x10a: {  	vm9 =	vlt.f32 v11, v26;
	v46 =	vadd.s32 v3, v28  }
0x10b: {  	v27 =	vsel vm9, v14, v12;
	v31 =	vor.u32 v2, v29  }
0x10c: {  	v44 =	vadd.s32 v0, v28;
	v45 =	vsel vm9, $0x100, v1;
	vm10 =	vlt.f32 v27, v26  }
0x10d: {  	v27 =	vor.u32 $0x80, v45;
	v47 =	vsel vm10, v16, v15;
	v48 =	vsel vm10, v13, v10  }
0x10e: {  	v33 =	vsel vm10, v27, v45;
	v27 =	vsel vm9, v47, v48;
	v30 =	vmax.f32 v30, $9.999999970e-07  }
0x10f: {  	vm11 =	vlt.f32 v27, v26;
	v50 =	vld.idx.msk [tilespmem:v46+s11+$0x0], $0xffff;
	v27 =	vmin.f32 v30, $9.999989860e-01  }
0x110: {  	v49 =	vor.u32 $0x40, v33;
	v31 =	vld.idx.msk [tilespmem:v31+s11+$0x0], $0xffff;
	vm12 =	vlt.f32 v21, v27  }
0x111: {  	v30 =	vsel vm11, v49, v33;
	v33 =	vld.idx.msk [tilespmem:v44+s11+$0x0], $0xffff;
	v51 =	vsel vm12, v23, v19  }
0x112: {  	v52 =	vsel vm12, $0x100, v1;
	vm13 =	vlt.f32 v51, v27  }
0x113: {  	v53 =	vor.u32 $0x80, v52;
	v54 =	vsel vm13, v22, v20;
	v55 =	vsel vm13, v18, v17  }
0x114: {  	v37 =	vsel vm13, v53, v52;
	v56 =	vsel vm12, v54, v55  }
0x115: {  	v35 =	vor.u32 v5, v30;
	v58 =	vor.u32 $0x40, v37;
	vm0 =	vlt.f32 v56, v27  }
0x116: {  	vm14 =	vlt.f32 v31, v24;
	v31 =	vsub.f32 v50, v33;
	v59 =	vsel vm0, v58, v37  }
0x117: {  	v37 =	vor.u32 v2, v59  }
0x118: {  	(erf) = vrcp.f32 v31;
	_ =	sdelay $0x1  }
0x119: {  	v35 =	vld.idx.msk [tilespmem:v35+s11+$0x0], $0xffff  }
0x11a: {  	v28 =	vadd.s32 v4, v28  }
0x11b: {  	v62 =	vld.idx.msk [tilespmem:v37+s11+$0x0], $0xffff  }
0x11c: {  	v57 =	vor.u32 $0x20, v29  }
0x11d: {  	v32 =	vld.idx.msk [tilespmem:v44+s12+$0x0], $0xffff;
	v29 =	vsel vm14, v57, v29  }
0x11e: {  	v34 =	vld.idx.msk [tilespmem:v46+s12+$0x0], $0xffff;
	v61 =	vor.u32 $0x20, v30;
	v60 =	vadd.s32 v3, v29;
	vm15 =	vlt.f32 v35, v26  }
0x11f: {  	v28 =	vld.idx.msk [tilespmem:v28+s12+$0x0], $0xffff;
	v30 =	vsel vm15, v61, v30  }
0x120: {  	v45 =	vor.u32 $0x20, v59;
	v63 =	vadd.s32 v6, v30;
	v44 =	vpop (erf);
	vm4 =	vlt.f32 v62, v27  }
0x121: {  	v31 =	vmul.f32 v44, v31;
	v36 =	vsel vm4, v45, v59  }
0x122: {  	v47 =	vadd.s32 v3, v36  }
0x123: {  	v38 =	vld.idx.msk [tilespmem:v60+s11+$0x0], $0xffff;
	v31 =	vsub.f32 $2.000000000e+00, v31  }
0x124: {  	v49 =	vadd.f32 v34, v32;
	v28 =	vmul.f32 $4.000000000e+00, v28  }
0x125: {  	v25 =	vsub.f32 v25, v33;
	v50 =	vmul.f32 $3.000000000e+00, v32;
	v46 =	vld.idx.msk [tilespmem:v63+s11+$0x0], $0xffff;
	v31 =	vmul.f32 v31, v44;
	_ =	sdelay $0x1  }
0x126: {  	v51 =	vadd.f32 v49, v49;
	v33 =	vsub.f32 v28, v50;
	v25 =	vmul.f32 v31, v25;
	v31 =	vld.idx.msk [tilespmem:v47+s11+$0x0], $0xffff  }
0x127: {  	v48 =	vadd.s32 $0x10, v29;
	vm5 =	vlt.f32 v38, v24  }
0x128: {  	v28 =	vsub.f32 v51, v28;
	v33 =	vsub.f32 v33, v34;
	v29 =	vsel vm5, v48, v29  }
0x129: {  	v52 =	vadd.s32 $0x10, v30;
	v37 =	vadd.s32 v3, v29;
	vm6 =	vlt.f32 v46, v26  }
0x12a: {  	v35 =	vadd.s32 v0, v29;
	v30 =	vsel vm6, v52, v30;
	v28 =	vmul.f32 v25, v28  }
0x12b: {  	v55 =	vadd.s32 $0x10, v36;
	v53 =	vadd.s32 v4, v30;
	vm7 =	vlt.f32 v31, v27  }
0x12c: {  	v54 =	vadd.s32 v6, v30;
	v28 =	vadd.f32 v28, v33;
	v33 =	vsel vm7, v55, v36  }
0x12d: {  	v57 =	vadd.s32 v0, v33  }
0x12e: {  	v56 =	vld.idx.msk [tilespmem:v37+s11+$0x0], $0xffff;
	v28 =	vmul.f32 v28, v25;
	v58 =	vadd.s32 v3, v33  }
0x12f: {  	v31 =	vld.idx.msk [tilespmem:v35+s11+$0x0], $0xffff  }
0x130: {  	v34 =	vld.idx.msk [tilespmem:v53+s11+$0x0], $0xffff;
	v28 =	vadd.f32 v28, v32  }
0x131: {  	[tilespmem:s19+$0xFFFFFFE0] =	vst v25;
	v38 =	vld.idx.msk [tilespmem:v54+s11+$0x0], $0xffff  }
0x132: {  	[tilespmem:s20+$0xFFFFFFE0] =	vst v28;
	v28 =	vld.idx.msk [tilespmem:v57+s11+$0x0], $0xffff  }
0x133: {  	v59 =	vld.idx.msk [tilespmem:v58+s11+$0x0], $0xffff  }
0x134: {  	v25 =	vld [tilespmem:s25+$0xFFFFFFF0]  }
0x135: {  	v36 =	vsub.f32 v56, v31  }
0x136: {  	v38 =	vsub.f32 v38, v34  }
0x137: {  	(erf) = vrcp.f32 v36  }
0x138: {  	v60 =	vadd.s32 v9, v30;
	(erf) = vrcp.f32 v38;
	v40 =	vsub.f32 v59, v28  }
0x139: {  	v42 =	vadd.s32 v7, v30;
	v25 =	vmax.f32 v25, $9.999999970e-07  }
0x13a: {  	v30 =	vadd.s32 v8, v30;
	v25 =	vmin.f32 v25, $9.999989860e-01;
	(erf) = vrcp.f32 v40  }
0x13b: {  	vm8 =	vlt.f32 v11, v25  }
0x13c: {  	v44 =	vsel vm8, v14, v12  }
0x13d: {  	v41 =	vld.idx.msk [tilespmem:v60+s12+$0x0], $0xffff;
	v33 =	vadd.s32 v4, v33;
	v43 =	vsel vm8, $0x100, v1;
	vm9 =	vlt.f32 v44, v25  }
0x13e: {  	v42 =	vld.idx.msk [tilespmem:v42+s12+$0x0], $0xffff;
	v61 =	vor.u32 $0x80, v43;
	v45 =	vsel vm9, v16, v15;
	v46 =	vsel vm9, v13, v10  }
0x13f: {  	v30 =	vld.idx.msk [tilespmem:v30+s12+$0x0], $0xffff;
	v43 =	vsel vm9, v61, v43;
	v62 =	vsel vm8, v45, v46  }
0x140: {  	v39 =	vld.idx.msk [tilespmem:v57+s12+$0x0], $0xffff;
	v51 =	vor.u32 $0x40, v43;
	v47 =	vpop (erf);
	vm0 =	vlt.f32 v62, v25  }
0x141: {  	v32 =	vld.idx.msk [tilespmem:v58+s12+$0x0], $0xffff;
	v63 =	vpop (erf);
	v43 =	vsel vm0, v51, v43  }
0x142: {  	v33 =	vld.idx.msk [tilespmem:v33+s12+$0x0], $0xffff;
	v38 =	vmul.f32 v63, v38;
	v52 =	vor.u32 v5, v43  }
0x143: {  	v29 =	vadd.s32 v4, v29;
	v49 =	vpop (erf)  }
0x144: {  	v41 =	vmul.f32 $4.000000000e+00, v41;
	v38 =	vsub.f32 $2.000000000e+00, v38;
	v55 =	vmul.f32 v49, v40  }
0x145: {  	v53 =	vmul.f32 $3.000000000e+00, v42;
	v48 =	vadd.f32 v30, v42;
	v26 =	vsub.f32 v26, v34  }
0x146: {  	v59 =	vadd.f32 v32, v39;
	v54 =	vmul.f32 v38, v63;
	v38 =	vsub.f32 $2.000000000e+00, v55  }
0x147: {  	v56 =	vadd.f32 v48, v48;
	v33 =	vmul.f32 $4.000000000e+00, v33;
	v60 =	vmul.f32 $3.000000000e+00, v39;
	v58 =	vld.idx.msk [tilespmem:v52+s11+$0x0], $0xffff  }
0x148: {  	v27 =	vsub.f32 v27, v28;
	v28 =	vadd.f32 v59, v59;
	v38 =	vmul.f32 v38, v49  }
0x149: {  	v57 =	vsub.f32 v41, v53;
	v26 =	vmul.f32 v54, v26;
	v40 =	vsub.f32 v56, v41  }
0x14a: {  	v28 =	vsub.f32 v28, v33;
	v41 =	vsub.f32 v33, v60;
	v27 =	vmul.f32 v38, v27  }
0x14b: {  	v30 =	vsub.f32 v57, v30;
	v62 =	vor.u32 $0x20, v43;
	v40 =	vmul.f32 v26, v40  }
0x14c: {  	v32 =	vsub.f32 v41, v32;
	vm10 =	vlt.f32 v58, v25;
	v28 =	vmul.f32 v27, v28  }
0x14d: {  	v61 =	vld.idx.msk [tilespmem:v35+s12+$0x0], $0xffff;
	v30 =	vadd.f32 v40, v30;
	v35 =	vsel vm10, v62, v43  }
0x14e: {  	v63 =	vld.idx.msk [tilespmem:v37+s12+$0x0], $0xffff;
	v40 =	vadd.s32 v6, v35;
	v28 =	vadd.f32 v28, v32  }
0x14f: {  	v29 =	vld.idx.msk [tilespmem:v29+s12+$0x0], $0xffff;
	v30 =	vmul.f32 v30, v26  }
0x150: {  	v28 =	vmul.f32 v28, v27  }
0x151: {  	v41 =	vmul.f32 v47, v36;
	[tilespmem:s21+$0xFFFFFFD0] =	vst v26;
	v30 =	vadd.f32 v30, v42  }
0x152: {  	[tilespmem:s17+$0x0] =	vst v27;
	v28 =	vadd.f32 v28, v39  }
0x153: {  	v43 =	vadd.f32 v63, v61;
	v26 =	vsub.f32 $2.000000000e+00, v41;
	[tilespmem:s22+$0xFFFFFFD0] =	vst v30;
	v30 =	vld.idx.msk [tilespmem:v40+s11+$0x0], $0xffff  }
0x154: {  	v29 =	vmul.f32 $4.000000000e+00, v29;
	v44 =	vmul.f32 $3.000000000e+00, v61;
	[tilespmem:s18+$0x0] =	vst v28  }
0x155: {  	v24 =	vsub.f32 v24, v31;
	v26 =	vmul.f32 v26, v47;
	v27 =	vadd.f32 v43, v43;
	v31 =	vld [tilespmem:s30+$0x10]  }
0x156: {  	v28 =	vsub.f32 v29, v44  }
0x157: {  	v26 =	vmul.f32 v26, v24;
	v24 =	vsub.f32 v27, v29  }
0x158: {  	vm11 =	vlt.f32 v30, v25;
	v27 =	vsub.f32 v28, v63;
	v28 =	vadd.s32 $0x10, v35  }
0x159: {  	v29 =	vmul.f32 v26, v24;
	v30 =	vsel vm11, v28, v35  }
0x15a: {  	v46 =	vadd.s32 v4, v30;
	v28 =	vmax.f32 v31, $9.999999970e-07  }
0x15b: {  	v45 =	vld [tilespmem:s24+$0xFFFFFFE0];
	v27 =	vadd.f32 v29, v27;
	v29 =	vadd.s32 v6, v30;
	v28 =	vmin.f32 v28, $9.999989860e-01  }
0x15c: {  	vm13 =	vlt.f32 v11, v28  }
0x15d: {  	v49 =	vsel vm13, v14, v12  }
0x15e: {  	v50 =	vsel vm13, $0x100, v1;
	vm3 =	vlt.f32 v49, v28  }
0x15f: {  	v32 =	vld.idx.msk [tilespmem:v46+s11+$0x0], $0xffff;
	v51 =	vor.u32 $0x80, v50;
	v52 =	vsel vm3, v16, v15;
	v53 =	vsel vm3, v13, v10  }
0x160: {  	v24 =	vmax.f32 v45, $9.999999970e-07;
	v29 =	vld.idx.msk [tilespmem:v29+s11+$0x0], $0xffff;
	v34 =	vsel vm3, v51, v50;
	v55 =	vsel vm13, v52, v53  }
0x161: {  	v24 =	vmin.f32 v24, $9.999989860e-01;
	v58 =	vor.u32 $0x40, v34;
	vm1 =	vlt.f32 v55, v28  }
0x162: {  	vm12 =	vlt.f32 v21, v24;
	v34 =	vsel vm1, v58, v34  }
0x163: {  	s26 =	simm.s32 $0x240;
	v47 =	vsel vm12, v23, v19;
	v36 =	vor.u32 v5, v34  }
0x164: {  	v56 =	vld [tilespmem:s26+$0xFFFFFFC0];
	vm14 =	vlt.f32 v47, v24;
	v62 =	vadd.s32 v7, v30;
	v63 =	vadd.s32 v8, v30  }
0x165: {  	v30 =	vadd.s32 v9, v30;
	v31 =	vsel vm12, $0x100, v1;
	v29 =	vsub.f32 v29, v32  }
0x166: {  	v54 =	vsel vm14, v22, v20;
	v57 =	vsel vm14, v18, v17;
	v48 =	vor.u32 $0x80, v31  }
0x167: {  	v59 =	vsel vm12, v54, v57;
	v31 =	vsel vm14, v48, v31;
	(erf) = vrcp.f32 v29  }
0x168: {  	s31 =	simm.s32 $0x8E00;
	v27 =	vmul.f32 v27, v26;
	vm0 =	vlt.f32 v59, v24;
	v60 =	vor.u32 $0x40, v31;
	v36 =	vld.idx.msk [tilespmem:v36+s11+$0x0], $0xffff  }
0x169: {  	[tilespmem:s31+$0xFFFFFFC0] =	vst v26;
	v26 =	vmax.f32 v56, $9.999999970e-07;
	v31 =	vsel vm0, v60, v31  }
0x16a: {  	v26 =	vmin.f32 v26, $9.999989860e-01;
	v27 =	vadd.f32 v27, v61;
	v61 =	vor.u32 v2, v31  }
0x16b: {  	vm15 =	vlt.f32 v21, v26;
	v35 =	vld.idx.msk [tilespmem:v62+s12+$0x0], $0xffff  }
0x16c: {  	s0 =	simm.s32 $0x4E00;
	v42 =	vsel vm15, $0x100, v1;
	v37 =	vld.idx.msk [tilespmem:v63+s12+$0x0], $0xffff  }
0x16d: {  	v43 =	vsel vm15, v23, v19;
	v30 =	vld.idx.msk [tilespmem:v30+s12+$0x0], $0xffff;
	[tilespmem:s0+$0xFFFFFFC0] =	vst v27;
	v48 =	vor.u32 $0x20, v34;
	vm5 =	vlt.f32 v36, v28  }
0x16e: {  	vm4 =	vlt.f32 v43, v26;
	v44 =	vor.u32 $0x80, v42;
	v27 =	vld [tilespmem:s23+$0xFFFFFFD0];
	v34 =	vsel vm5, v48, v34  }
0x16f: {  	v38 =	vsel vm4, v44, v42;
	v33 =	vld.idx.msk [tilespmem:v61+s11+$0x0], $0xffff;
	v51 =	vadd.s32 v6, v34  }
0x170: {  	v45 =	vsel vm4, v22, v20;
	v46 =	vsel vm4, v18, v17;
	v49 =	vor.u32 $0x20, v31;
	v50 =	vpop (erf)  }
0x171: {  	v39 =	vsel vm15, v45, v46;
	v47 =	vor.u32 $0x40, v38;
	v29 =	vmul.f32 v50, v29  }
0x172: {  	vm8 =	vlt.f32 v39, v26;
	v56 =	vadd.f32 v37, v35;
	v25 =	vsub.f32 v25, v32  }
0x173: {  	v30 =	vmul.f32 $4.000000000e+00, v30;
	v57 =	vmul.f32 $3.000000000e+00, v35;
	v29 =	vsub.f32 $2.000000000e+00, v29  }
0x174: {  	v27 =	vmax.f32 v27, $9.999999970e-07;
	v58 =	vadd.f32 v56, v56;
	vm7 =	vlt.f32 v33, v24;
	v39 =	vld.idx.msk [tilespmem:v51+s11+$0x0], $0xffff  }
0x175: {  	v27 =	vmin.f32 v27, $9.999989860e-01;
	v31 =	vsel vm7, v49, v31;
	v29 =	vmul.f32 v29, v50  }
0x176: {  	v38 =	vsel vm8, v47, v38;
	vm6 =	vlt.f32 v11, v27;
	v54 =	vadd.s32 v3, v31  }
0x177: {  	v25 =	vmul.f32 v29, v25;
	v29 =	vsub.f32 v30, v57;
	v30 =	vsub.f32 v58, v30  }
0x178: {  	v61 =	vor.u32 v2, v38;
	v52 =	vsel vm6, v14, v12;
	v44 =	vadd.s32 $0x10, v34  }
0x179: {  	v29 =	vsub.f32 v29, v37;
	v30 =	vmul.f32 v25, v30;
	vm11 =	vlt.f32 v39, v28  }
0x17a: {  	v53 =	vsel vm6, $0x100, v1;
	vm9 =	vlt.f32 v52, v27;
	v34 =	vsel vm11, v44, v34  }
0x17b: {  	v55 =	vor.u32 $0x80, v53;
	v29 =	vadd.f32 v30, v29;
	v30 =	vadd.s32 v4, v34  }
0x17c: {  	v59 =	vsel vm9, v16, v15;
	v60 =	vsel vm9, v13, v10;
	v46 =	vld.idx.msk [tilespmem:v54+s11+$0x0], $0xffff;
	v47 =	vadd.s32 v6, v34  }
0x17d: {  	v62 =	vsel vm6, v59, v60;
	v36 =	vsel vm9, v55, v53;
	v29 =	vmul.f32 v29, v25  }
0x17e: {  	vm10 =	vlt.f32 v62, v27;
	v63 =	vor.u32 $0x40, v36  }
0x17f: {  	v32 =	vld.idx.msk [tilespmem:v61+s11+$0x0], $0xffff;
	v33 =	vsel vm10, v63, v36;
	v29 =	vadd.f32 v29, v35  }
0x180: {  	v45 =	vor.u32 v5, v33;
	[tilespmem:s19+$0xFFFFFFF0] =	vst v25;
	v25 =	vld.idx.msk [tilespmem:v30+s11+$0x0], $0xffff  }
0x181: {  	v49 =	vadd.s32 $0x10, v31;
	vm12 =	vlt.f32 v46, v24;
	[tilespmem:s20+$0xFFFFFFF0] =	vst v29;
	v29 =	vld.idx.msk [tilespmem:v47+s11+$0x0], $0xffff  }
0x182: {  	v30 =	vsel vm12, v49, v31  }
0x183: {  	v50 =	vld [tilespmem:s25+$0x0];
	v31 =	vadd.s32 v0, v30  }
0x184: {  	v37 =	vadd.s32 v3, v30  }
0x185: {  	vm13 =	vlt.f32 v32, v26;
	v51 =	vor.u32 $0x20, v38;
	v48 =	vld.idx.msk [tilespmem:v45+s11+$0x0], $0xffff  }
0x186: {  	v32 =	vsel vm13, v51, v38;
	v53 =	vsub.f32 v29, v25  }
0x187: {  	v54 =	vadd.s32 v3, v32  }
0x188: {  	v56 =	vadd.s32 v7, v34;
	v29 =	vmax.f32 v50, $9.999999970e-07;
	v39 =	vld.idx.msk [tilespmem:v31+s11+$0x0], $0xffff;
	(erf) = vrcp.f32 v53  }
0x189: {  	v52 =	vor.u32 $0x20, v33;
	v58 =	vadd.s32 v8, v34;
	v55 =	vld.idx.msk [tilespmem:v37+s11+$0x0], $0xffff;
	v29 =	vmin.f32 v29, $9.999989860e-01  }
0x18a: {  	vm14 =	vlt.f32 v48, v27;
	v34 =	vadd.s32 v9, v34;
	vm15 =	vlt.f32 v21, v29  }
0x18b: {  	v33 =	vsel vm14, v52, v33;
	v57 =	vsel vm15, v23, v19  }
0x18c: {  	v40 =	vld.idx.msk [tilespmem:v54+s11+$0x0], $0xffff;
	v38 =	vadd.s32 v6, v33;
	v59 =	vsel vm15, $0x100, v1;
	vm4 =	vlt.f32 v57, v29  }
0x18d: {  	v41 =	vld.idx.msk [tilespmem:v56+s12+$0x0], $0xffff;
	v60 =	vor.u32 $0x80, v59;
	v61 =	vsel vm4, v22, v20;
	v62 =	vsel vm4, v18, v17  }
0x18e: {  	v43 =	vld.idx.msk [tilespmem:v58+s12+$0x0], $0xffff;
	v42 =	vsel vm4, v60, v59;
	v36 =	vsub.f32 v55, v39;
	v63 =	vsel vm15, v61, v62  }
0x18f: {  	v34 =	vld.idx.msk [tilespmem:v34+s12+$0x0], $0xffff;
	v48 =	vor.u32 $0x40, v42;
	vm0 =	vlt.f32 v63, v29  }
0x190: {  	(erf) = vrcp.f32 v36;
	v42 =	vsel vm0, v48, v42  }
0x191: {  	v38 =	vld.idx.msk [tilespmem:v38+s11+$0x0], $0xffff;
	v44 =	vor.u32 v2, v42;
	v49 =	vpop (erf)  }
0x192: {  	v51 =	vadd.s32 $0x10, v33;
	v35 =	vmul.f32 v49, v53  }
0x193: {  	vm5 =	vlt.f32 v40, v26;
	v30 =	vadd.s32 v4, v30;
	v50 =	vadd.s32 $0x10, v32;
	v31 =	vld.idx.msk [tilespmem:v31+s12+$0x0], $0xffff  }
0x194: {  	v52 =	vadd.f32 v43, v41;
	v34 =	vmul.f32 $4.000000000e+00, v34;
	v37 =	vld.idx.msk [tilespmem:v37+s12+$0x0], $0xffff;
	v35 =	vsub.f32 $2.000000000e+00, v35  }
0x195: {  	v54 =	vmul.f32 $3.000000000e+00, v41;
	v25 =	vsub.f32 v28, v25;
	v32 =	vsel vm5, v50, v32  }
0x196: {  	vm6 =	vlt.f32 v38, v27;
	v28 =	vadd.f32 v52, v52;
	v53 =	vld.idx.msk [tilespmem:v44+s11+$0x0], $0xffff;
	v35 =	vmul.f32 v35, v49  }
0x197: {  	v45 =	vadd.s32 v0, v32;
	v33 =	vsel vm6, v51, v33;
	v40 =	vadd.s32 v3, v32  }
0x198: {  	v30 =	vld.idx.msk [tilespmem:v30+s12+$0x0], $0xffff;
	v28 =	vsub.f32 v28, v34;
	v44 =	vsub.f32 v34, v54;
	v25 =	vmul.f32 v35, v25  }
0x199: {  	v56 =	vadd.s32 v4, v33;
	v60 =	vadd.s32 v6, v33;
	v61 =	vadd.f32 v37, v31;
	v55 =	vpop (erf)  }
0x19a: {  	v59 =	vsub.f32 v44, v43;
	v57 =	vmul.f32 v55, v36;
	v28 =	vmul.f32 v25, v28  }
0x19b: {  	v24 =	vsub.f32 v24, v39;
	v58 =	vor.u32 $0x20, v42;
	vm7 =	vlt.f32 v53, v29  }
0x19c: {  	v36 =	vsel vm7, v58, v42;
	v35 =	vsub.f32 $2.000000000e+00, v57;
	v28 =	vadd.f32 v28, v59  }
0x19d: {  	v30 =	vmul.f32 $4.000000000e+00, v30;
	v62 =	vmul.f32 $3.000000000e+00, v31;
	v42 =	vadd.s32 v3, v36  }
0x19e: {  	v39 =	vld.idx.msk [tilespmem:v45+s11+$0x0], $0xffff;
	v44 =	vadd.f32 v61, v61;
	v35 =	vmul.f32 v35, v55;
	v28 =	vmul.f32 v28, v25  }
0x19f: {  	v63 =	vld.idx.msk [tilespmem:v40+s11+$0x0], $0xffff;
	v38 =	vsub.f32 v30, v62  }
0x1a0: {  	v34 =	vld.idx.msk [tilespmem:v56+s11+$0x0], $0xffff;
	v30 =	vsub.f32 v44, v30;
	v24 =	vmul.f32 v35, v24;
	v28 =	vadd.f32 v28, v41  }
0x1a1: {  	[tilespmem:s17+$0x10] =	vst v25;
	v25 =	vld.idx.msk [tilespmem:v60+s11+$0x0], $0xffff  }
0x1a2: {  	v37 =	vsub.f32 v38, v37;
	v48 =	vld.idx.msk [tilespmem:v42+s11+$0x0], $0xffff;
	v30 =	vmul.f32 v24, v30;
	[tilespmem:s18+$0x10] =	vst v28  }
0x1a3: {  	v28 =	vld [tilespmem:s30+$0x20]  }
0x1a4: {  	v41 =	vsub.f32 v63, v39;
	v30 =	vadd.f32 v30, v37  }
0x1a5: {  	v50 =	vadd.s32 v9, v33;
	v49 =	vadd.s32 v7, v33  }
0x1a6: {  	v51 =	vadd.s32 $0x10, v36;
	(erf) = vrcp.f32 v41;
	v30 =	vmul.f32 v30, v24  }
0x1a7: {  	[tilespmem:s21+$0xFFFFFFE0] =	vst v24;
	v52 =	vsub.f32 v25, v34;
	v24 =	vadd.s32 v8, v33;
	vm8 =	vlt.f32 v48, v29  }
0x1a8: {  	v36 =	vsel vm8, v51, v36;
	v30 =	vadd.f32 v30, v31;
	v25 =	vmax.f32 v28, $9.999999970e-07  }
0x1a9: {  	(erf) = vrcp.f32 v52;
	v31 =	vadd.s32 v0, v36;
	v25 =	vmin.f32 v25, $9.999989860e-01  }
0x1aa: {  	v37 =	vld.idx.msk [tilespmem:v49+s12+$0x0], $0xffff;
	v42 =	vadd.s32 v3, v36;
	[tilespmem:s22+$0xFFFFFFE0] =	vst v30;
	vm9 =	vlt.f32 v21, v25  }
0x1ab: {  	v30 =	vld [tilespmem:s24+$0xFFFFFFF0];
	v53 =	vsel vm9, v23, v19  }
0x1ac: {  	v28 =	vld.idx.msk [tilespmem:v50+s12+$0x0], $0xffff;
	v54 =	vsel vm9, $0x100, v1;
	vm10 =	vlt.f32 v53, v25  }
0x1ad: {  	v44 =	vld.idx.msk [tilespmem:v24+s12+$0x0], $0xffff;
	v55 =	vor.u32 $0x80, v54;
	v56 =	vsel vm10, v22, v20;
	v57 =	vsel vm10, v18, v17  }
0x1ae: {  	v33 =	vld.idx.msk [tilespmem:v31+s11+$0x0], $0xffff;
	v38 =	vsel vm10, v55, v54;
	v59 =	vsel vm9, v56, v57  }
0x1af: {  	v58 =	vld.idx.msk [tilespmem:v42+s11+$0x0], $0xffff;
	v24 =	vor.u32 $0x40, v38;
	vm0 =	vlt.f32 v59, v25  }
0x1b0: {  	v30 =	vmax.f32 v30, $9.999999970e-07;
	v38 =	vsel vm0, v24, v38  }
0x1b1: {  	v27 =	vsub.f32 v27, v34;
	v34 =	vpop (erf);
	v24 =	vmin.f32 v30, $9.999989860e-01;
	v30 =	vor.u32 v2, v38  }
0x1b2: {  	v32 =	vadd.s32 v4, v32;
	v60 =	vmul.f32 $4.000000000e+00, v28;
	v61 =	vpop (erf)  }
0x1b3: {  	v36 =	vadd.s32 v4, v36;
	v28 =	vmul.f32 $3.000000000e+00, v37;
	v35 =	vmul.f32 v61, v52  }
0x1b4: {  	v63 =	vadd.f32 v44, v37;
	vm11 =	vlt.f32 v11, v24;
	v47 =	vsub.f32 v58, v33  }
0x1b5: {  	v35 =	vsub.f32 $2.000000000e+00, v35;
	v62 =	vsel vm11, v14, v12;
	v50 =	vsel vm11, $0x100, v1  }
0x1b6: {  	vm12 =	vlt.f32 v62, v24;
	v55 =	vor.u32 $0x80, v50;
	(erf) = vrcp.f32 v47;
	v52 =	vld.idx.msk [tilespmem:v30+s11+$0x0], $0xffff  }
0x1b7: {  	v35 =	vmul.f32 v35, v61;
	v56 =	vsel vm12, v16, v15;
	v51 =	vsel vm12, v13, v10  }
0x1b8: {  	v32 =	vld.idx.msk [tilespmem:v32+s12+$0x0], $0xffff;
	v48 =	vsel vm12, v55, v50;
	v57 =	vsel vm11, v56, v51;
	v30 =	vadd.f32 v63, v63  }
0x1b9: {  	v36 =	vld.idx.msk [tilespmem:v36+s12+$0x0], $0xffff;
	v59 =	vsub.f32 v60, v28;
	v58 =	vor.u32 $0x40, v48;
	vm0 =	vlt.f32 v57, v24  }
0x1ba: {  	v48 =	vsel vm0, v58, v48;
	v43 =	vsub.f32 v30, v60;
	v30 =	vld.idx.msk [tilespmem:v40+s12+$0x0], $0xffff;
	v40 =	vmul.f32 v35, v27  }
0x1bb: {  	v31 =	vld.idx.msk [tilespmem:v31+s12+$0x0], $0xffff;
	v27 =	vor.u32 v5, v48;
	v60 =	vor.u32 $0x20, v38;
	vm13 =	vlt.f32 v52, v25  }
0x1bc: {  	v42 =	vld.idx.msk [tilespmem:v42+s12+$0x0], $0xffff;
	v38 =	vsel vm13, v60, v38  }
0x1bd: {  	v28 =	vld.idx.msk [tilespmem:v45+s12+$0x0], $0xffff;
	v62 =	vadd.s32 v3, v38  }
0x1be: {  	v44 =	vsub.f32 v59, v44;
	v61 =	vmul.f32 v40, v43  }
0x1bf: {  	v32 =	vmul.f32 $4.000000000e+00, v32;
	v36 =	vmul.f32 $4.000000000e+00, v36;
	v63 =	vpop (erf)  }
0x1c0: {  	v35 =	vadd.f32 v61, v44;
	v52 =	vld.idx.msk [tilespmem:v27+s11+$0x0], $0xffff;
	v27 =	vsub.f32 v26, v39;
	v26 =	vmul.f32 v63, v47  }
0x1c1: {  	v29 =	vsub.f32 v29, v33;
	v56 =	vadd.f32 v42, v31;
	v58 =	vmul.f32 $3.000000000e+00, v31  }
0x1c2: {  	v53 =	vmul.f32 $3.000000000e+00, v28;
	v35 =	vmul.f32 v35, v40;
	v26 =	vsub.f32 $2.000000000e+00, v26;
	v43 =	vld.idx.msk [tilespmem:v62+s11+$0x0], $0xffff  }
0x1c3: {  	v55 =	vmul.f32 v34, v41;
	v60 =	vadd.f32 v56, v56;
	v61 =	vsub.f32 v36, v58  }
0x1c4: {  	v54 =	vadd.f32 v30, v28;
	v57 =	vadd.f32 v35, v37;
	v59 =	vmul.f32 v26, v63  }
0x1c5: {  	v26 =	vor.u32 $0x20, v48;
	v63 =	vadd.s32 $0x10, v38;
	vm14 =	vlt.f32 v52, v24  }
0x1c6: {  	[tilespmem:s31+$0xFFFFFFD0] =	vst v40;
	v26 =	vsel vm14, v26, v48;
	v35 =	vmul.f32 v59, v29;
	v29 =	vsub.f32 v60, v36  }
0x1c7: {  	v62 =	vsub.f32 $2.000000000e+00, v55;
	[tilespmem:s0+$0xFFFFFFD0] =	vst v57;
	v37 =	vadd.s32 v6, v26;
	vm15 =	vlt.f32 v43, v25  }
0x1c8: {  	v41 =	vsub.f32 v61, v42;
	v29 =	vmul.f32 v35, v29;
	v33 =	vsel vm15, v63, v38;
	v38 =	vld [tilespmem:s23+$0xFFFFFFE0]  }
0x1c9: {  	s2 =	simm.s32 $0x10;
	v36 =	vadd.f32 v54, v54;
	v39 =	vmul.f32 v62, v34  }
0x1ca: {  	s1 =	simm.s32 $0x2C0;
	s29 =	simm.s32 $0x8E00;
	s28 =	simm.s32 $0x4E00;
	v34 =	vsub.f32 v32, v53;
	v40 =	vadd.f32 v29, v41;
	v29 =	vadd.s32 v0, v33  }
.LBB2_2:
0x1cb: {  	v41 =	vld [tilespmem:s1+$0xFFFFFFC0];
	v39 =	vmul.f32 v39, v27;
	v27 =	vsub.f32 v36, v32;
	v32 =	vadd.s32 v3, v33  }
0x1cc: {  	v36 =	vld.idx.msk [tilespmem:v37+s11+$0x0], $0xffff;
	v37 =	vmul.f32 v40, v35  }
0x1cd: {  	v30 =	vsub.f32 v34, v30;
	v34 =	vmul.f32 v39, v27;
	v27 =	vmax.f32 v38, $9.999999970e-07  }
0x1ce: {  	v27 =	vmin.f32 v27, $9.999989860e-01;
	v31 =	vadd.f32 v37, v31  }
0x1cf: {  	v30 =	vadd.f32 v34, v30;
	vm0 =	vlt.f32 v21, v27;
	[tilespmem:s19+$0x0] =	vst v35;
	v34 =	vld.idx.msk [tilespmem:v29+s11+$0x0], $0xffff  }
0x1d0: {  	v35 =	vmax.f32 v41, $9.999999970e-07;
	v37 =	vsel vm0, $0x100, v1;
	[tilespmem:s20+$0x0] =	vst v31;
	v31 =	vld.idx.msk [tilespmem:v32+s11+$0x0], $0xffff  }
0x1d1: {  	v38 =	vmul.f32 v30, v39;
	v30 =	vsel vm0, v23, v19;
	v40 =	vor.u32 $0x80, v37;
	v41 =	vld [tilespmem:s25+$0x10]  }
0x1d2: {  	vm2 =	vlt.f32 v36, v24;
	vm1 =	vlt.f32 v30, v27;
	v30 =	vadd.s32 $0x10, v26  }
0x1d3: {  	v36 =	vsel vm1, v22, v20;
	v42 =	vsel vm1, v18, v17;
	v43 =	vsel vm2, v30, v26  }
0x1d4: {  	v26 =	vsel vm1, v40, v37;
	v30 =	vsel vm0, v36, v42;
	v36 =	vadd.s32 v4, v43  }
0x1d5: {  	v37 =	vadd.s32 v6, v43;
	vm0 =	vlt.f32 v30, v27;
	v30 =	vor.u32 $0x40, v26  }
0x1d6: {  	v31 =	vsub.f32 v31, v34;
	v40 =	vsel vm0, v30, v26;
	v30 =	vmax.f32 v41, $9.999999970e-07  }
0x1d7: {  	v26 =	vmin.f32 v35, $9.999989860e-01;
	v35 =	vor.u32 v2, v40;
	v30 =	vmin.f32 v30, $9.999989860e-01  }
0x1d8: {  	s31 =	sadd.s32 $0x80, s31;
	v28 =	vadd.f32 v38, v28;
	vm1 =	vlt.f32 v11, v30;
	(erf) = vrcp.f32 v31  }
0x1d9: {  	s0 =	sadd.s32 $0x80, s0;
	vm0 =	vlt.f32 v21, v26;
	[tilespmem:s31+$0xFFFFFFC0] =	vst v39;
	v36 =	vld.idx.msk [tilespmem:v36+s11+$0x0], $0xffff;
	v38 =	vsel vm1, v14, v12  }
0x1da: {  	v33 =	vadd.s32 v4, v33;
	[tilespmem:s0+$0xFFFFFFC0] =	vst v28;
	v28 =	vld.idx.msk [tilespmem:v37+s11+$0x0], $0xffff;
	v37 =	vsel vm1, $0x100, v1;
	vm2 =	vlt.f32 v38, v30  }
0x1db: {  	v38 =	vld [tilespmem:s26+$0xFFFFFFD0];
	v39 =	vor.u32 $0x80, v37;
	v41 =	vsel vm2, v16, v15;
	v42 =	vsel vm2, v13, v10  }
0x1dc: {  	v44 =	vsel vm0, $0x100, v1;
	v35 =	vld.idx.msk [tilespmem:v35+s11+$0x0], $0xffff;
	v37 =	vsel vm2, v39, v37;
	v39 =	vsel vm1, v41, v42  }
0x1dd: {  	v41 =	vsel vm0, v23, v19;
	vm1 =	vlt.f32 v39, v30;
	v39 =	vor.u32 $0x40, v37;
	v29 =	vld.idx.msk [tilespmem:v29+s12+$0x0], $0xffff  }
0x1de: {  	vm2 =	vlt.f32 v41, v26;
	v41 =	vor.u32 $0x80, v44;
	v37 =	vsel vm1, v39, v37;
	v32 =	vld.idx.msk [tilespmem:v32+s12+$0x0], $0xffff  }
0x1df: {  	v39 =	vsel vm2, v41, v44;
	v41 =	vsel vm2, v22, v20;
	v42 =	vor.u32 v5, v37;
	v33 =	vld.idx.msk [tilespmem:v33+s12+$0x0], $0xffff  }
0x1e0: {  	v44 =	vsel vm2, v18, v17;
	v45 =	vsub.f32 v28, v36;
	v46 =	vmax.f32 v38, $9.999999970e-07  }
0x1e1: {  	v41 =	vsel vm0, v41, v44;
	v44 =	vor.u32 $0x40, v39;
	v28 =	vmin.f32 v46, $9.999989860e-01;
	v38 =	vpop (erf)  }
0x1e2: {  	v46 =	vadd.s32 v7, v43;
	(erf) = vrcp.f32 v45;
	v31 =	vmul.f32 v38, v31  }
0x1e3: {  	v48 =	vadd.s32 v8, v43;
	v47 =	vor.u32 $0x20, v40;
	vm0 =	vlt.f32 v11, v28  }
0x1e4: {  	v43 =	vadd.s32 v9, v43;
	v49 =	vadd.f32 v32, v29;
	v42 =	vld.idx.msk [tilespmem:v42+s11+$0x0], $0xffff;
	v31 =	vsub.f32 $2.000000000e+00, v31  }
0x1e5: {  	v25 =	vsub.f32 v25, v34;
	vm1 =	vlt.f32 v35, v27;
	v33 =	vmul.f32 $4.000000000e+00, v33  }
0x1e6: {  	v34 =	vmul.f32 $3.000000000e+00, v29;
	v35 =	vadd.f32 v49, v49;
	v31 =	vmul.f32 v31, v38  }
0x1e7: {  	vm2 =	vlt.f32 v41, v26;
	v40 =	vsel vm1, v47, v40;
	v38 =	vsel vm0, $0x100, v1;
	v41 =	vld.idx.msk [tilespmem:v46+s12+$0x0], $0xffff  }
0x1e8: {  	v46 =	vld.idx.msk [tilespmem:v48+s12+$0x0], $0xffff;
	v25 =	vmul.f32 v31, v25;
	v31 =	vsub.f32 v33, v34;
	v33 =	vsub.f32 v35, v33  }
0x1e9: {  	v47 =	vor.u32 $0x20, v37;
	v48 =	vsel vm0, v14, v12;
	v35 =	vadd.s32 v3, v40;
	v43 =	vld.idx.msk [tilespmem:v43+s12+$0x0], $0xffff  }
0x1ea: {  	vm1 =	vlt.f32 v42, v30;
	v31 =	vsub.f32 v31, v32;
	v32 =	vmul.f32 v25, v33  }
0x1eb: {  	vm3 =	vlt.f32 v48, v28;
	v33 =	vor.u32 $0x80, v38;
	v37 =	vsel vm1, v47, v37;
	v34 =	vpop (erf)  }
0x1ec: {  	v42 =	vmul.f32 v34, v45;
	v45 =	vadd.s32 v6, v37;
	v31 =	vadd.f32 v32, v31  }
0x1ed: {  	v33 =	vsel vm3, v33, v38;
	v32 =	vsel vm2, v44, v39  }
0x1ee: {  	v39 =	vadd.f32 v46, v41;
	v38 =	vsub.f32 $2.000000000e+00, v42;
	v31 =	vmul.f32 v31, v25  }
0x1ef: {  	v24 =	vsub.f32 v24, v36;
	v36 =	vmul.f32 $4.000000000e+00, v43;
	v42 =	vmul.f32 $3.000000000e+00, v41;
	v35 =	vld.idx.msk [tilespmem:v35+s11+$0x0], $0xffff  }
0x1f0: {  	v34 =	vmul.f32 v38, v34;
	v38 =	vadd.f32 v39, v39;
	v29 =	vadd.f32 v31, v29  }
0x1f1: {  	v31 =	vsel vm3, v16, v15;
	v39 =	vsel vm3, v13, v10;
	v43 =	vld.idx.msk [tilespmem:v45+s11+$0x0], $0xffff;
	[tilespmem:s17+$0x20] =	vst v25  }
0x1f2: {  	v25 =	vsub.f32 v36, v42;
	v24 =	vmul.f32 v34, v24;
	v34 =	vsub.f32 v38, v36;
	[tilespmem:s18+$0x20] =	vst v29  }
0x1f3: {  	v31 =	vsel vm0, v31, v39;
	v29 =	vor.u32 v2, v32;
	v36 =	vor.u32 $0x40, v33;
	v38 =	vld [tilespmem:s30+$0x30];
	s30 =	smov.u32 s25;
	s25 =	smov.u32 s24;
	s24 =	smov.u32 s23  }
0x1f4: {  	vm0 =	vlt.f32 v31, v28;
	v25 =	vsub.f32 v25, v46;
	s23 =	smov.u32 s26;
	s26 =	smov.u32 s1;
	v31 =	vmul.f32 v24, v34  }
0x1f5: {  	v33 =	vsel vm0, v36, v33;
	v34 =	vadd.s32 $0x10, v40;
	vm0 =	vlt.f32 v35, v27  }
0x1f6: {  	v35 =	vor.u32 v5, v33;
	v34 =	vsel vm0, v34, v40;
	v25 =	vadd.f32 v31, v25  }
0x1f7: {  	v36 =	vadd.s32 v0, v34;
	v31 =	vadd.s32 $0x10, v37;
	vm0 =	vlt.f32 v43, v30  }
0x1f8: {  	v37 =	vsel vm0, v31, v37;
	v29 =	vld.idx.msk [tilespmem:v29+s11+$0x0], $0xffff;
	v25 =	vmul.f32 v25, v24;
	v31 =	vmax.f32 v38, $9.999999970e-07  }
0x1f9: {  	v38 =	vadd.s32 v4, v37;
	v31 =	vmin.f32 v31, $9.999989860e-01  }
0x1fa: {  	v39 =	vadd.s32 v6, v37;
	v25 =	vadd.f32 v25, v41;
	vm0 =	vlt.f32 v11, v31  }
0x1fb: {  	v40 =	vadd.s32 v3, v34;
	v35 =	vld.idx.msk [tilespmem:v35+s11+$0x0], $0xffff;
	[tilespmem:s21+$0xFFFFFFF0] =	vst v24;
	v24 =	vsel vm0, v14, v12  }
0x1fc: {  	v41 =	vor.u32 $0x20, v32;
	v42 =	vld.idx.msk [tilespmem:v36+s11+$0x0], $0xffff;
	[tilespmem:s22+$0xFFFFFFF0] =	vst v25;
	v25 =	vsel vm0, $0x100, v1;
	vm1 =	vlt.f32 v24, v31  }
0x1fd: {  	v24 =	vld [tilespmem:s25+$0x0];
	v43 =	vor.u32 $0x80, v25;
	v44 =	vsel vm1, v16, v15;
	v45 =	vsel vm1, v13, v10  }
0x1fe: {  	vm2 =	vlt.f32 v29, v26;
	v38 =	vld.idx.msk [tilespmem:v38+s11+$0x0], $0xffff;
	v25 =	vsel vm1, v43, v25;
	v29 =	vsel vm0, v44, v45  }
0x1ff: {  	v32 =	vsel vm2, v41, v32;
	v39 =	vld.idx.msk [tilespmem:v39+s11+$0x0], $0xffff;
	vm0 =	vlt.f32 v29, v31;
	v29 =	vor.u32 $0x40, v25  }
0x200: {  	v41 =	vadd.s32 v3, v32;
	v43 =	vld.idx.msk [tilespmem:v40+s11+$0x0], $0xffff;
	v25 =	vsel vm0, v29, v25  }
0x201: {  	v29 =	vor.u32 $0x20, v33;
	vm0 =	vlt.f32 v35, v28;
	v35 =	vor.u32 v5, v25  }
0x202: {  	v44 =	vsel vm0, v29, v33;
	v24 =	vmax.f32 v24, $9.999999970e-07  }
0x203: {  	v33 =	vadd.s32 v6, v44;
	v29 =	vmin.f32 v24, $9.999989860e-01  }
0x204: {  	v24 =	vadd.s32 v4, v34;
	vm0 =	vlt.f32 v21, v29  }
0x205: {  	v39 =	vsub.f32 v39, v38;
	v34 =	vld.idx.msk [tilespmem:v41+s11+$0x0], $0xffff;
	v41 =	vsel vm0, $0x100, v1  }
0x206: {  	v43 =	vsub.f32 v43, v42;
	v45 =	vsel vm0, v23, v19;
	v46 =	vor.u32 $0x80, v41;
	v35 =	vld.idx.msk [tilespmem:v35+s11+$0x0], $0xffff  }
0x207: {  	vm1 =	vlt.f32 v45, v29;
	v45 =	vadd.s32 v7, v37;
	(erf) = vrcp.f32 v39  }
0x208: {  	v49 =	vadd.s32 v8, v37;
	v47 =	vsel vm1, v22, v20;
	v48 =	vsel vm1, v18, v17;
	v33 =	vld.idx.msk [tilespmem:v33+s11+$0x0], $0xffff  }
0x209: {  	v37 =	vadd.s32 v9, v37;
	v41 =	vsel vm1, v46, v41;
	v46 =	vsel vm0, v47, v48;
	v24 =	vld.idx.msk [tilespmem:v24+s12+$0x0], $0xffff  }
0x20a: {  	v47 =	vadd.s32 $0x10, v32;
	vm0 =	vlt.f32 v46, v29;
	v46 =	vor.u32 $0x40, v41;
	v36 =	vld.idx.msk [tilespmem:v36+s12+$0x0], $0xffff  }
0x20b: {  	vm1 =	vlt.f32 v34, v26;
	v34 =	vsel vm0, v46, v41;
	v40 =	vld.idx.msk [tilespmem:v40+s12+$0x0], $0xffff;
	(erf) = vrcp.f32 v43  }
0x20c: {  	v46 =	vor.u32 $0x20, v25;
	v41 =	vor.u32 v2, v34;
	vm0 =	vlt.f32 v35, v31;
	v45 =	vld.idx.msk [tilespmem:v45+s12+$0x0], $0xffff  }
0x20d: {  	v47 =	vsel vm1, v47, v32;
	v25 =	vsel vm0, v46, v25;
	v35 =	vld.idx.msk [tilespmem:v49+s12+$0x0], $0xffff  }
0x20e: {  	v32 =	vadd.s32 $0x10, v44;
	vm0 =	vlt.f32 v33, v28;
	v46 =	vadd.s32 v6, v25;
	v37 =	vld.idx.msk [tilespmem:v37+s12+$0x0], $0xffff  }
0x20f: {  	v33 =	vadd.s32 v0, v47;
	v44 =	vsel vm0, v32, v44  }
0x210: {  	v32 =	vadd.s32 v3, v47;
	v48 =	vadd.s32 v7, v44;
	v49 =	vadd.s32 v9, v44;
	v50 =	vpop (erf)  }
0x211: {  	v51 =	vadd.s32 v4, v44;
	v52 =	vadd.s32 v8, v44;
	v41 =	vld.idx.msk [tilespmem:v41+s11+$0x0], $0xffff;
	v39 =	vmul.f32 v50, v39  }
0x212: {  	v42 =	vsub.f32 v27, v42;
	v24 =	vmul.f32 $4.000000000e+00, v24;
	v44 =	vadd.s32 v6, v44  }
0x213: {  	v53 =	vmul.f32 $3.000000000e+00, v36;
	v27 =	vsub.f32 $2.000000000e+00, v39;
	v39 =	vadd.f32 v35, v45;
	v46 =	vld.idx.msk [tilespmem:v46+s11+$0x0], $0xffff  }
0x214: {  	v54 =	vadd.f32 v40, v36;
	v56 =	vmul.f32 $3.000000000e+00, v45;
	v37 =	vmul.f32 $4.000000000e+00, v37;
	v55 =	vpop (erf)  }
0x215: {  	v30 =	vsub.f32 v30, v38;
	v27 =	vmul.f32 v27, v50;
	v38 =	vadd.f32 v39, v39  }
0x216: {  	v39 =	vmul.f32 v55, v43;
	v43 =	vor.u32 $0x20, v34;
	v50 =	vsub.f32 v37, v56  }
0x217: {  	vm0 =	vlt.f32 v41, v29;
	v30 =	vmul.f32 v27, v30;
	v37 =	vsub.f32 v38, v37  }
0x218: {  	v38 =	vsub.f32 $2.000000000e+00, v39;
	v39 =	vsel vm0, v43, v34;
	v34 =	vsub.f32 v50, v35;
	v27 =	vld.idx.msk [tilespmem:v33+s11+$0x0], $0xffff  }
0x219: {  	v41 =	vadd.s32 $0x10, v25;
	vm0 =	vlt.f32 v46, v31;
	v35 =	vld.idx.msk [tilespmem:v32+s11+$0x0], $0xffff;
	v37 =	vmul.f32 v30, v37  }
0x21a: {  	v46 =	vadd.f32 v54, v54;
	v41 =	vsel vm0, v41, v25;
	v43 =	vld.idx.msk [tilespmem:v49+s12+$0x0], $0xffff;
	v49 =	vadd.s32 v3, v39  }
0x21b: {  	v38 =	vmul.f32 v38, v55;
	v50 =	vadd.s32 v4, v41;
	v25 =	vld.idx.msk [tilespmem:v51+s11+$0x0], $0xffff;
	v37 =	vadd.f32 v37, v34  }
0x21c: {  	v51 =	vsub.f32 v24, v53;
	v53 =	vadd.s32 v6, v41;
	v44 =	vld.idx.msk [tilespmem:v44+s11+$0x0], $0xffff  }
0x21d: {  	v38 =	vmul.f32 v38, v42;
	v24 =	vsub.f32 v46, v24;
	v34 =	vld.idx.msk [tilespmem:v48+s12+$0x0], $0xffff;
	v42 =	vmul.f32 v37, v30  }
0x21e: {  	v37 =	vld.idx.msk [tilespmem:v52+s12+$0x0], $0xffff  }
0x21f: {  	v40 =	vsub.f32 v51, v40;
	v24 =	vmul.f32 v38, v24;
	v46 =	vld.idx.msk [tilespmem:v49+s11+$0x0], $0xffff;
	v42 =	vadd.f32 v42, v45  }
0x220: {  	[tilespmem:s19+$0x10] =	vst v30;
	v30 =	vld.idx.msk [tilespmem:v50+s11+$0x0], $0xffff  }
0x221: {  	v35 =	vsub.f32 v35, v27;
	v24 =	vadd.f32 v24, v40;
	[tilespmem:s20+$0x10] =	vst v42;
	v40 =	vld.idx.msk [tilespmem:v53+s11+$0x0], $0xffff  }
0x222: {  	v42 =	vsub.f32 v44, v25;
	v44 =	vld [tilespmem:s30+$0x20]  }
0x223: {  	v24 =	vmul.f32 v24, v38;
	(erf) = vrcp.f32 v35  }
0x224: {  	v45 =	vadd.s32 v4, v47;
	v47 =	vsub.f32 v28, v25;
	(erf) = vrcp.f32 v42  }
0x225: {  	v25 =	vadd.s32 $0x10, v39;
	v24 =	vadd.f32 v24, v36;
	vm0 =	vlt.f32 v46, v29  }
0x226: {  	v28 =	vmul.f32 $4.000000000e+00, v43;
	v43 =	vmul.f32 $3.000000000e+00, v34;
	[tilespmem:s29+$0xFFFFFFE0] =	vst v38;
	v38 =	vsel vm0, v25, v39  }
0x227: {  	v40 =	vsub.f32 v40, v30;
	[tilespmem:s28+$0xFFFFFFE0] =	vst v24;
	v39 =	vadd.s32 v0, v38;
	v24 =	vmax.f32 v44, $9.999999970e-07  }
0x228: {  	v36 =	vadd.f32 v37, v34;
	v46 =	vadd.s32 v3, v38;
	v44 =	vld [tilespmem:s24+$0xFFFFFFF0];
	v25 =	vmin.f32 v24, $9.999989860e-01  }
0x229: {  	v48 =	vadd.s32 v7, v41;
	vm0 =	vlt.f32 v21, v25;
	(erf) = vrcp.f32 v40  }
0x22a: {  	v50 =	vadd.s32 v8, v41;
	v49 =	vadd.f32 v36, v36;
	v24 =	vsel vm0, v23, v19  }
0x22b: {  	v41 =	vadd.s32 v9, v41;
	v51 =	vsel vm0, $0x100, v1;
	vm1 =	vlt.f32 v24, v25  }
0x22c: {  	v24 =	vor.u32 $0x80, v51;
	v36 =	vpop (erf);
	v52 =	vld.idx.msk [tilespmem:v39+s11+$0x0], $0xffff;
	v53 =	vsel vm1, v22, v20;
	v54 =	vsel vm1, v18, v17  }
0x22d: {  	v51 =	vsel vm1, v24, v51;
	v55 =	vpop (erf);
	v44 =	vmax.f32 v44, $9.999999970e-07;
	v56 =	vld.idx.msk [tilespmem:v46+s11+$0x0], $0xffff;
	v53 =	vsel vm0, v53, v54  }
0x22e: {  	v24 =	vmin.f32 v44, $9.999989860e-01;
	vm0 =	vlt.f32 v53, v25;
	v44 =	vor.u32 $0x40, v51;
	v48 =	vld.idx.msk [tilespmem:v48+s12+$0x0], $0xffff  }
0x22f: {  	v42 =	vmul.f32 v55, v42;
	vm1 =	vlt.f32 v11, v24;
	v44 =	vsel vm0, v44, v51;
	v50 =	vld.idx.msk [tilespmem:v50+s12+$0x0], $0xffff  }
0x230: {  	v57 =	vsel vm1, $0x100, v1;
	v53 =	vsel vm1, v14, v12;
	v54 =	vor.u32 v2, v44;
	v41 =	vld.idx.msk [tilespmem:v41+s12+$0x0], $0xffff  }
0x231: {  	v43 =	vsub.f32 v28, v43;
	vm0 =	vlt.f32 v53, v24;
	v53 =	vor.u32 $0x80, v57  }
0x232: {  	v49 =	vsub.f32 v49, v28;
	v42 =	vsub.f32 $2.000000000e+00, v42;
	v28 =	vsel vm0, v53, v57;
	v51 =	vpop (erf)  }
0x233: {  	v53 =	vsel vm0, v16, v15;
	v57 =	vsel vm0, v13, v10;
	v40 =	vmul.f32 v51, v40  }
0x234: {  	v56 =	vsub.f32 v56, v52;
	v53 =	vsel vm1, v53, v57;
	v57 =	vor.u32 $0x40, v28  }
0x235: {  	vm0 =	vlt.f32 v53, v24;
	v53 =	vld.idx.msk [tilespmem:v54+s11+$0x0], $0xffff;
	v40 =	vsub.f32 $2.000000000e+00, v40;
	v54 =	vadd.f32 v50, v48  }
0x236: {  	v30 =	vsub.f32 v31, v30;
	v31 =	vmul.f32 $4.000000000e+00, v41;
	(erf) = vrcp.f32 v56  }
0x237: {  	v41 =	vmul.f32 $3.000000000e+00, v48;
	v40 =	vmul.f32 v40, v51;
	v51 =	vadd.f32 v54, v54  }
0x238: {  	v38 =	vadd.s32 v4, v38;
	v42 =	vmul.f32 v42, v55;
	v54 =	vsel vm0, v57, v28;
	v45 =	vld.idx.msk [tilespmem:v45+s12+$0x0], $0xffff  }
0x239: {  	v28 =	vld.idx.msk [tilespmem:v33+s12+$0x0], $0xffff;
	v33 =	vmul.f32 v40, v30;
	v40 =	vsub.f32 v31, v41;
	v41 =	vsub.f32 v51, v31  }
0x23a: {  	v42 =	vmul.f32 v42, v47;
	v47 =	vor.u32 v5, v54;
	v30 =	vld.idx.msk [tilespmem:v32+s12+$0x0], $0xffff;
	v32 =	vor.u32 $0x20, v44  }
0x23b: {  	vm0 =	vlt.f32 v53, v25;
	v31 =	vld.idx.msk [tilespmem:v39+s12+$0x0], $0xffff;
	v39 =	vsub.f32 v40, v50;
	v40 =	vmul.f32 v33, v41  }
0x23c: {  	v37 =	vsub.f32 v43, v37;
	v43 =	vsel vm0, v32, v44;
	v41 =	vld.idx.msk [tilespmem:v46+s12+$0x0], $0xffff  }
0x23d: {  	v49 =	vmul.f32 v42, v49;
	v46 =	vadd.s32 v3, v43;
	v38 =	vld.idx.msk [tilespmem:v38+s12+$0x0], $0xffff;
	v39 =	vadd.f32 v40, v39;
	_ =	sdelay $0x1  }
0x23e: {  	v37 =	vadd.f32 v49, v37;
	v32 =	vmul.f32 $4.000000000e+00, v45;
	v40 =	vld.idx.msk [tilespmem:v47+s11+$0x0], $0xffff;
	v44 =	vpop (erf);
	v39 =	vmul.f32 v39, v33  }
0x23f: {  	v27 =	vsub.f32 v26, v27;
	v45 =	vmul.f32 $3.000000000e+00, v28;
	v26 =	vmul.f32 v44, v56  }
0x240: {  	v37 =	vmul.f32 v37, v42;
	v47 =	vadd.f32 v30, v28;
	v39 =	vadd.f32 v39, v48  }
0x241: {  	v48 =	vmul.f32 v36, v35;
	v35 =	vadd.f32 v41, v31;
	v26 =	vsub.f32 $2.000000000e+00, v26;
	v46 =	vld.idx.msk [tilespmem:v46+s11+$0x0], $0xffff;
	[tilespmem:s17+$0x30] =	vst v33;
	s17 =	smov.u32 s19;
	s19 =	smov.u32 s21;
	s21 =	smov.u32 s29  }
0x242: {  	v33 =	vadd.f32 v37, v34;
	v34 =	vmul.f32 $4.000000000e+00, v38;
	v37 =	vmul.f32 $3.000000000e+00, v31;
	s29 =	smov.u32 s31;
	[tilespmem:s18+$0x30] =	vst v39;
	s18 =	smov.u32 s20;
	s20 =	smov.u32 s22  }
0x243: {  	s2 =	sadd.s32 $0x4, s2;
	v29 =	vsub.f32 v29, v52;
	v39 =	vadd.f32 v35, v35;
	s22 =	smov.u32 s28;
	s28 =	smov.u32 s0;
	v38 =	vmul.f32 v26, v44  }
0x244: {  	p0 =	slt.u32 s2, $0x1FC;
	v26 =	vor.u32 $0x20, v54;
	vm0 =	vlt.f32 v40, v24;
	v40 =	vsub.f32 v34, v37  }
.Ltmp0:
0x245: {  	v26 =	vsel vm0, v26, v54;
	[tilespmem:s31+$0xFFFFFFD0] =	vst v42;
	v35 =	vmul.f32 v38, v29;
	v29 =	vsub.f32 v39, v34;
	(pc) =	sbr.rel @p0 .LBB2_2-.Ltmp0, $4  }
0x246: {  	v34 =	vsub.f32 $2.000000000e+00, v48;
	v37 =	vadd.s32 v6, v26;
	v40 =	vsub.f32 v40, v41;
	[tilespmem:s0+$0xFFFFFFD0] =	vst v33  }
0x247: {  	v33 =	vadd.s32 $0x10, v43;
	vm0 =	vlt.f32 v46, v25;
	v38 =	vld [tilespmem:s23+$0xFFFFFFE0];
	v29 =	vmul.f32 v35, v29  }
0x248: {  	v39 =	vmul.f32 v34, v36;
	v36 =	vadd.f32 v47, v47;
	v33 =	vsel vm0, v33, v43  }
0x249: {  	s1 =	sadd.s32 $0x80, s1;
	v34 =	vsub.f32 v32, v45;
	v40 =	vadd.f32 v29, v40;
	v29 =	vadd.s32 v0, v33  }
0x24a: {  	_ =	sdelay $0x3  }
0x24b: {  	v37 =	vld.idx.msk [tilespmem:v37+s11+$0x0], $0xffff  }
0x24c: {  	v40 =	vmul.f32 v40, v35;
	_ =	sdelay $0x1  }
0x24d: {  	v41 =	vadd.s32 v3, v33;
	v31 =	vadd.f32 v40, v31  }
0x24e: {  	[tilespmem:s19+$0x0] =	vst v35  }
0x24f: {  	v47 =	vadd.s32 $0x10, v26;
	[tilespmem:s20+$0x0] =	vst v31;
	vm0 =	vlt.f32 v37, v24  }
0x250: {  	v48 =	vmax.f32 v38, $9.999999970e-07;
	v49 =	vld [tilespmem:s25+$0x10];
	v31 =	vsel vm0, v47, v26  }
0x251: {  	v35 =	vld.idx.msk [tilespmem:v29+s11+$0x0], $0xffff;
	v26 =	vmin.f32 v48, $9.999989860e-01;
	v51 =	vadd.s32 v4, v31  }
0x252: {  	v50 =	vld.idx.msk [tilespmem:v41+s11+$0x0], $0xffff;
	vm10 =	vlt.f32 v21, v26;
	v42 =	vadd.s32 v6, v31  }
0x253: {  	v52 =	vsel vm10, v23, v19  }
0x254: {  	v39 =	vmul.f32 v39, v27;
	vm1 =	vlt.f32 v52, v26  }
0x255: {  	v27 =	vsel vm1, v22, v20;
	v44 =	vsel vm1, v18, v17;
	v38 =	vmax.f32 v49, $9.999999970e-07  }
0x256: {  	v44 =	vsel vm10, v27, v44;
	v27 =	vmin.f32 v38, $9.999989860e-01;
	v38 =	vld.idx.msk [tilespmem:v51+s11+$0x0], $0xffff  }
0x257: {  	v37 =	vsub.f32 v50, v35;
	v54 =	vld.idx.msk [tilespmem:v42+s11+$0x0], $0xffff  }
0x258: {  	v43 =	vsel vm10, $0x100, v1  }
0x259: {  	v32 =	vsub.f32 v36, v32;
	v53 =	vor.u32 $0x80, v43;
	(erf) = vrcp.f32 v37  }
0x25a: {  	v60 =	vadd.s32 v4, v33;
	v30 =	vsub.f32 v34, v30;
	v36 =	vsel vm1, v53, v43  }
0x25b: {  	v32 =	vmul.f32 v39, v32;
	v50 =	vadd.s32 v8, v31;
	v55 =	vor.u32 $0x40, v36  }
0x25c: {  	vm0 =	vlt.f32 v44, v26;
	vm11 =	vlt.f32 v11, v27;
	v40 =	vsub.f32 v54, v38  }
0x25d: {  	v29 =	vld.idx.msk [tilespmem:v29+s12+$0x0], $0xffff;
	v36 =	vsel vm0, v55, v36;
	v56 =	vsel vm11, v14, v12;
	v57 =	vsel vm11, $0x100, v1  }
0x25e: {  	v41 =	vld.idx.msk [tilespmem:v41+s12+$0x0], $0xffff;
	v63 =	vor.u32 v2, v36;
	vm12 =	vlt.f32 v56, v27;
	(erf) = vrcp.f32 v40  }
0x25f: {  	v58 =	vor.u32 $0x80, v57;
	v59 =	vsel vm12, v16, v15;
	v45 =	vsel vm12, v13, v10  }
0x260: {  	v48 =	vadd.s32 v7, v31;
	v49 =	vld.idx.msk [tilespmem:v60+s12+$0x0], $0xffff;
	v42 =	vsel vm12, v58, v57;
	v61 =	vsel vm11, v59, v45  }
0x261: {  	v31 =	vadd.s32 v9, v31;
	v62 =	vor.u32 $0x40, v42;
	vm13 =	vlt.f32 v61, v27  }
0x262: {  	v30 =	vadd.f32 v32, v30;
	v42 =	vsel vm13, v62, v42;
	v51 =	vpop (erf)  }
0x263: {  	v53 =	vadd.f32 v41, v29;
	v34 =	vld.idx.msk [tilespmem:v63+s11+$0x0], $0xffff;
	v43 =	vor.u32 v5, v42;
	v37 =	vmul.f32 v51, v37  }
0x264: {  	v30 =	vmul.f32 v30, v39;
	v46 =	vmul.f32 $3.000000000e+00, v29;
	v33 =	vld.idx.msk [tilespmem:v50+s12+$0x0], $0xffff  }
0x265: {  	v32 =	vmul.f32 $4.000000000e+00, v49;
	v54 =	vadd.f32 v53, v53;
	v52 =	vsub.f32 $2.000000000e+00, v37;
	v37 =	vld.idx.msk [tilespmem:v48+s12+$0x0], $0xffff  }
0x266: {  	v25 =	vsub.f32 v25, v35;
	v28 =	vadd.f32 v30, v28;
	v31 =	vld.idx.msk [tilespmem:v31+s12+$0x0], $0xffff  }
0x267: {  	v47 =	vor.u32 $0x20, v36;
	v55 =	vsub.f32 v32, v46;
	v58 =	vsub.f32 v54, v32;
	v56 =	vpop (erf)  }
0x268: {  	vm14 =	vlt.f32 v34, v26;
	v43 =	vld.idx.msk [tilespmem:v43+s11+$0x0], $0xffff;
	v30 =	vmul.f32 v52, v51;
	v57 =	vmul.f32 v56, v40  }
0x269: {  	v63 =	vsub.f32 v24, v38;
	v60 =	vsub.f32 v55, v41;
	v36 =	vsel vm14, v47, v36  }
0x26a: {  	s31 =	sadd.s32 $0x80, s31;
	v25 =	vmul.f32 v30, v25;
	v62 =	vadd.f32 v33, v37;
	v30 =	vsub.f32 $2.000000000e+00, v57  }
0x26b: {  	s0 =	sadd.s32 $0x80, s0;
	[tilespmem:s31+$0xFFFFFFC0] =	vst v39;
	v31 =	vmul.f32 $4.000000000e+00, v31;
	v46 =	vadd.s32 v3, v36;
	v45 =	vmul.f32 $3.000000000e+00, v37  }
0x26c: {  	[tilespmem:s0+$0xFFFFFFC0] =	vst v28;
	v28 =	vmul.f32 v25, v58;
	v39 =	vadd.f32 v62, v62;
	v30 =	vmul.f32 v30, v56  }
0x26d: {  	v61 =	vld [tilespmem:s26+$0xFFFFFFD0];
	v59 =	vor.u32 $0x20, v42;
	vm15 =	vlt.f32 v43, v27;
	v47 =	vsub.f32 v31, v45  }
0x26e: {  	v28 =	vadd.f32 v28, v60;
	v31 =	vsub.f32 v39, v31;
	v24 =	vmul.f32 v30, v63  }
0x26f: {  	v32 =	vsel vm15, v59, v42  }
0x270: {  	v50 =	vmul.f32 v28, v25;
	v30 =	vsub.f32 v47, v33;
	v31 =	vmul.f32 v24, v31  }
0x271: {  	v52 =	vld.idx.msk [tilespmem:v46+s11+$0x0], $0xffff;
	v49 =	vadd.s32 v6, v32  }
0x272: {  	v48 =	vmax.f32 v61, $9.999999970e-07;
	v29 =	vadd.f32 v50, v29;
	v30 =	vadd.f32 v31, v30  }
0x273: {  	[tilespmem:s17+$0x20] =	vst v25;
	v28 =	vmin.f32 v48, $9.999989860e-01  }
0x274: {  	vm4 =	vlt.f32 v11, v28;
	[tilespmem:s18+$0x20] =	vst v29;
	v55 =	vmul.f32 v30, v24  }
0x275: {  	v62 =	vadd.s32 $0x10, v36;
	v44 =	vadd.s32 $0x10, v32;
	v51 =	vsel vm4, v14, v12;
	v59 =	vld [tilespmem:s30+$0x30]  }
0x276: {  	v53 =	vsel vm4, $0x100, v1;
	vm6 =	vlt.f32 v52, v26;
	v54 =	vld.idx.msk [tilespmem:v49+s11+$0x0], $0xffff;
	v29 =	vadd.f32 v55, v37  }
0x277: {  	vm5 =	vlt.f32 v51, v28;
	v56 =	vor.u32 $0x80, v53;
	[tilespmem:s21+$0xFFFFFFF0] =	vst v24;
	v46 =	vsel vm6, v62, v36  }
0x278: {  	v57 =	vsel vm5, v16, v15;
	v58 =	vsel vm5, v13, v10;
	v25 =	vsel vm5, v56, v53;
	[tilespmem:s22+$0xFFFFFFF0] =	vst v29  }
0x279: {  	v36 =	vadd.s32 v3, v46;
	v60 =	vsel vm4, v57, v58;
	v61 =	vor.u32 $0x40, v25;
	v29 =	vld [tilespmem:s24+$0x0]  }
0x27a: {  	v31 =	vadd.s32 v0, v46;
	vm0 =	vlt.f32 v60, v28;
	v45 =	vmax.f32 v59, $9.999999970e-07  }
0x27b: {  	v25 =	vsel vm0, v61, v25;
	vm7 =	vlt.f32 v54, v27;
	v24 =	vmin.f32 v45, $9.999989860e-01  }
0x27c: {  	v63 =	vor.u32 v5, v25;
	v32 =	vsel vm7, v44, v32;
	vm8 =	vlt.f32 v11, v24  }
0x27d: {  	v33 =	vadd.s32 v4, v32;
	v47 =	vadd.s32 v6, v32;
	v48 =	vsel vm8, v14, v12  }
0x27e: {  	v49 =	vsel vm8, $0x100, v1;
	vm9 =	vlt.f32 v48, v24;
	v29 =	vmax.f32 v29, $9.999999970e-07  }
0x27f: {  	v51 =	vor.u32 $0x80, v49;
	v37 =	vsel vm9, v16, v15;
	v29 =	vmin.f32 v29, $9.999989860e-01  }
0x280: {  	v50 =	vsel vm9, v13, v10;
	v38 =	vsel vm9, v51, v49;
	vm10 =	vlt.f32 v21, v29  }
0x281: {  	v30 =	vld.idx.msk [tilespmem:v63+s11+$0x0], $0xffff;
	v37 =	vsel vm8, v37, v50;
	v53 =	vor.u32 $0x40, v38;
	v52 =	vsel vm10, v23, v19  }
0x282: {  	v63 =	vld.idx.msk [tilespmem:v31+s11+$0x0], $0xffff;
	vm11 =	vlt.f32 v37, v24;
	v54 =	vsel vm10, $0x100, v1;
	vm2 =	vlt.f32 v52, v29  }
0x283: {  	v33 =	vld.idx.msk [tilespmem:v33+s11+$0x0], $0xffff;
	v55 =	vor.u32 $0x80, v54;
	v56 =	vsel vm2, v22, v20;
	v57 =	vsel vm2, v18, v17  }
0x284: {  	v35 =	vld.idx.msk [tilespmem:v47+s11+$0x0], $0xffff;
	v38 =	vsel vm11, v53, v38;
	v37 =	vsel vm2, v55, v54;
	v58 =	vsel vm10, v56, v57  }
0x285: {  	v48 =	vld.idx.msk [tilespmem:v36+s11+$0x0], $0xffff;
	v59 =	vor.u32 v5, v38;
	v60 =	vor.u32 $0x40, v37;
	vm0 =	vlt.f32 v58, v29  }
0x286: {  	v37 =	vsel vm0, v60, v37  }
0x287: {  	v62 =	vor.u32 v2, v37  }
0x288: {  	v34 =	vadd.s32 v4, v46  }
0x289: {  	v61 =	vor.u32 $0x20, v25;
	v51 =	vadd.s32 v8, v32;
	v35 =	vsub.f32 v35, v33  }
0x28a: {  	v50 =	vadd.s32 v7, v32;
	vm12 =	vlt.f32 v30, v28;
	v39 =	vsub.f32 v48, v63;
	v40 =	vld.idx.msk [tilespmem:v59+s11+$0x0], $0xffff  }
0x28b: {  	v32 =	vadd.s32 v9, v32;
	v25 =	vsel vm12, v61, v25;
	(erf) = vrcp.f32 v35  }
0x28c: {  	v49 =	vadd.s32 v6, v25;
	(erf) = vrcp.f32 v39;
	v30 =	vld.idx.msk [tilespmem:v62+s11+$0x0], $0xffff  }
0x28d: {  	v34 =	vld.idx.msk [tilespmem:v34+s12+$0x0], $0xffff  }
0x28e: {  	v31 =	vld.idx.msk [tilespmem:v31+s12+$0x0], $0xffff  }
0x28f: {  	v36 =	vld.idx.msk [tilespmem:v36+s12+$0x0], $0xffff;
	v52 =	vor.u32 $0x20, v38;
	vm13 =	vlt.f32 v40, v24  }
0x290: {  	v32 =	vld.idx.msk [tilespmem:v32+s12+$0x0], $0xffff;
	v38 =	vsel vm13, v52, v38  }
0x291: {  	v42 =	vld.idx.msk [tilespmem:v49+s11+$0x0], $0xffff;
	v54 =	vor.u32 $0x20, v37;
	v53 =	vadd.s32 v6, v38;
	vm14 =	vlt.f32 v30, v29  }
0x292: {  	v40 =	vld.idx.msk [tilespmem:v50+s12+$0x0], $0xffff;
	v37 =	vsel vm14, v54, v37  }
0x293: {  	v34 =	vmul.f32 $4.000000000e+00, v34;
	v30 =	vld.idx.msk [tilespmem:v51+s12+$0x0], $0xffff;
	v55 =	vadd.s32 v3, v37  }
0x294: {  	v26 =	vsub.f32 v26, v63;
	v61 =	vmul.f32 $3.000000000e+00, v31;
	v48 =	vadd.f32 v36, v31;
	v57 =	vpop (erf)  }
0x295: {  	v27 =	vsub.f32 v27, v33;
	v56 =	vadd.s32 $0x10, v25;
	v58 =	vmul.f32 v57, v35;
	v49 =	vpop (erf)  }
0x296: {  	v32 =	vmul.f32 $4.000000000e+00, v32;
	vm15 =	vlt.f32 v42, v28;
	v39 =	vmul.f32 v49, v39;
	v43 =	vld.idx.msk [tilespmem:v53+s11+$0x0], $0xffff  }
0x297: {  	v45 =	vsel vm15, v56, v25;
	v25 =	vsub.f32 $2.000000000e+00, v58;
	v50 =	vmul.f32 $3.000000000e+00, v40  }
0x298: {  	v59 =	vadd.s32 v4, v45;
	v39 =	vsub.f32 $2.000000000e+00, v39;
	v62 =	vadd.f32 v30, v40;
	v44 =	vld.idx.msk [tilespmem:v55+s11+$0x0], $0xffff  }
0x299: {  	v60 =	vadd.s32 v6, v45;
	v25 =	vmul.f32 v25, v57;
	v50 =	vsub.f32 v32, v50  }
0x29a: {  	v51 =	vadd.s32 $0x10, v38;
	v39 =	vmul.f32 v39, v49;
	v63 =	vadd.f32 v62, v62  }
0x29b: {  	v27 =	vmul.f32 v25, v27;
	v53 =	vadd.s32 $0x10, v37;
	vm4 =	vlt.f32 v43, v24  }
0x29c: {  	v30 =	vsub.f32 v50, v30;
	v25 =	vsel vm4, v51, v38;
	v32 =	vsub.f32 v63, v32  }
0x29d: {  	v52 =	vadd.s32 v4, v25;
	v54 =	vadd.s32 v6, v25;
	vm5 =	vlt.f32 v44, v29  }
0x29e: {  	v55 =	vadd.f32 v48, v48;
	v32 =	vmul.f32 v27, v32;
	v37 =	vsel vm5, v53, v37  }
0x29f: {  	v41 =	vsub.f32 v34, v61;
	v39 =	vmul.f32 v39, v26;
	v38 =	vadd.s32 v0, v37  }
0x2a0: {  	v35 =	vld.idx.msk [tilespmem:v59+s11+$0x0], $0xffff;
	v34 =	vsub.f32 v55, v34;
	v30 =	vadd.f32 v32, v30;
	v56 =	vadd.s32 v3, v37  }
0x2a1: {  	v57 =	vld.idx.msk [tilespmem:v60+s11+$0x0], $0xffff;
	v60 =	vadd.s32 v9, v45  }
0x2a2: {  	v36 =	vsub.f32 v41, v36;
	v34 =	vmul.f32 v39, v34;
	v26 =	vld.idx.msk [tilespmem:v52+s11+$0x0], $0xffff;
	v30 =	vmul.f32 v30, v27  }
0x2a3: {  	v62 =	vadd.s32 v7, v45;
	v58 =	vld.idx.msk [tilespmem:v54+s11+$0x0], $0xffff  }
0x2a4: {  	v61 =	vadd.f32 v34, v36;
	v30 =	vadd.f32 v30, v40;
	v41 =	vld.idx.msk [tilespmem:v38+s11+$0x0], $0xffff  }
0x2a5: {  	[tilespmem:s19+$0x10] =	vst v27;
	v37 =	vadd.s32 v4, v37;
	v59 =	vld.idx.msk [tilespmem:v56+s11+$0x0], $0xffff  }
0x2a6: {  	v47 =	vld.idx.msk [tilespmem:v60+s12+$0x0], $0xffff;
	v32 =	vsub.f32 v57, v35;
	v36 =	vmul.f32 v61, v39;
	[tilespmem:s20+$0x10] =	vst v30  }
0x2a7: {  	v30 =	vld [tilespmem:s25+$0x20]  }
0x2a8: {  	v34 =	vld.idx.msk [tilespmem:v62+s12+$0x0], $0xffff;
	(erf) = vrcp.f32 v32;
	v31 =	vadd.f32 v36, v31  }
0x2a9: {  	[tilespmem:s29+$0xFFFFFFE0] =	vst v39;
	v27 =	vsub.f32 v58, v26  }
0x2aa: {  	[tilespmem:s28+$0xFFFFFFE0] =	vst v31;
	v37 =	vld.idx.msk [tilespmem:v37+s12+$0x0], $0xffff;
	v63 =	vsub.f32 v59, v41  }
0x2ab: {  	(erf) = vrcp.f32 v27;
	v39 =	vld [tilespmem:s23+$0xFFFFFFF0]  }
0x2ac: {  	v30 =	vmax.f32 v30, $9.999999970e-07;
	(erf) = vrcp.f32 v63  }
0x2ad: {  	v36 =	vmul.f32 $4.000000000e+00, v47;
	v42 =	vmul.f32 $3.000000000e+00, v34;
	v31 =	vmin.f32 v30, $9.999989860e-01  }
0x2ae: {  	v48 =	vadd.s32 v8, v45;
	v35 =	vsub.f32 v28, v35;
	vm6 =	vlt.f32 v21, v31  }
0x2af: {  	v42 =	vsub.f32 v36, v42;
	v37 =	vmul.f32 $4.000000000e+00, v37;
	v49 =	vsel vm6, v23, v19  }
0x2b0: {  	v39 =	vmax.f32 v39, $9.999999970e-07;
	v50 =	vsel vm6, $0x100, v1;
	vm7 =	vlt.f32 v49, v31  }
0x2b1: {  	v46 =	vpop (erf);
	v51 =	vor.u32 $0x80, v50;
	v52 =	vsel vm7, v22, v20;
	v53 =	vsel vm7, v18, v17  }
0x2b2: {  	v38 =	vld.idx.msk [tilespmem:v38+s12+$0x0], $0xffff;
	v32 =	vmul.f32 v46, v32;
	v54 =	vsel vm7, v51, v50;
	v55 =	vsel vm6, v52, v53  }
0x2b3: {  	v30 =	vmin.f32 v39, $9.999989860e-01;
	v39 =	vld.idx.msk [tilespmem:v56+s12+$0x0], $0xffff;
	v56 =	vor.u32 $0x40, v54;
	vm0 =	vlt.f32 v55, v31  }
0x2b4: {  	vm8 =	vlt.f32 v11, v30;
	v32 =	vsub.f32 $2.000000000e+00, v32;
	v28 =	vpop (erf);
	v43 =	vsel vm0, v56, v54  }
0x2b5: {  	v40 =	vld.idx.msk [tilespmem:v48+s12+$0x0], $0xffff;
	v57 =	vsel vm8, $0x100, v1;
	v58 =	vsel vm8, v14, v12;
	v61 =	vor.u32 v2, v43;
	v59 =	vpop (erf)  }
0x2b6: {  	vm9 =	vlt.f32 v58, v30;
	v60 =	vor.u32 $0x80, v57;
	v33 =	vmul.f32 v59, v63  }
0x2b7: {  	v29 =	vsub.f32 v29, v41;
	v32 =	vmul.f32 v32, v46;
	v44 =	vsel vm9, v60, v57  }
0x2b8: {  	v62 =	vsel vm9, v16, v15;
	v63 =	vadd.f32 v39, v38;
	v33 =	vsub.f32 $2.000000000e+00, v33  }
0x2b9: {  	v51 =	vmul.f32 $3.000000000e+00, v38;
	v60 =	vor.u32 $0x40, v44;
	v54 =	vsel vm9, v13, v10  }
0x2ba: {  	v56 =	vadd.f32 v40, v34;
	v55 =	vadd.f32 v63, v63;
	v48 =	vld.idx.msk [tilespmem:v61+s11+$0x0], $0xffff;
	v33 =	vmul.f32 v33, v59  }
0x2bb: {  	v32 =	vmul.f32 v32, v35;
	v57 =	vsub.f32 v37, v51;
	v45 =	vsel vm8, v62, v54  }
0x2bc: {  	v58 =	vsub.f32 v55, v37;
	v59 =	vadd.f32 v56, v56;
	v29 =	vmul.f32 v33, v29  }
0x2bd: {  	v40 =	vsub.f32 v42, v40;
	vm10 =	vlt.f32 v45, v30;
	v39 =	vsub.f32 v57, v39  }
0x2be: {  	v61 =	vsel vm10, v60, v44;
	v36 =	vsub.f32 v59, v36;
	v33 =	vmul.f32 v29, v58  }
0x2bf: {  	v63 =	vor.u32 $0x20, v43;
	v62 =	vor.u32 v5, v61;
	vm11 =	vlt.f32 v48, v31  }
0x2c0: {  	v36 =	vmul.f32 v32, v36;
	v33 =	vadd.f32 v33, v39;
	v39 =	vsel vm11, v63, v43  }
0x2c1: {  	v44 =	vadd.s32 v3, v39  }
0x2c2: {  	v36 =	vadd.f32 v36, v40;
	v33 =	vmul.f32 v33, v29;
	_ =	sdelay $0x1  }
0x2c3: {  	v46 =	vmul.f32 v36, v32;
	v33 =	vadd.f32 v33, v38  }
0x2c4: {  	[tilespmem:s21+$0x0] =	vst v29;
	v45 =	vld.idx.msk [tilespmem:v62+s11+$0x0], $0xffff  }
0x2c5: {  	v34 =	vadd.f32 v46, v34;
	[tilespmem:s22+$0x0] =	vst v33;
	v47 =	vld.idx.msk [tilespmem:v44+s11+$0x0], $0xffff  }
0x2c6: {  	[tilespmem:s31+$0xFFFFFFD0] =	vst v32;
	v33 =	vld [tilespmem:s24+$0x10]  }
0x2c7: {  	[tilespmem:s0+$0xFFFFFFD0] =	vst v34  }
0x2c8: {  	v49 =	vld [tilespmem:s26+$0xFFFFFFE0];
	_ =	sdelay $0x1  }
0x2c9: {  	v48 =	vor.u32 $0x20, v61;
	v51 =	vadd.s32 $0x10, v39;
	vm12 =	vlt.f32 v45, v30  }
0x2ca: {  	v34 =	vsel vm12, v48, v61;
	vm13 =	vlt.f32 v47, v31;
	v50 =	vmax.f32 v33, $9.999999970e-07  }
0x2cb: {  	v52 =	vadd.s32 v6, v34;
	v35 =	vsel vm13, v51, v39;
	v33 =	vmin.f32 v50, $9.999989860e-01  }
0x2cc: {  	v29 =	vmax.f32 v49, $9.999999970e-07;
	v37 =	vadd.s32 v0, v35;
	vm14 =	vlt.f32 v11, v33  }
0x2cd: {  	v38 =	vadd.s32 v3, v35;
	v32 =	vmin.f32 v29, $9.999989860e-01;
	v53 =	vsel vm14, v14, v12  }
0x2ce: {  	vm4 =	vlt.f32 v21, v32;
	v54 =	vsel vm14, $0x100, v1;
	vm15 =	vlt.f32 v53, v33  }
0x2cf: {  	v55 =	vor.u32 $0x80, v54;
	v56 =	vsel vm15, v16, v15;
	v57 =	vsel vm15, v13, v10  }
0x2d0: {  	v61 =	vsel vm4, v23, v19;
	v58 =	vsel vm15, v55, v54;
	v59 =	vsel vm14, v56, v57  }
0x2d1: {  	v62 =	vsel vm4, $0x100, v1;
	v60 =	vor.u32 $0x40, v58;
	vm5 =	vlt.f32 v59, v33  }
0x2d2: {  	v36 =	vld.idx.msk [tilespmem:v52+s11+$0x0], $0xffff;
	vm6 =	vlt.f32 v61, v32;
	v48 =	vor.u32 $0x80, v62;
	v29 =	vsel vm5, v60, v58  }
0x2d3: {  	v49 =	vsel vm6, v22, v20;
	v50 =	vsel vm6, v18, v17;
	v63 =	vor.u32 v5, v29  }
0x2d4: {  	v39 =	vsel vm6, v48, v62;
	v52 =	vsel vm4, v49, v50  }
0x2d5: {  	v53 =	vor.u32 $0x40, v39;
	vm0 =	vlt.f32 v52, v32  }
0x2d6: {  	v41 =	vld.idx.msk [tilespmem:v37+s11+$0x0], $0xffff;
	v39 =	vsel vm0, v53, v39  }
0x2d7: {  	v54 =	vadd.s32 $0x10, v34;
	vm7 =	vlt.f32 v36, v30;
	v51 =	vld.idx.msk [tilespmem:v38+s11+$0x0], $0xffff;
	v55 =	vor.u32 v2, v39  }
0x2d8: {  	v34 =	vsel vm7, v54, v34;
	v40 =	vld.idx.msk [tilespmem:v63+s11+$0x0], $0xffff  }
0x2d9: {  	v57 =	vadd.s32 v6, v34  }
0x2da: {  	v42 =	vadd.s32 v4, v34;
	_ =	sdelay $0x1  }
0x2db: {  	v56 =	vsub.f32 v51, v41;
	v36 =	vld.idx.msk [tilespmem:v55+s11+$0x0], $0xffff  }
0x2dc: {  	v58 =	vor.u32 $0x20, v29;
	vm8 =	vlt.f32 v40, v33  }
0x2dd: {  	v44 =	vld.idx.msk [tilespmem:v57+s11+$0x0], $0xffff;
	(erf) = vrcp.f32 v56;
	v29 =	vsel vm8, v58, v29  }
0x2de: {  	v40 =	vld.idx.msk [tilespmem:v42+s11+$0x0], $0xffff;
	v59 =	vadd.s32 v6, v29;
	_ =	sdelay $0x1  }
0x2df: {  	v35 =	vadd.s32 v4, v35;
	v60 =	vor.u32 $0x20, v39;
	vm9 =	vlt.f32 v36, v32  }
0x2e0: {  	v36 =	vld.idx.msk [tilespmem:v38+s12+$0x0], $0xffff;
	v38 =	vsel vm9, v60, v39  }
0x2e1: {  	v39 =	vadd.s32 v3, v38  }
0x2e2: {  	v44 =	vsub.f32 v44, v40;
	v42 =	vld.idx.msk [tilespmem:v59+s11+$0x0], $0xffff  }
0x2e3: {  	v37 =	vld.idx.msk [tilespmem:v37+s12+$0x0], $0xffff  }
0x2e4: {  	v35 =	vld.idx.msk [tilespmem:v35+s12+$0x0], $0xffff;
	v62 =	vadd.s32 v7, v34;
	(erf) = vrcp.f32 v44  }
0x2e5: {  	v63 =	vadd.s32 v8, v34;
	v61 =	vpop (erf)  }
0x2e6: {  	v31 =	vsub.f32 v31, v41;
	v43 =	vmul.f32 v61, v56;
	v39 =	vld.idx.msk [tilespmem:v39+s11+$0x0], $0xffff  }
0x2e7: {  	v34 =	vadd.s32 v9, v34;
	v53 =	vadd.s32 $0x10, v29;
	vm10 =	vlt.f32 v42, v33  }
0x2e8: {  	v52 =	vadd.f32 v36, v37;
	v43 =	vsub.f32 $2.000000000e+00, v43;
	v29 =	vsel vm10, v53, v29  }
0x2e9: {  	v35 =	vmul.f32 $4.000000000e+00, v35;
	v46 =	vld.idx.msk [tilespmem:v62+s12+$0x0], $0xffff;
	v55 =	vmul.f32 $3.000000000e+00, v37;
	v56 =	vadd.s32 v4, v29  }
0x2ea: {  	v60 =	vld.idx.msk [tilespmem:v63+s12+$0x0], $0xffff;
	v57 =	vadd.f32 v52, v52;
	v54 =	vmul.f32 v43, v61;
	v58 =	vadd.s32 v6, v29  }
0x2eb: {  	v59 =	vsub.f32 v35, v55;
	v61 =	vadd.s32 $0x10, v38;
	vm11 =	vlt.f32 v39, v32  }
0x2ec: {  	v34 =	vld.idx.msk [tilespmem:v34+s12+$0x0], $0xffff;
	v35 =	vsub.f32 v57, v35;
	v31 =	vmul.f32 v54, v31;
	v38 =	vsel vm11, v61, v38  }
0x2ed: {  	v36 =	vsub.f32 v59, v36;
	v41 =	vadd.s32 v0, v38;
	v62 =	vpop (erf)  }
0x2ee: {  	v35 =	vmul.f32 v31, v35;
	v45 =	vadd.s32 v3, v38;
	v44 =	vmul.f32 v62, v44;
	v43 =	vld.idx.msk [tilespmem:v56+s11+$0x0], $0xffff  }
0x2ef: {  	v49 =	vadd.f32 v60, v46;
	v63 =	vld.idx.msk [tilespmem:v58+s11+$0x0], $0xffff  }
0x2f0: {  	v35 =	vadd.f32 v35, v36;
	v48 =	vsub.f32 $2.000000000e+00, v44  }
0x2f1: {  	v50 =	vmul.f32 $3.000000000e+00, v46;
	v34 =	vmul.f32 $4.000000000e+00, v34;
	v51 =	vadd.f32 v49, v49  }
0x2f2: {  	v30 =	vsub.f32 v30, v40;
	v35 =	vmul.f32 v35, v31;
	v44 =	vld.idx.msk [tilespmem:v41+s11+$0x0], $0xffff;
	v36 =	vmul.f32 v48, v62  }
0x2f3: {  	v53 =	vsub.f32 v34, v50;
	v34 =	vsub.f32 v51, v34;
	v52 =	vld.idx.msk [tilespmem:v45+s11+$0x0], $0xffff  }
0x2f4: {  	v35 =	vadd.f32 v35, v37;
	v30 =	vmul.f32 v36, v30;
	v47 =	vsub.f32 v63, v43  }
0x2f5: {  	[tilespmem:s19+$0x20] =	vst v31;
	v55 =	vadd.s32 v8, v29;
	v31 =	vsub.f32 v53, v60  }
0x2f6: {  	v56 =	vadd.s32 v9, v29;
	[tilespmem:s20+$0x20] =	vst v35;
	v34 =	vmul.f32 v30, v34;
	(erf) = vrcp.f32 v47  }
0x2f7: {  	v54 =	vadd.s32 v7, v29;
	v35 =	vld [tilespmem:s25+$0x30]  }
0x2f8: {  	v31 =	vadd.f32 v34, v31;
	v34 =	vsub.f32 v52, v44;
	_ =	sdelay $0x1  }
0x2f9: {  	v36 =	vld.idx.msk [tilespmem:v55+s12+$0x0], $0xffff;
	(erf) = vrcp.f32 v34  }
0x2fa: {  	v58 =	vld.idx.msk [tilespmem:v56+s12+$0x0], $0xffff  }
0x2fb: {  	v60 =	vadd.s32 v4, v38;
	v57 =	vmax.f32 v35, $9.999999970e-07;
	v35 =	vld.idx.msk [tilespmem:v54+s12+$0x0], $0xffff  }
0x2fc: {  	v29 =	vmin.f32 v57, $9.999989860e-01;
	v31 =	vmul.f32 v31, v30  }
0x2fd: {  	v33 =	vsub.f32 v33, v43;
	v32 =	vsub.f32 v32, v44;
	vm12 =	vlt.f32 v11, v29  }
0x2fe: {  	v41 =	vld.idx.msk [tilespmem:v41+s12+$0x0], $0xffff;
	v59 =	vsel vm12, v14, v12;
	v62 =	vsel vm12, $0x100, v1;
	v31 =	vadd.f32 v31, v46;
	v61 =	vpop (erf)  }
0x2ff: {  	v45 =	vld.idx.msk [tilespmem:v45+s12+$0x0], $0xffff;
	[tilespmem:s29+$0xFFFFFFF0] =	vst v30;
	v30 =	vmul.f32 $4.000000000e+00, v58;
	vm13 =	vlt.f32 v59, v29;
	v52 =	vmul.f32 v61, v47  }
0x300: {  	v53 =	vor.u32 $0x80, v62;
	v54 =	vsel vm13, v16, v15;
	v56 =	vadd.f32 v36, v35;
	[tilespmem:s28+$0xFFFFFFF0] =	vst v31;
	v31 =	vld.idx.msk [tilespmem:v60+s12+$0x0], $0xffff  }
0x301: {  	v55 =	vsel vm13, v13, v10;
	v57 =	vmul.f32 $3.000000000e+00, v35;
	v63 =	vld [tilespmem:s23+$0x0];
	v40 =	vsub.f32 $2.000000000e+00, v52  }
0x302: {  	v39 =	vsel vm13, v53, v62;
	v46 =	vsel vm12, v54, v55;
	v59 =	vadd.f32 v56, v56;
	v58 =	vpop (erf)  }
0x303: {  	v60 =	vsub.f32 v30, v57;
	v34 =	vmul.f32 v58, v34;
	v38 =	vmul.f32 v40, v61  }
0x304: {  	v62 =	vadd.f32 v45, v41;
	vm0 =	vlt.f32 v46, v29;
	v30 =	vsub.f32 v59, v30  }
0x305: {  	v36 =	vsub.f32 v60, v36;
	v34 =	vsub.f32 $2.000000000e+00, v34;
	v33 =	vmul.f32 v38, v33  }
0x306: {  	v31 =	vmul.f32 $4.000000000e+00, v31;
	v37 =	vmax.f32 v63, $9.999999970e-07;
	v63 =	vmul.f32 $3.000000000e+00, v41  }
0x307: {  	v40 =	vadd.f32 v62, v62;
	v46 =	vmul.f32 v34, v58;
	v30 =	vmul.f32 v33, v30  }
0x308: {  	v61 =	vor.u32 $0x40, v39;
	v48 =	vsub.f32 v31, v63  }
0x309: {  	v31 =	vsub.f32 v40, v31;
	v32 =	vmul.f32 v46, v32;
	v30 =	vadd.f32 v30, v36  }
0x30a: {  	v47 =	vsel vm0, v61, v39;
	v34 =	vmin.f32 v37, $9.999989860e-01  }
0x30b: {  	v37 =	vsub.f32 v48, v45;
	v31 =	vmul.f32 v32, v31;
	v30 =	vmul.f32 v30, v33  }
0x30c: {  	v38 =	vor.u32 v5, v47  }
0x30d: {  	vm14 =	vlt.f32 v21, v34;
	v31 =	vadd.f32 v31, v37;
	v30 =	vadd.f32 v30, v35  }
0x30e: {  	[tilespmem:s21+$0x10] =	vst v33;
	v49 =	vsel vm14, v23, v19  }
0x30f: {  	v50 =	vsel vm14, $0x100, v1;
	vm15 =	vlt.f32 v49, v34;
	v31 =	vmul.f32 v31, v32;
	[tilespmem:s22+$0x10] =	vst v30  }
0x310: {  	v51 =	vor.u32 $0x80, v50;
	v52 =	vsel vm15, v18, v17;
	v35 =	vsel vm15, v22, v20;
	v53 =	vld [tilespmem:s24+$0x20]  }
0x311: {  	v55 =	vld.idx.msk [tilespmem:v38+s11+$0x0], $0xffff;
	v54 =	vsel vm14, v35, v52;
	v30 =	vsel vm15, v51, v50;
	v31 =	vadd.f32 v31, v41  }
0x312: {  	[tilespmem:s31+$0xFFFFFFE0] =	vst v32;
	vm0 =	vlt.f32 v54, v34;
	v56 =	vor.u32 $0x40, v30  }
0x313: {  	v30 =	vsel vm0, v56, v30;
	[tilespmem:s0+$0xFFFFFFE0] =	vst v31  }
0x314: {  	v33 =	vor.u32 v2, v30;
	v32 =	vld [tilespmem:s26+$0xFFFFFFF0]  }
0x315: {  	v57 =	vmax.f32 v53, $9.999999970e-07  }
0x316: {  	v58 =	vor.u32 $0x20, v47;
	vm4 =	vlt.f32 v55, v29;
	v37 =	vmin.f32 v57, $9.999989860e-01  }
0x317: {  	v31 =	vsel vm4, v58, v47;
	vm5 =	vlt.f32 v21, v37  }
0x318: {  	v44 =	vor.u32 $0x20, v30;
	v36 =	vadd.s32 v6, v31;
	v59 =	vsel vm5, v23, v19  }
0x319: {  	v33 =	vld.idx.msk [tilespmem:v33+s11+$0x0], $0xffff;
	v60 =	vsel vm5, $0x100, v1;
	v32 =	vmax.f32 v32, $9.999999970e-07;
	vm6 =	vlt.f32 v59, v37  }
0x31a: {  	v61 =	vor.u32 $0x80, v60;
	v62 =	vsel vm6, v22, v20;
	v63 =	vsel vm6, v18, v17  }
0x31b: {  	v39 =	vmin.f32 v32, $9.999989860e-01;
	v35 =	vsel vm6, v61, v60;
	v42 =	vsel vm5, v62, v63  }
0x31c: {  	vm8 =	vlt.f32 v11, v39;
	v43 =	vor.u32 $0x40, v35;
	vm7 =	vlt.f32 v42, v37  }
0x31d: {  	v45 =	vsel vm8, v14, v12;
	v46 =	vsel vm8, $0x100, v1;
	v32 =	vsel vm7, v43, v35  }
0x31e: {  	vm9 =	vlt.f32 v33, v34;
	vm10 =	vlt.f32 v45, v39;
	v35 =	vor.u32 v2, v32  }
0x31f: {  	v47 =	vor.u32 $0x80, v46;
	v48 =	vsel vm10, v16, v15;
	v49 =	vsel vm10, v13, v10  }
0x320: {  	v30 =	vsel vm9, v44, v30;
	v33 =	vsel vm10, v47, v46;
	v51 =	vsel vm8, v48, v49  }
0x321: {  	v50 =	vadd.s32 v3, v30;
	v52 =	vor.u32 $0x40, v33;
	vm11 =	vlt.f32 v51, v39  }
0x322: {  	v33 =	vsel vm11, v52, v33  }
0x323: {  	v53 =	vor.u32 v5, v33;
	v35 =	vld.idx.msk [tilespmem:v35+s11+$0x0], $0xffff  }
0x324: {  	v36 =	vld.idx.msk [tilespmem:v36+s11+$0x0], $0xffff;
	_ =	sdelay $0x1  }
0x325: {  	v54 =	vld.idx.msk [tilespmem:v50+s11+$0x0], $0xffff;
	_ =	sdelay $0x1  }
0x326: {  	v55 =	vor.u32 $0x20, v32;
	v57 =	vld.idx.msk [tilespmem:v53+s11+$0x0], $0xffff;
	vm12 =	vlt.f32 v35, v37  }
0x327: {  	v56 =	vadd.s32 $0x10, v31;
	vm13 =	vlt.f32 v36, v29;
	v32 =	vsel vm12, v55, v32  }
0x328: {  	v31 =	vsel vm13, v56, v31;
	v58 =	vadd.s32 v3, v32  }
0x329: {  	v60 =	vadd.s32 $0x10, v30;
	v61 =	vadd.s32 v6, v31;
	vm14 =	vlt.f32 v54, v34  }
0x32a: {  	v59 =	vadd.s32 v4, v31;
	v41 =	vsel vm14, v60, v30  }
0x32b: {  	v51 =	vor.u32 $0x20, v33;
	v62 =	vadd.s32 v0, v41;
	vm15 =	vlt.f32 v57, v39  }
0x32c: {  	v63 =	vadd.s32 v3, v41;
	v33 =	vsel vm15, v51, v33  }
0x32d: {  	v52 =	vadd.s32 v6, v33;
	v35 =	vld.idx.msk [tilespmem:v58+s11+$0x0], $0xffff  }
0x32e: {  	v53 =	vld.idx.msk [tilespmem:v61+s11+$0x0], $0xffff  }
0x32f: {  	v30 =	vld.idx.msk [tilespmem:v59+s11+$0x0], $0xffff  }
0x330: {  	v40 =	vld.idx.msk [tilespmem:v62+s11+$0x0], $0xffff  }
0x331: {  	v54 =	vld.idx.msk [tilespmem:v63+s11+$0x0], $0xffff  }
0x332: {  	v55 =	vadd.s32 $0x10, v32;
	v36 =	vld.idx.msk [tilespmem:v52+s11+$0x0], $0xffff;
	vm4 =	vlt.f32 v35, v37  }
0x333: {  	v35 =	vsel vm4, v55, v32  }
0x334: {  	v45 =	vadd.s32 v0, v35  }
0x335: {  	v38 =	vadd.s32 v3, v35  }
0x336: {  	v32 =	vsub.f32 v53, v30  }
0x337: {  	v56 =	vadd.s32 $0x10, v33;
	v44 =	vsub.f32 v54, v40;
	vm5 =	vlt.f32 v36, v39  }
0x338: {  	(erf) = vrcp.f32 v32;
	v46 =	vsel vm5, v56, v33  }
0x339: {  	v57 =	vadd.s32 v4, v41;
	(erf) = vrcp.f32 v44;
	v59 =	vadd.s32 v4, v46;
	v41 =	vld.idx.msk [tilespmem:v45+s11+$0x0], $0xffff  }
0x33a: {  	v60 =	vadd.s32 v6, v46;
	v58 =	vld.idx.msk [tilespmem:v38+s11+$0x0], $0xffff;
	_ =	sdelay $0x2  }
0x33b: {  	v42 =	vld.idx.msk [tilespmem:v62+s12+$0x0], $0xffff  }
0x33c: {  	v47 =	vld.idx.msk [tilespmem:v59+s11+$0x0], $0xffff  }
0x33d: {  	v48 =	vld.idx.msk [tilespmem:v60+s11+$0x0], $0xffff;
	v61 =	vsub.f32 v58, v41  }
0x33e: {  	v43 =	vld.idx.msk [tilespmem:v63+s12+$0x0], $0xffff  }
0x33f: {  	v36 =	vld.idx.msk [tilespmem:v57+s12+$0x0], $0xffff;
	v33 =	vpop (erf);
	(erf) = vrcp.f32 v61  }
0x340: {  	v35 =	vadd.s32 v4, v35;
	v62 =	vpop (erf)  }
0x341: {  	v44 =	vmul.f32 v62, v44  }
0x342: {  	v48 =	vsub.f32 v48, v47  }
0x343: {  	v63 =	vadd.f32 v43, v42;
	v52 =	vmul.f32 $3.000000000e+00, v42;
	v45 =	vld.idx.msk [tilespmem:v45+s12+$0x0], $0xffff;
	v44 =	vsub.f32 $2.000000000e+00, v44  }
0x344: {  	v34 =	vsub.f32 v34, v40;
	v38 =	vld.idx.msk [tilespmem:v38+s12+$0x0], $0xffff;
	v36 =	vmul.f32 $4.000000000e+00, v36;
	(erf) = vrcp.f32 v48  }
0x345: {  	v56 =	vadd.f32 v63, v63;
	v35 =	vld.idx.msk [tilespmem:v35+s12+$0x0], $0xffff;
	v59 =	vadd.s32 v8, v46;
	v44 =	vmul.f32 v44, v62  }
0x346: {  	v57 =	vsub.f32 v36, v52;
	v58 =	vadd.s32 v7, v46  }
0x347: {  	v36 =	vsub.f32 v56, v36;
	v46 =	vadd.s32 v9, v46;
	v34 =	vmul.f32 v44, v34  }
0x348: {  	v60 =	vpop (erf)  }
0x349: {  	v43 =	vsub.f32 v57, v43;
	v36 =	vmul.f32 v34, v36;
	v49 =	vmul.f32 v60, v61  }
0x34a: {  	v35 =	vmul.f32 $4.000000000e+00, v35;
	v40 =	vld.idx.msk [tilespmem:v59+s12+$0x0], $0xffff;
	v62 =	vadd.f32 v38, v45  }
0x34b: {  	v63 =	vmul.f32 $3.000000000e+00, v45;
	v36 =	vadd.f32 v36, v43;
	v61 =	vsub.f32 $2.000000000e+00, v49;
	v49 =	vld.idx.msk [tilespmem:v58+s12+$0x0], $0xffff  }
0x34c: {  	v37 =	vsub.f32 v37, v41;
	v53 =	vld.idx.msk [tilespmem:v46+s12+$0x0], $0xffff  }
0x34d: {  	v55 =	vsub.f32 v35, v63;
	v54 =	vadd.f32 v62, v62;
	v36 =	vmul.f32 v36, v34;
	v56 =	vpop (erf)  }
0x34e: {  	v39 =	vsub.f32 v39, v47;
	v57 =	vmul.f32 v56, v48;
	v43 =	vmul.f32 v61, v60  }
0x34f: {  	v35 =	vsub.f32 v54, v35;
	v36 =	vadd.f32 v36, v42  }
0x350: {  	v42 =	vsub.f32 $2.000000000e+00, v57;
	v37 =	vmul.f32 v43, v37;
	v58 =	vadd.f32 v40, v49  }
0x351: {  	v38 =	vsub.f32 v55, v38;
	v41 =	vmul.f32 $4.000000000e+00, v53;
	v59 =	vmul.f32 $3.000000000e+00, v49  }
0x352: {  	v42 =	vmul.f32 v42, v56;
	v35 =	vmul.f32 v37, v35;
	v43 =	vadd.f32 v58, v58  }
0x353: {  	[tilespmem:s29+$0x0] =	vst v34;
	v62 =	vsub.f32 v41, v59  }
0x354: {  	[tilespmem:s28+$0x0] =	vst v36;
	v61 =	vmul.f32 v42, v39;
	v60 =	vadd.f32 v35, v38;
	v63 =	vsub.f32 v43, v41  }
0x355: {  	v42 =	vld [tilespmem:s23+$0x10]  }
0x356: {  	v36 =	vsub.f32 v62, v40;
	v34 =	vmul.f32 v60, v37;
	v38 =	vmul.f32 v61, v63;
	_ =	sdelay $0x1  }
0x357: {  	v34 =	vadd.f32 v34, v45;
	v36 =	vadd.f32 v38, v36  }
0x358: {  	[tilespmem:s21+$0x20] =	vst v37  }
0x359: {  	v43 =	vmax.f32 v42, $9.999999970e-07;
	[tilespmem:s22+$0x20] =	vst v34;
	v44 =	vmul.f32 v36, v61  }
0x35a: {  	v37 =	vmin.f32 v43, $9.999989860e-01;
	v45 =	vld [tilespmem:s24+$0x30]  }
0x35b: {  	vm6 =	vlt.f32 v11, v37;
	v34 =	vadd.f32 v44, v49  }
0x35c: {  	[tilespmem:s31+$0xFFFFFFF0] =	vst v61;
	v46 =	vsel vm6, v14, v12  }
0x35d: {  	v47 =	vsel vm6, $0x100, v1;
	vm7 =	vlt.f32 v46, v37;
	[tilespmem:s0+$0xFFFFFFF0] =	vst v34  }
0x35e: {  	v48 =	vor.u32 $0x80, v47;
	v38 =	vsel vm7, v16, v15;
	v49 =	vsel vm7, v13, v10;
	v50 =	vld [tilespmem:s26+$0x0]  }
0x35f: {  	v35 =	vsel vm7, v48, v47;
	v51 =	vsel vm6, v38, v49;
	v36 =	vmax.f32 v45, $9.999999970e-07  }
0x360: {  	v52 =	vor.u32 $0x40, v35;
	vm0 =	vlt.f32 v51, v37;
	v34 =	vmin.f32 v36, $9.999989860e-01  }
0x361: {  	v35 =	vsel vm0, v52, v35;
	vm8 =	vlt.f32 v11, v34  }
0x362: {  	v53 =	vor.u32 v5, v35;
	v54 =	vsel vm8, v14, v12  }
0x363: {  	v55 =	vsel vm8, $0x100, v1;
	vm9 =	vlt.f32 v54, v34;
	v56 =	vmax.f32 v50, $9.999999970e-07  }
0x364: {  	v59 =	vor.u32 $0x80, v55;
	v57 =	vsel vm9, v16, v15;
	v42 =	vmin.f32 v56, $9.999989860e-01  }
0x365: {  	v58 =	vsel vm9, v13, v10;
	v38 =	vsel vm9, v59, v55;
	vm10 =	vlt.f32 v21, v42  }
0x366: {  	v40 =	vsel vm8, v57, v58;
	v61 =	vor.u32 $0x40, v38;
	v60 =	vsel vm10, v23, v19  }
0x367: {  	vm11 =	vlt.f32 v40, v34;
	v62 =	vsel vm10, $0x100, v1;
	vm12 =	vlt.f32 v60, v42  }
0x368: {  	v63 =	vor.u32 $0x80, v62;
	v48 =	vsel vm12, v22, v20;
	v49 =	vsel vm12, v18, v17  }
0x369: {  	v38 =	vsel vm11, v61, v38;
	v39 =	vsel vm12, v63, v62;
	v50 =	vsel vm10, v48, v49  }
0x36a: {  	v51 =	vor.u32 v5, v38;
	v52 =	vor.u32 $0x40, v39;
	vm0 =	vlt.f32 v50, v42  }
0x36b: {  	v39 =	vsel vm0, v52, v39  }
0x36c: {  	v36 =	vld.idx.msk [tilespmem:v53+s11+$0x0], $0xffff;
	v40 =	vor.u32 v2, v39;
	_ =	sdelay $0x2  }
0x36d: {  	v54 =	vld.idx.msk [tilespmem:v51+s11+$0x0], $0xffff;
	_ =	sdelay $0x1  }
0x36e: {  	v53 =	vor.u32 $0x20, v35;
	vm13 =	vlt.f32 v36, v37;
	v40 =	vld.idx.msk [tilespmem:v40+s11+$0x0], $0xffff  }
0x36f: {  	v35 =	vsel vm13, v53, v35  }
0x370: {  	v55 =	vadd.s32 v6, v35  }
0x371: {  	v56 =	vor.u32 $0x20, v38;
	vm14 =	vlt.f32 v54, v34  }
0x372: {  	v36 =	vsel vm14, v56, v38  }
0x373: {  	v59 =	vor.u32 $0x20, v39;
	v58 =	vadd.s32 v6, v36;
	vm15 =	vlt.f32 v40, v42  }
0x374: {  	v39 =	vsel vm15, v59, v39  }
0x375: {  	v57 =	vld.idx.msk [tilespmem:v55+s11+$0x0], $0xffff;
	v60 =	vadd.s32 v3, v39;
	_ =	sdelay $0x2  }
0x376: {  	v62 =	vld.idx.msk [tilespmem:v58+s11+$0x0], $0xffff;
	_ =	sdelay $0x1  }
0x377: {  	v61 =	vadd.s32 $0x10, v35;
	vm4 =	vlt.f32 v57, v37;
	v40 =	vld.idx.msk [tilespmem:v60+s11+$0x0], $0xffff  }
0x378: {  	v63 =	vsel vm4, v61, v35  }
0x379: {  	v35 =	vadd.s32 v4, v63  }
0x37a: {  	v52 =	vadd.s32 $0x10, v36;
	v43 =	vadd.s32 v6, v63;
	vm5 =	vlt.f32 v62, v34  }
0x37b: {  	v38 =	vsel vm5, v52, v36  }
0x37c: {  	v54 =	vadd.s32 $0x10, v39;
	v53 =	vadd.s32 v4, v38;
	vm6 =	vlt.f32 v40, v42  }
0x37d: {  	v56 =	vadd.s32 v6, v38;
	v39 =	vsel vm6, v54, v39  }
0x37e: {  	v44 =	vld.idx.msk [tilespmem:v35+s11+$0x0], $0xffff;
	v57 =	vadd.s32 v0, v39  }
0x37f: {  	v55 =	vld.idx.msk [tilespmem:v43+s11+$0x0], $0xffff;
	v46 =	vadd.s32 v3, v39;
	_ =	sdelay $0x1  }
0x380: {  	v35 =	vld.idx.msk [tilespmem:v53+s11+$0x0], $0xffff  }
0x381: {  	v58 =	vld.idx.msk [tilespmem:v56+s11+$0x0], $0xffff  }
0x382: {  	v43 =	vld.idx.msk [tilespmem:v57+s11+$0x0], $0xffff  }
0x383: {  	v40 =	vsub.f32 v55, v44;
	v59 =	vld.idx.msk [tilespmem:v46+s11+$0x0], $0xffff;
	_ =	sdelay $0x1  }
0x384: {  	(erf) = vrcp.f32 v40  }
0x385: {  	v61 =	vadd.s32 v8, v63  }
0x386: {  	v60 =	vadd.s32 v7, v63;
	v36 =	vsub.f32 v58, v35  }
0x387: {  	v41 =	vadd.s32 v9, v63;
	v47 =	vsub.f32 v59, v43  }
0x388: {  	(erf) = vrcp.f32 v36  }
0x389: {  	(erf) = vrcp.f32 v47  }
0x38a: {  	v49 =	vld.idx.msk [tilespmem:v61+s12+$0x0], $0xffff  }
0x38b: {  	v48 =	vld.idx.msk [tilespmem:v60+s12+$0x0], $0xffff;
	v39 =	vadd.s32 v4, v39  }
0x38c: {  	v41 =	vld.idx.msk [tilespmem:v41+s12+$0x0], $0xffff  }
0x38d: {  	v62 =	vpop (erf)  }
0x38e: {  	v45 =	vld.idx.msk [tilespmem:v57+s12+$0x0], $0xffff;
	v40 =	vmul.f32 v62, v40  }
0x38f: {  	v46 =	vld.idx.msk [tilespmem:v46+s12+$0x0], $0xffff  }
0x390: {  	v63 =	vadd.f32 v49, v48;
	v39 =	vld.idx.msk [tilespmem:v39+s12+$0x0], $0xffff;
	v40 =	vsub.f32 $2.000000000e+00, v40  }
0x391: {  	v41 =	vmul.f32 $4.000000000e+00, v41;
	v44 =	vsub.f32 v37, v44;
	v37 =	vpop (erf)  }
0x392: {  	v56 =	vmul.f32 $3.000000000e+00, v48;
	v57 =	vadd.f32 v63, v63;
	v40 =	vmul.f32 v40, v62;
	v59 =	vpop (erf)  }
0x393: {  	v47 =	vmul.f32 v59, v47  }
0x394: {  	v58 =	vsub.f32 v41, v56;
	v41 =	vsub.f32 v57, v41;
	v40 =	vmul.f32 v40, v44  }
0x395: {  	v60 =	vadd.f32 v46, v45;
	v39 =	vmul.f32 $4.000000000e+00, v39;
	v47 =	vsub.f32 $2.000000000e+00, v47  }
0x396: {  	v49 =	vsub.f32 v58, v49;
	v61 =	vmul.f32 $3.000000000e+00, v45;
	v41 =	vmul.f32 v40, v41  }
0x397: {  	v42 =	vsub.f32 v42, v43;
	v62 =	vadd.f32 v60, v60;
	v44 =	vmul.f32 v47, v59  }
0x398: {  	v41 =	vadd.f32 v41, v49  }
0x399: {  	v63 =	vsub.f32 v39, v61;
	v39 =	vsub.f32 v62, v39;
	v42 =	vmul.f32 v44, v42  }
0x39a: {  	v41 =	vmul.f32 v41, v40  }
0x39b: {  	v47 =	vsub.f32 v63, v46;
	v39 =	vmul.f32 v42, v39  }
0x39c: {  	v41 =	vadd.f32 v41, v48  }
0x39d: {  	[tilespmem:s29+$0x10] =	vst v40;
	v39 =	vadd.f32 v39, v47  }
0x39e: {  	[tilespmem:s28+$0x10] =	vst v41  }
0x39f: {  	v40 =	vld [tilespmem:s23+$0x20];
	v39 =	vmul.f32 v39, v42;
	_ =	sdelay $0x1  }
0x3a0: {  	v39 =	vadd.f32 v39, v45  }
0x3a1: {  	[tilespmem:s31+$0x0] =	vst v42  }
0x3a2: {  	[tilespmem:s0+$0x0] =	vst v39  }
0x3a3: {  	v40 =	vmax.f32 v40, $9.999999970e-07;
	v48 =	vld [tilespmem:s26+$0x10]  }
0x3a4: {  	v39 =	vmin.f32 v40, $9.999989860e-01  }
0x3a5: {  	vm7 =	vlt.f32 v21, v39  }
0x3a6: {  	v49 =	vsel vm7, v23, v19;
	v50 =	vsel vm7, $0x100, v1  }
0x3a7: {  	vm8 =	vlt.f32 v49, v39;
	v51 =	vor.u32 $0x80, v50  }
0x3a8: {  	v52 =	vsel vm8, v22, v20;
	v53 =	vsel vm8, v18, v17;
	v40 =	vmax.f32 v48, $9.999999970e-07  }
0x3a9: {  	v41 =	vsel vm8, v51, v50;
	v54 =	vsel vm7, v52, v53;
	v40 =	vmin.f32 v40, $9.999989860e-01  }
0x3aa: {  	v55 =	vor.u32 $0x40, v41;
	vm0 =	vlt.f32 v54, v39;
	vm9 =	vlt.f32 v11, v40  }
0x3ab: {  	v41 =	vsel vm0, v55, v41;
	v56 =	vsel vm9, v14, v12  }
0x3ac: {  	v42 =	vor.u32 v2, v41;
	v57 =	vsel vm9, $0x100, v1;
	vm10 =	vlt.f32 v56, v40  }
0x3ad: {  	v58 =	vor.u32 $0x80, v57;
	v59 =	vsel vm10, v16, v15;
	v60 =	vsel vm10, v13, v10  }
0x3ae: {  	v43 =	vsel vm10, v58, v57;
	v61 =	vsel vm9, v59, v60  }
0x3af: {  	v62 =	vor.u32 $0x40, v43;
	vm0 =	vlt.f32 v61, v40  }
0x3b0: {  	v43 =	vsel vm0, v62, v43  }
0x3b1: {  	v44 =	vor.u32 v5, v43  }
0x3b2: {  	v42 =	vld.idx.msk [tilespmem:v42+s11+$0x0], $0xffff;
	_ =	sdelay $0x3  }
0x3b3: {  	v48 =	vld.idx.msk [tilespmem:v44+s11+$0x0], $0xffff  }
0x3b4: {  	v63 =	vor.u32 $0x20, v41;
	vm11 =	vlt.f32 v42, v39  }
0x3b5: {  	v41 =	vsel vm11, v63, v41  }
0x3b6: {  	v49 =	vadd.s32 v3, v41;
	_ =	sdelay $0x1  }
0x3b7: {  	v50 =	vor.u32 $0x20, v43;
	vm12 =	vlt.f32 v48, v40  }
0x3b8: {  	v43 =	vsel vm12, v50, v43  }
0x3b9: {  	v52 =	vadd.s32 v6, v43  }
0x3ba: {  	v51 =	vld.idx.msk [tilespmem:v49+s11+$0x0], $0xffff;
	_ =	sdelay $0x3  }
0x3bb: {  	v54 =	vld.idx.msk [tilespmem:v52+s11+$0x0], $0xffff  }
0x3bc: {  	v53 =	vadd.s32 $0x10, v41;
	vm13 =	vlt.f32 v51, v39  }
0x3bd: {  	v41 =	vsel vm13, v53, v41  }
0x3be: {  	v55 =	vadd.s32 v0, v41  }
0x3bf: {  	v45 =	vadd.s32 v3, v41  }
0x3c0: {  	v56 =	vadd.s32 $0x10, v43;
	vm14 =	vlt.f32 v54, v40  }
0x3c1: {  	v43 =	vsel vm14, v56, v43  }
0x3c2: {  	v59 =	vadd.s32 v4, v43  }
0x3c3: {  	v57 =	vld.idx.msk [tilespmem:v55+s11+$0x0], $0xffff;
	v60 =	vadd.s32 v6, v43  }
0x3c4: {  	v58 =	vld.idx.msk [tilespmem:v45+s11+$0x0], $0xffff;
	_ =	sdelay $0x2  }
0x3c5: {  	v47 =	vld.idx.msk [tilespmem:v59+s11+$0x0], $0xffff  }
0x3c6: {  	v48 =	vld.idx.msk [tilespmem:v60+s11+$0x0], $0xffff  }
0x3c7: {  	v46 =	vsub.f32 v58, v57;
	_ =	sdelay $0x1  }
0x3c8: {  	(erf) = vrcp.f32 v46  }
0x3c9: {  	v41 =	vadd.s32 v4, v41  }
0x3ca: {  	v48 =	vsub.f32 v48, v47  }
0x3cb: {  	v44 =	vld.idx.msk [tilespmem:v55+s12+$0x0], $0xffff  }
0x3cc: {  	v45 =	vld.idx.msk [tilespmem:v45+s12+$0x0], $0xffff;
	(erf) = vrcp.f32 v48  }
0x3cd: {  	v61 =	vadd.s32 v7, v43  }
0x3ce: {  	v41 =	vld.idx.msk [tilespmem:v41+s12+$0x0], $0xffff;
	v62 =	vadd.s32 v8, v43  }
0x3cf: {  	v43 =	vadd.s32 v9, v43;
	_ =	sdelay $0x1  }
0x3d0: {  	v56 =	vadd.f32 v45, v44;
	v63 =	vpop (erf)  }
0x3d1: {  	v39 =	vsub.f32 v39, v57;
	v49 =	vld.idx.msk [tilespmem:v61+s12+$0x0], $0xffff;
	v46 =	vmul.f32 v63, v46  }
0x3d2: {  	v41 =	vmul.f32 $4.000000000e+00, v41;
	v57 =	vld.idx.msk [tilespmem:v62+s12+$0x0], $0xffff;
	v58 =	vadd.f32 v56, v56;
	v59 =	vmul.f32 $3.000000000e+00, v44  }
0x3d3: {  	v43 =	vld.idx.msk [tilespmem:v43+s12+$0x0], $0xffff;
	v46 =	vsub.f32 $2.000000000e+00, v46  }
0x3d4: {  	v61 =	vsub.f32 v58, v41;
	v41 =	vsub.f32 v41, v59;
	v60 =	vpop (erf)  }
0x3d5: {  	v46 =	vmul.f32 v46, v63;
	v48 =	vmul.f32 v60, v48  }
0x3d6: {  	v41 =	vsub.f32 v41, v45  }
0x3d7: {  	v62 =	vadd.f32 v57, v49;
	v39 =	vmul.f32 v46, v39;
	v48 =	vsub.f32 $2.000000000e+00, v48  }
0x3d8: {  	v43 =	vmul.f32 $4.000000000e+00, v43;
	v40 =	vsub.f32 v40, v47;
	v63 =	vmul.f32 $3.000000000e+00, v49  }
0x3d9: {  	v52 =	vadd.f32 v62, v62;
	v46 =	vmul.f32 v39, v61;
	v48 =	vmul.f32 v48, v60  }
0x3da: {  	v45 =	vsub.f32 v43, v63  }
0x3db: {  	v43 =	vsub.f32 v52, v43;
	v41 =	vadd.f32 v46, v41;
	v40 =	vmul.f32 v48, v40;
	_ =	sdelay $0x1  }
0x3dc: {  	v42 =	vsub.f32 v45, v57;
	v41 =	vmul.f32 v41, v39;
	v43 =	vmul.f32 v40, v43;
	_ =	sdelay $0x1  }
0x3dd: {  	v41 =	vadd.f32 v41, v44;
	v42 =	vadd.f32 v43, v42  }
0x3de: {  	[tilespmem:s29+$0x20] =	vst v39  }
0x3df: {  	[tilespmem:s28+$0x20] =	vst v41;
	v53 =	vmul.f32 v42, v40  }
0x3e0: {  	v41 =	vld [tilespmem:s23+$0x30]  }
0x3e1: {  	v39 =	vadd.f32 v53, v49  }
0x3e2: {  	[tilespmem:s31+$0x10] =	vst v40  }
0x3e3: {  	[tilespmem:s0+$0x10] =	vst v39  }
0x3e4: {  	v40 =	vld [tilespmem:s26+$0x20]  }
0x3e5: {  	v54 =	vmax.f32 v41, $9.999999970e-07  }
0x3e6: {  	v39 =	vmin.f32 v54, $9.999989860e-01  }
0x3e7: {  	vm15 =	vlt.f32 v11, v39  }
0x3e8: {  	v55 =	vsel vm15, v14, v12  }
0x3e9: {  	v56 =	vsel vm15, $0x100, v1;
	vm4 =	vlt.f32 v55, v39;
	v40 =	vmax.f32 v40, $9.999999970e-07  }
0x3ea: {  	v58 =	vor.u32 $0x80, v56;
	v41 =	vsel vm4, v16, v15;
	v40 =	vmin.f32 v40, $9.999989860e-01  }
0x3eb: {  	v57 =	vsel vm4, v13, v10;
	v59 =	vsel vm4, v58, v56;
	vm5 =	vlt.f32 v21, v40  }
0x3ec: {  	v41 =	vsel vm15, v41, v57;
	v61 =	vor.u32 $0x40, v59;
	v60 =	vsel vm5, v23, v19  }
0x3ed: {  	vm6 =	vlt.f32 v41, v39;
	v62 =	vsel vm5, $0x100, v1;
	vm7 =	vlt.f32 v60, v40  }
0x3ee: {  	v63 =	vor.u32 $0x80, v62;
	v42 =	vsel vm7, v22, v20;
	v43 =	vsel vm7, v18, v17  }
0x3ef: {  	v44 =	vsel vm6, v61, v59;
	v19 =	vsel vm7, v63, v62;
	v17 =	vsel vm5, v42, v43  }
0x3f0: {  	v45 =	vor.u32 v5, v44;
	v46 =	vor.u32 $0x40, v19;
	vm0 =	vlt.f32 v17, v40  }
0x3f1: {  	v17 =	vsel vm0, v46, v19  }
0x3f2: {  	v19 =	vor.u32 v2, v17;
	_ =	sdelay $0x2  }
0x3f3: {  	v20 =	vld.idx.msk [tilespmem:v45+s11+$0x0], $0xffff;
	_ =	sdelay $0x1  }
0x3f4: {  	v19 =	vld.idx.msk [tilespmem:v19+s11+$0x0], $0xffff;
	_ =	sdelay $0x2  }
0x3f5: {  	v21 =	vor.u32 $0x20, v44;
	vm8 =	vlt.f32 v20, v39  }
0x3f6: {  	v18 =	vsel vm8, v21, v44  }
0x3f7: {  	v48 =	vor.u32 $0x20, v17;
	v47 =	vadd.s32 v6, v18;
	vm9 =	vlt.f32 v19, v40  }
0x3f8: {  	v17 =	vsel vm9, v48, v17  }
0x3f9: {  	v49 =	vadd.s32 v3, v17;
	_ =	sdelay $0x2  }
0x3fa: {  	v20 =	vld.idx.msk [tilespmem:v47+s11+$0x0], $0xffff;
	_ =	sdelay $0x1  }
0x3fb: {  	v19 =	vld.idx.msk [tilespmem:v49+s11+$0x0], $0xffff;
	_ =	sdelay $0x2  }
0x3fc: {  	v50 =	vadd.s32 $0x10, v18;
	vm10 =	vlt.f32 v20, v39  }
0x3fd: {  	v20 =	vsel vm10, v50, v18  }
0x3fe: {  	v51 =	vadd.s32 $0x10, v17;
	v52 =	vadd.s32 v6, v20;
	vm11 =	vlt.f32 v19, v40  }
0x3ff: {  	v18 =	vadd.s32 v4, v20;
	v21 =	vsel vm11, v51, v17  }
0x400: {  	v53 =	vadd.s32 v0, v21  }
0x401: {  	v54 =	vadd.s32 v3, v21;
	_ =	sdelay $0x1  }
0x402: {  	v55 =	vld.idx.msk [tilespmem:v52+s11+$0x0], $0xffff  }
0x403: {  	v17 =	vld.idx.msk [tilespmem:v18+s11+$0x0], $0xffff  }
0x404: {  	v56 =	vld.idx.msk [tilespmem:v53+s11+$0x0], $0xffff  }
0x405: {  	v57 =	vld.idx.msk [tilespmem:v54+s11+$0x0], $0xffff;
	_ =	sdelay $0x3  }
0x406: {  	v42 =	vsub.f32 v55, v17  }
0x407: {  	v41 =	vsub.f32 v57, v56  }
0x408: {  	(erf) = vrcp.f32 v42  }
0x409: {  	(erf) = vrcp.f32 v41;
	_ =	sdelay $0x2  }
0x40a: {  	v21 =	vadd.s32 v4, v21;
	_ =	sdelay $0x2  }
0x40b: {  	v22 =	vld.idx.msk [tilespmem:v53+s12+$0x0], $0xffff  }
0x40c: {  	v23 =	vld.idx.msk [tilespmem:v54+s12+$0x0], $0xffff  }
0x40d: {  	v21 =	vld.idx.msk [tilespmem:v21+s12+$0x0], $0xffff;
	v18 =	vpop (erf)  }
0x40e: {  	v58 =	vpop (erf)  }
0x40f: {  	v41 =	vmul.f32 v58, v41;
	_ =	sdelay $0x1  }
0x410: {  	v59 =	vadd.f32 v23, v22;
	v41 =	vsub.f32 $2.000000000e+00, v41  }
0x411: {  	v19 =	vsub.f32 v40, v56;
	v21 =	vmul.f32 $4.000000000e+00, v21  }
0x412: {  	v61 =	vmul.f32 $3.000000000e+00, v22;
	v62 =	vadd.f32 v59, v59;
	v60 =	vmul.f32 v41, v58;
	_ =	sdelay $0x1  }
0x413: {  	v63 =	vsub.f32 v21, v61;
	v21 =	vsub.f32 v62, v21;
	v19 =	vmul.f32 v60, v19;
	_ =	sdelay $0x1  }
0x414: {  	v23 =	vsub.f32 v63, v23;
	v21 =	vmul.f32 v19, v21;
	_ =	sdelay $0x1  }
0x415: {  	v21 =	vadd.f32 v21, v23;
	_ =	sdelay $0x1  }
0x416: {  	v21 =	vmul.f32 v21, v19;
	_ =	sdelay $0x1  }
0x417: {  	v21 =	vadd.f32 v21, v22  }
0x418: {  	[tilespmem:s31+$0x20] =	vst v19  }
0x419: {  	[tilespmem:s0+$0x20] =	vst v21  }
0x41a: {  	v19 =	vld [tilespmem:s26+$0x30];
	_ =	sdelay $0x4  }
0x41b: {  	v19 =	vmax.f32 v19, $9.999999970e-07  }
0x41c: {  	v19 =	vmin.f32 v19, $9.999989860e-01  }
0x41d: {  	vm12 =	vlt.f32 v11, v19  }
0x41e: {  	v11 =	vsel vm12, v14, v12  }
0x41f: {  	v21 =	vsel vm12, $0x100, v1;
	vm13 =	vlt.f32 v11, v19  }
0x420: {  	v11 =	vor.u32 $0x80, v21;
	v22 =	vsel vm13, v16, v15;
	v10 =	vsel vm13, v13, v10  }
0x421: {  	v11 =	vsel vm13, v11, v21;
	v10 =	vsel vm12, v22, v10  }
0x422: {  	vm0 =	vlt.f32 v10, v19;
	v10 =	vor.u32 $0x40, v11  }
0x423: {  	v10 =	vsel vm0, v10, v11  }
0x424: {  	v11 =	vor.u32 v5, v10;
	_ =	sdelay $0x4  }
0x425: {  	v11 =	vld.idx.msk [tilespmem:v11+s11+$0x0], $0xffff;
	_ =	sdelay $0x4  }
0x426: {  	v23 =	vor.u32 $0x20, v10;
	vm14 =	vlt.f32 v11, v19  }
0x427: {  	v10 =	vsel vm14, v23, v10  }
0x428: {  	v11 =	vadd.s32 v6, v10;
	_ =	sdelay $0x3  }
0x429: {  	v53 =	vadd.s32 v7, v38  }
0x42a: {  	v59 =	vadd.s32 v7, v20;
	v61 =	vadd.s32 v8, v20;
	v20 =	vadd.s32 v9, v20;
	v11 =	vld.idx.msk [tilespmem:v11+s11+$0x0], $0xffff  }
0x42b: {  	v40 =	vadd.s32 v7, v25  }
0x42c: {  	v47 =	vadd.s32 v9, v31;
	_ =	sdelay $0x1  }
0x42d: {  	v57 =	vsub.f32 v29, v30;
	v30 =	vld.idx.msk [tilespmem:v53+s12+$0x0], $0xffff;
	v41 =	vadd.s32 v8, v25  }
0x42e: {  	v44 =	vadd.s32 v7, v31;
	v20 =	vld.idx.msk [tilespmem:v20+s12+$0x0], $0xffff;
	v46 =	vadd.s32 $0x10, v10;
	vm15 =	vlt.f32 v11, v19  }
0x42f: {  	v45 =	vadd.s32 v8, v31;
	v12 =	vld.idx.msk [tilespmem:v40+s12+$0x0], $0xffff;
	v10 =	vsel vm15, v46, v10  }
0x430: {  	v14 =	vld.idx.msk [tilespmem:v47+s12+$0x0], $0xffff;
	v21 =	vadd.s32 v4, v10  }
0x431: {  	v40 =	vld.idx.msk [tilespmem:v59+s12+$0x0], $0xffff;
	v49 =	vadd.s32 v6, v10  }
0x432: {  	v52 =	vmul.f32 v33, v32;
	v13 =	vld.idx.msk [tilespmem:v41+s12+$0x0], $0xffff  }
0x433: {  	v15 =	vld.idx.msk [tilespmem:v44+s12+$0x0], $0xffff  }
0x434: {  	v48 =	vmul.f32 v28, v27;
	v27 =	vsub.f32 $2.000000000e+00, v52;
	v16 =	vld.idx.msk [tilespmem:v45+s12+$0x0], $0xffff  }
0x435: {  	v43 =	vadd.s32 v9, v25;
	v21 =	vld.idx.msk [tilespmem:v21+s11+$0x0], $0xffff  }
0x436: {  	v24 =	vsub.f32 v24, v26;
	v27 =	vmul.f32 v27, v33;
	v55 =	vadd.s32 v9, v38;
	v23 =	vld.idx.msk [tilespmem:v49+s11+$0x0], $0xffff  }
0x437: {  	v54 =	vadd.s32 v8, v38;
	v38 =	vmul.f32 v37, v36;
	v22 =	vsub.f32 $2.000000000e+00, v48  }
0x438: {  	v17 =	vsub.f32 v39, v17;
	v20 =	vmul.f32 $4.000000000e+00, v20;
	v44 =	vmul.f32 $3.000000000e+00, v30  }
0x439: {  	v45 =	vsub.f32 v34, v35;
	v51 =	vmul.f32 $3.000000000e+00, v12;
	v22 =	vmul.f32 v22, v28;
	v28 =	vld.idx.msk [tilespmem:v61+s12+$0x0], $0xffff  }
0x43a: {  	v14 =	vmul.f32 $4.000000000e+00, v14;
	v50 =	vadd.f32 v13, v12;
	v56 =	vadd.f32 v16, v15;
	v11 =	vld.idx.msk [tilespmem:v43+s12+$0x0], $0xffff  }
0x43b: {  	v62 =	vld.idx.msk [tilespmem:v55+s12+$0x0], $0xffff;
	v53 =	vmul.f32 $3.000000000e+00, v40;
	v58 =	vmul.f32 $3.000000000e+00, v15;
	v23 =	vsub.f32 v23, v21  }
0x43c: {  	v22 =	vmul.f32 v22, v24;
	v25 =	vadd.f32 v50, v50;
	v24 =	vadd.f32 v56, v56  }
0x43d: {  	v29 =	vsub.f32 v14, v58;
	v41 =	vadd.s32 v8, v10;
	(erf) = vrcp.f32 v23  }
0x43e: {  	v52 =	vadd.f32 v28, v40;
	v63 =	vadd.s32 v7, v10;
	v10 =	vadd.s32 v9, v10  }
0x43f: {  	v60 =	vld.idx.msk [tilespmem:v54+s12+$0x0], $0xffff;
	v56 =	vsub.f32 v20, v53;
	v14 =	vsub.f32 v24, v14;
	v11 =	vmul.f32 $4.000000000e+00, v11  }
0x440: {  	v16 =	vsub.f32 v29, v16;
	v24 =	vmul.f32 $4.000000000e+00, v62;
	v55 =	vadd.f32 v52, v52  }
0x441: {  	v46 =	vmul.f32 v18, v42;
	v26 =	vsub.f32 v11, v51;
	v11 =	vsub.f32 v25, v11  }
0x442: {  	v32 =	vsub.f32 v24, v44;
	v20 =	vsub.f32 v55, v20;
	v25 =	vmul.f32 v27, v57;
	v49 =	vld.idx.msk [tilespmem:v41+s12+$0x0], $0xffff  }
0x443: {  	v51 =	vsub.f32 $2.000000000e+00, v46;
	v10 =	vld.idx.msk [tilespmem:v10+s12+$0x0], $0xffff;
	v13 =	vsub.f32 v26, v13;
	v11 =	vmul.f32 v22, v11  }
0x444: {  	v50 =	vsub.f32 v32, v60;
	v43 =	vadd.f32 v60, v30;
	v14 =	vmul.f32 v25, v14;
	v26 =	vld.idx.msk [tilespmem:v63+s12+$0x0], $0xffff  }
0x445: {  	v60 =	vsub.f32 v56, v28;
	v18 =	vmul.f32 v51, v18;
	v11 =	vadd.f32 v11, v13  }
0x446: {  	v14 =	vadd.f32 v14, v16;
	v13 =	vsub.f32 $2.000000000e+00, v38;
	v54 =	vpop (erf)  }
0x447: {  	v16 =	vadd.f32 v43, v43;
	v17 =	vmul.f32 v18, v17;
	v23 =	vmul.f32 v54, v23  }
0x448: {  	v19 =	vsub.f32 v19, v21;
	v10 =	vmul.f32 $4.000000000e+00, v10;
	v11 =	vmul.f32 v11, v22  }
0x449: {  	v13 =	vmul.f32 v13, v37;
	v58 =	vadd.f32 v49, v26;
	v57 =	vsub.f32 $2.000000000e+00, v23  }
0x44a: {  	v47 =	vmul.f32 v14, v25;
	v48 =	vsub.f32 v16, v24;
	v59 =	vmul.f32 $3.000000000e+00, v26  }
0x44b: {  	v13 =	vmul.f32 v13, v45;
	v23 =	vadd.f32 v58, v58;
	v18 =	vmul.f32 v57, v54  }
0x44c: {  	v20 =	vmul.f32 v17, v20;
	v11 =	vadd.f32 v11, v12;
	v61 =	vsub.f32 v10, v59  }
0x44d: {  	[tilespmem:s17+$0x30] =	vst v22;
	v14 =	vmul.f32 v13, v48;
	v10 =	vsub.f32 v23, v10;
	v18 =	vmul.f32 v18, v19  }
0x44e: {  	[tilespmem:s18+$0x30] =	vst v11;
	v11 =	vadd.f32 v20, v60  }
0x44f: {  	v62 =	vsub.f32 v61, v49;
	v14 =	vadd.f32 v14, v50;
	v10 =	vmul.f32 v18, v10  }
0x450: {  	[tilespmem:s19+$0x30] =	vst v25;
	v12 =	vadd.f32 v47, v15;
	v11 =	vmul.f32 v11, v17  }
0x451: {  	[tilespmem:s29+$0x30] =	vst v17;
	v14 =	vmul.f32 v14, v13;
	v10 =	vadd.f32 v10, v62  }
0x452: {  	[tilespmem:s20+$0x30] =	vst v12;
	v11 =	vadd.f32 v11, v40  }
0x453: {  	[tilespmem:s21+$0x30] =	vst v13;
	v63 =	vadd.f32 v14, v30;
	v10 =	vmul.f32 v10, v18  }
0x454: {  	[tilespmem:s28+$0x30] =	vst v11  }
0x455: {  	[tilespmem:s22+$0x30] =	vst v63;
	v10 =	vadd.f32 v10, v26  }
0x456: {  	[tilespmem:s31+$0x30] =	vst v18  }
0x457: {  	[tilespmem:s0+$0x30] =	vst v10  }
0x458: {  	[hbm4b:s6+s9] =	stream.strided.scatter [tilespmem:s14], [sflag:$0x1], $0x4000, s10, s9, $0x38;
	[tilespmem:$0xCC40] =	vst v63  }
0x459: {  	s16 =	sadd.s32 $0x1, s16  }
0x45a: {  	[hbm4b:s7+s9] =	stream.strided.scatter [tilespmem:s15], [sflag:$0x1], $0x4000, s10, s9, $0x38;
	[tilespmem:$0xCC40] =	vst v63  }
0x45b: {  	p0 =	sne.s32 s16, s8;
	_ =	swait.ge [sflag:s13], $0x4000  }
.Ltmp1:
0x45c: {  	[sflag:s13] =	ssyncset.done $0x0;
	(pc) =	sbr.rel @p0 .LBB2_1-.Ltmp1, $4  }
0x45d: {  	[sflag:s13] =	ssyncadd.s32 $0xFFFFC000  }
0x45e: {  	_ =	swait.ge [sflag:s13], $0x4000  }
0x45f: {  	[sflag:s13] =	ssyncset.done $0x0  }
0x460: {  	[sflag:s13] =	ssyncadd.s32 $0xFFFFC000  }
0x461: {  	_ =	sfence.sel $0x180000  }
0x462: {  	[bflag:$0x0] =	sbarrier.arrive $0xFFFF  }
0x463: {  	_ =	strace $0x90000047  }
0x464: {  	s0 =	stileid.u32;
	[bflag:$0x2] =	sbarrier.arrive $0xFFFF  }
0x465: {  	p0 =	sne.s32 s0, $0x0;
	s0 =	rddreg [dreg:$0x3]  }
0x466: {  	s0 =	sadd.s32 @!p0 $0x100000, s0  }
0x467: {  	[sflag:s0] =	ssyncadd.tile.s32 @!p0 $0x1;
	_ =	shalt  }
.Lfunc_end2:
_tile_overlayer_lowered:
.L_overlay_start_2:
0x468: {  	(tag) =	ssettag $0x2  }
0x469: {  	s0 =	rddreg [dreg:$0x0];
	s2 =	stileid.u32  }
0x46a: {  	s1 =	rddreg [dreg:$0x1];
	p0 =	sne.s32 s2, $0x0  }
0x46b: {  	s3 =	rddreg [dreg:$0x2];
	[bflag:$0x3] =	sbarrier.arrive $0xFFFF;
	s2 =	simm.s32 @!p0 $0x1C02  }
0x46c: {  	[timem:s3], [sflag:s2] =	dma.local @!p0 [hbm:s0], s1  }
0x46d: {  	s0 =	simm.s32 @!p0 $0x2  }
0x46e: {  	_ =	swait.ge @!p0 [sflag:s0], s1  }
0x46f: {  	s1 =	ssub.s32 @!p0 $0x0, s1;
	[sflag:s0] =	ssyncset.done @!p0 $0x0  }
0x470: {  	[sflag:s0] =	ssyncadd.s32 @!p0 s1  }
0x471: {  	[bflag:$0x3] =	sbarrier.arrive $0xFFFF  }
0x472: {  	_ =	shalt  }

</sc_bundles>
